<compile_context>
chip_gen: v7x
topology: tpu7x:2x2x1
jax: 0.10.2.dev20260603
libtpu: 0.0.44.dev20260713+nightly
codegen_flags: <defaults>
</compile_context>

<pallas_src>
import functools

import jax
import jax.numpy as jnp
from jax import lax
from jax.experimental import pallas as pl
from jax.experimental.pallas import tpu as pltpu
from jax.experimental.pallas import tpu_sc as plsc

_N_ROWS = 1000000
_DIM = 16
_BATCH = 16384
_MOM = 0.5
_NC, _NS, _L = 2, 16, 16
_NW = _NC * _NS
_RPW = _N_ROWS // _NW
_H0 = 16384
_H1MAX = 31256 - _H0
_NGB = _BATCH // _L
_CH = 256
_HCAP = _BATCH + _L
_CBR = 1488
_NCB = 31248 // _CBR


def _bsplat(s):
    return lax.broadcast_in_dim(s, (_L,), ())


def _row_normalize(v):
    s = jnp.sum(v * v)
    sb = _bsplat(s)
    i = plsc.bitcast(sb, jnp.int32)
    i = 0x5F3759DF - lax.shift_right_arithmetic(i, 1)
    y = plsc.bitcast(i, jnp.float32)
    for _ in range(3):
        y = y * (1.5 - 0.5 * sb * y * y)
    norm = sb * y
    return v / (norm + 1e-10)


def _mb_body(feats_hbm, idx_hbm, bank_hbm, out_hbm,
             idxv, wref, hitb, hitrow, tgt,
             fch, och, nch, cb0, cb1,
             sem_ci0, sem_ci1, sem_co0, sem_co1,
             sem_g1, sem_g2, sem_s):
    cid = lax.axis_index("c")
    sid = lax.axis_index("s")
    wid = cid * _NS + sid
    lo = pl.multiple_of((wid * _RPW) // 8 * 8, 8)
    hi = pl.multiple_of(((wid + 1) * _RPW) // 8 * 8, 8)

    iota = lax.iota(jnp.int32, _L)
    neg1 = jnp.full((_L,), -1, jnp.int32)

    pltpu.sync_copy(idx_hbm, idxv)

    def slice_copy():
        bufs = (cb0, cb1)
        isems = (sem_ci0, sem_ci1)
        osems = (sem_co0, sem_co1)
        outs = [None, None]
        ins = [None, None]

        def off(i):
            return pl.multiple_of(lo + i * _CBR, 8)

        ins[0] = pltpu.async_copy(bank_hbm.at[pl.ds(off(0), _CBR)],
                                  cb0, sem_ci0)
        for i in range(_NCB):
            b = i % 2
            if i + 1 < _NCB:
                nb = (i + 1) % 2
                if outs[nb] is not None:
                    outs[nb].wait()
                ins[nb] = pltpu.async_copy(
                    bank_hbm.at[pl.ds(off(i + 1), _CBR)], bufs[nb], isems[nb])
            ins[b].wait()
            outs[b] = pltpu.async_copy(
                bufs[b], out_hbm.at[pl.ds(off(i), _CBR)], osems[b])
        outs[(_NCB - 1) % 2].wait()
        if _NCB >= 2:
            outs[(_NCB - 2) % 2].wait()

        @pl.when(hi - lo > 31248)
        def _tail_copy():
            tl = pl.multiple_of(lo + 31248, 8)
            pltpu.sync_copy(bank_hbm.at[pl.ds(tl, 8)],
                            out_hbm.at[pl.ds(tl, 8)])

    def init_w(_):
        def ib(g, c):
            wref[pl.ds(g * _L, _L)] = neg1
            return c
        lax.fori_loop(0, _H0 // _L, ib, 0)

    def claim_half(hlo, hhi):
        def gb(g, c):
            t = idxv[pl.ds(g * _L, _L)]
            m = (t >= hlo) & (t < hhi)
            local = jnp.where(m, t - hlo, 0)
            bvec = g * _L + iota
            cnt = jnp.sum(jnp.where(m, 1, 0))

            def fast(c):
                plsc.store_scatter(wref, [local], bvec, mask=m)
                return c

            def slow(c):
                for lane in range(_L):
                    ml = m & (iota == lane)
                    plsc.store_scatter(wref, [local], bvec, mask=ml)
                return c

            return lax.cond(
                cnt > 1, slow,
                lambda c: lax.cond(cnt > 0, fast, lambda c: c, c), c)
        lax.fori_loop(0, _NGB, gb, 0)

    def collect_half(hlo, ngroups, cursor):
        def gb(g, cur):
            wv = wref[pl.ds(g * _L, _L)]
            m = wv >= 0
            cnt = jnp.sum(jnp.where(m, 1, 0))
            rowv = hlo + g * _L + iota

            def do(cur):
                plsc.store_compressed(hitb.at[pl.ds(cur, _L)], wv, mask=m)
                plsc.store_compressed(hitrow.at[pl.ds(cur, _L)], rowv, mask=m)
                return cur + cnt

            return lax.cond(cnt > 0, do, lambda c: c, cur)
        return lax.fori_loop(0, ngroups, gb, cursor)

    with jax.named_scope("claim0"):
        init_w(0)
        claim_half(lo, lo + _H0)
        n0 = collect_half(lo, _H0 // _L, 0)
    with jax.named_scope("claim1"):
        init_w(0)
        claim_half(lo + _H0, hi)
        n = collect_half(lo + _H0, (_H1MAX + _L - 1) // _L, n0)

    nchunks = (n + _CH - 1) // _CH

    def fill(_):
        h0v = hitb[pl.ds(0, _L)]
        r0v = hitrow[pl.ds(0, _L)]
        h0 = _bsplat(jnp.sum(jnp.where(iota == 0, h0v, 0)))
        r0 = _bsplat(jnp.sum(jnp.where(iota == 0, r0v, 0)))

        def fb(g, c):
            sl = g * _L + iota
            sel = sl >= n
            hv = hitb[pl.ds(g * _L, _L)]
            rv = hitrow[pl.ds(g * _L, _L)]
            hitb[pl.ds(g * _L, _L)] = jnp.where(sel, h0, hv)
            hitrow[pl.ds(g * _L, _L)] = jnp.where(sel, r0, rv)
            return c
        lax.fori_loop(n // _L, nchunks * (_CH // _L), fb, 0)
        return 0

    with jax.named_scope("fill"):
        lax.cond(n > 0, fill, lambda c: c, 0)

    with jax.named_scope("slicecopy"):
        slice_copy()

    def chunk(c, carry):
        def tc(i, cc):
            tgt[pl.ds(i * _L, _L)] = hitrow[pl.ds(c * _CH + i * _L, _L)]
            return cc
        lax.fori_loop(0, _CH // _L, tc, 0)
        g1 = pltpu.async_copy(feats_hbm.at[hitb.at[pl.ds(c * _CH, _CH)]],
                              fch, sem_g1)
        g2 = pltpu.async_copy(bank_hbm.at[tgt], och, sem_g2)
        g1.wait()
        g2.wait()

        def row(j, cc):
            f = _row_normalize(fch[j, pl.ds(0, _DIM)])
            blended = (1.0 - _MOM) * och[j, pl.ds(0, _DIM)] + _MOM * f
            nch[j, pl.ds(0, _DIM)] = _row_normalize(blended)
            return cc
        lax.fori_loop(0, _CH, row, 0)

        pltpu.async_copy(nch, out_hbm.at[tgt], sem_s).wait()
        return carry
    with jax.named_scope("chunks"):
        lax.fori_loop(0, nchunks, chunk, 0)


_mb_update = functools.partial(
    pl.kernel,
    out_type=jax.ShapeDtypeStruct((_N_ROWS, _DIM), jnp.float32),
    mesh=plsc.VectorSubcoreMesh(core_axis_name="c", subcore_axis_name="s"),
    compiler_params=pltpu.CompilerParams(
        needs_layout_passes=False, use_tc_tiling_on_sc=False),
    scratch_types=[
        pltpu.VMEM((_BATCH,), jnp.int32),
        pltpu.VMEM((_H0,), jnp.int32),
        pltpu.VMEM((_HCAP,), jnp.int32),
        pltpu.VMEM((_HCAP,), jnp.int32),
        pltpu.VMEM((_CH,), jnp.int32),
        pltpu.VMEM((_CH, _DIM), jnp.float32),
        pltpu.VMEM((_CH, _DIM), jnp.float32),
        pltpu.VMEM((_CH, _DIM), jnp.float32),
        pltpu.VMEM((_CBR, _DIM), jnp.float32),
        pltpu.VMEM((_CBR, _DIM), jnp.float32),
        pltpu.SemaphoreType.DMA,
        pltpu.SemaphoreType.DMA,
        pltpu.SemaphoreType.DMA,
        pltpu.SemaphoreType.DMA,
        pltpu.SemaphoreType.DMA,
        pltpu.SemaphoreType.DMA,
        pltpu.SemaphoreType.DMA,
    ],
)(_mb_body)


def kernel(feats, indexes, bank):
    return _mb_update(feats, indexes.astype(jnp.int32), bank)

# --- scband reference (transcript-rebuilt; emitter-appended) ---
"""Pipeline reference for scband-memory-bank-52355651338379 (READ-ONLY COPY).

The authoritative reference and input builder live on the scoring server;
editing this copy changes nothing except your own understanding.
"""

import jax, jax.numpy as jnp
import numpy as np

NUM_FEATS = 1000000
FEATS_DIM = 16
BATCH = 16384
MOMENTUM = 0.5


def setup_inputs(seed: int = 0) -> dict:
    key = jax.random.key(seed)
    k1, k2, k3 = jax.random.split(key, 3)
    feats = jax.random.normal(k1, (BATCH, FEATS_DIM), dtype=jnp.float32)
    indexes = jax.random.randint(k2, (BATCH,), 0, NUM_FEATS)
    # learned/state buffer: the memory bank (zeros in the original; use small randn
    # so the EMA path is numerically nontrivial)
    bank = jax.random.normal(k3, (NUM_FEATS, FEATS_DIM), dtype=jnp.float32) * 0.02
    return {"feats": feats, "indexes": indexes, "bank": bank}


def reference(feats, indexes, bank):
    # MemoryBank.update: normalize incoming feats, gather old rows, EMA blend,
    # re-normalize, scatter-overwrite back into the bank.
    f = feats / (jnp.linalg.norm(feats, axis=1, keepdims=True) + 1e-10)
    feats_old = bank[indexes, :]
    feats_new = (1.0 - MOMENTUM) * feats_old + MOMENTUM * f
    feats_new = feats_new / (jnp.linalg.norm(feats_new, axis=1, keepdims=True) + 1e-10)
    new_bank = bank.at[indexes, :].set(feats_new)
    return new_bank

if __name__ == "__main__":
    import jax
    _d = setup_inputs()
    print(jax.jit(kernel)(*tuple(_d.values())))

</pallas_src>

<mosaic_0001>
#map = affine_map<(d0, d1) -> (0, 0)>
#map1 = affine_map<(d0, d1) -> (0)>
module attributes {stable_mosaic.version = 14 : i64} {
  func.func @_mb_body(%arg0: i32, %arg1: i32, %arg2: memref<16384x16xf32, #tpu.memory_space<hbm>>, %arg3: memref<16384xi32, #tpu.memory_space<hbm>>, %arg4: memref<1000000x16xf32, #tpu.memory_space<hbm>>, %arg5: memref<1000000x16xf32, #tpu.memory_space<hbm>>, %arg6: memref<16384xi32, #tpu.memory_space<vmem>>, %arg7: memref<16384xi32, #tpu.memory_space<vmem>>, %arg8: memref<16400xi32, #tpu.memory_space<vmem>>, %arg9: memref<16400xi32, #tpu.memory_space<vmem>>, %arg10: memref<256xi32, #tpu.memory_space<vmem>>, %arg11: memref<256x16xf32, #tpu.memory_space<vmem>>, %arg12: memref<256x16xf32, #tpu.memory_space<vmem>>, %arg13: memref<256x16xf32, #tpu.memory_space<vmem>>, %arg14: memref<1488x16xf32, #tpu.memory_space<vmem>>, %arg15: memref<1488x16xf32, #tpu.memory_space<vmem>>, %arg16: memref<!tpu.dma_semaphore, #tpu.memory_space<semaphore_mem>>, %arg17: memref<!tpu.dma_semaphore, #tpu.memory_space<semaphore_mem>>, %arg18: memref<!tpu.dma_semaphore, #tpu.memory_space<semaphore_mem>>, %arg19: memref<!tpu.dma_semaphore, #tpu.memory_space<semaphore_mem>>, %arg20: memref<!tpu.dma_semaphore, #tpu.memory_space<semaphore_mem>>, %arg21: memref<!tpu.dma_semaphore, #tpu.memory_space<semaphore_mem>>, %arg22: memref<!tpu.dma_semaphore, #tpu.memory_space<semaphore_mem>>) attributes {dimension_semantics = [#tpu.dimension_semantics<core_parallel>, #tpu.dimension_semantics<subcore_parallel>], iteration_bounds = array<i64: 2, 16>, scalar_prefetch = 0 : i64, scratch_operands = 17 : i64, tpu.core_type = #tpu.core_type<sc_vector_subcore>, window_params = [{transform_indices = #map}, {transform_indices = #map1}, {transform_indices = #map}, {transform_indices = #map}]} {
    %mul3A = arith.constant 16 : i32
    %mul3A_0 = arith.muli %arg0, %mul3A : i32
    %add3A = arith.addi %mul3A_0, %arg1 : i32
    %mul3A_1 = arith.constant 31250 : i32
    %mul3A_2 = arith.muli %add3A, %mul3A_1 : i32
    %jit3A = arith.constant 8 : i32
    %div3A = arith.divsi %mul3A_2, %jit3A : i32
    %sign3A = arith.constant 0 : i32
    %sign3A_3 = arith.cmpi sgt, %mul3A_2, %sign3A : i32
    %sign3A_4 = arith.extui %sign3A_3 : i1 to i32
    %sign3A_5 = arith.constant 0 : i32
    %sign3A_6 = arith.cmpi slt, %mul3A_2, %sign3A_5 : i32
    %sign3A_7 = arith.extui %sign3A_6 : i1 to i32
    %sign3A_8 = arith.subi %sign3A_4, %sign3A_7 : i32
    %sign3A_9 = arith.constant 0 : i32
    %sign3A_10 = arith.cmpi sgt, %jit3A, %sign3A_9 : i32
    %sign3A_11 = arith.extui %sign3A_10 : i1 to i32
    %sign3A_12 = arith.constant 0 : i32
    %sign3A_13 = arith.cmpi slt, %jit3A, %sign3A_12 : i32
    %sign3A_14 = arith.extui %sign3A_13 : i1 to i32
    %sign3A_15 = arith.subi %sign3A_11, %sign3A_14 : i32
    %ne3A = arith.cmpi ne, %sign3A_8, %sign3A_15 : i32
    %rem3A = arith.remsi %mul3A_2, %jit3A : i32
    %ne3A_16 = arith.constant 0 : i32
    %ne3A_17 = arith.cmpi ne, %rem3A, %ne3A_16 : i32
    %and3A = arith.andi %ne3A, %ne3A_17 : i1
    %sub3A = arith.constant 1 : i32
    %sub3A_18 = arith.subi %div3A, %sub3A : i32
    %select_n3A = arith.select %and3A, %sub3A_18, %div3A : i32
    %mul3A_19 = arith.constant 8 : i32
    %mul3A_20 = arith.muli %select_n3A, %mul3A_19 : i32
    %multiple_of3A = tpu.assume_multiple %mul3A_20, 8 : i32
    %add3A_21 = arith.constant 1 : i32
    %add3A_22 = arith.addi %add3A, %add3A_21 : i32
    %mul3A_23 = arith.constant 31250 : i32
    %mul3A_24 = arith.muli %add3A_22, %mul3A_23 : i32
    %jit3A_25 = arith.constant 8 : i32
    %div3A_26 = arith.divsi %mul3A_24, %jit3A_25 : i32
    %sign3A_27 = arith.constant 0 : i32
    %sign3A_28 = arith.cmpi sgt, %mul3A_24, %sign3A_27 : i32
    %sign3A_29 = arith.extui %sign3A_28 : i1 to i32
    %sign3A_30 = arith.constant 0 : i32
    %sign3A_31 = arith.cmpi slt, %mul3A_24, %sign3A_30 : i32
    %sign3A_32 = arith.extui %sign3A_31 : i1 to i32
    %sign3A_33 = arith.subi %sign3A_29, %sign3A_32 : i32
    %sign3A_34 = arith.constant 0 : i32
    %sign3A_35 = arith.cmpi sgt, %jit3A_25, %sign3A_34 : i32
    %sign3A_36 = arith.extui %sign3A_35 : i1 to i32
    %sign3A_37 = arith.constant 0 : i32
    %sign3A_38 = arith.cmpi slt, %jit3A_25, %sign3A_37 : i32
    %sign3A_39 = arith.extui %sign3A_38 : i1 to i32
    %sign3A_40 = arith.subi %sign3A_36, %sign3A_39 : i32
    %ne3A_41 = arith.cmpi ne, %sign3A_33, %sign3A_40 : i32
    %rem3A_42 = arith.remsi %mul3A_24, %jit3A_25 : i32
    %ne3A_43 = arith.constant 0 : i32
    %ne3A_44 = arith.cmpi ne, %rem3A_42, %ne3A_43 : i32
    %and3A_45 = arith.andi %ne3A_41, %ne3A_44 : i1
    %sub3A_46 = arith.constant 1 : i32
    %sub3A_47 = arith.subi %div3A_26, %sub3A_46 : i32
    %select_n3A_48 = arith.select %and3A_45, %sub3A_47, %div3A_26 : i32
    %mul3A_49 = arith.constant 8 : i32
    %mul3A_50 = arith.muli %select_n3A_48, %mul3A_49 : i32
    %multiple_of3A_51 = tpu.assume_multiple %mul3A_50, 8 : i32
    %iota3A = tpu.iota {dimensions = array<i32: 0>} : vector<16xi32>
    %broadcast_in_dim3A = arith.constant -1 : i32
    %broadcast_in_dim3A_52 = vector.broadcast %broadcast_in_dim3A : i32 to vector<16xi32>
    "tpu.region"() ({
      %run_scoped3A = tpu.sem_alloc : memref<!tpu.dma_semaphore, #tpu.memory_space<semaphore_mem>>
      tpu.enqueue_dma source(%arg3 : memref<16384xi32, #tpu.memory_space<hbm>>) target(%arg6 : memref<16384xi32, #tpu.memory_space<vmem>>) target_semaphore(%run_scoped3A : memref<!tpu.dma_semaphore, #tpu.memory_space<semaphore_mem>>)
      tpu.wait_dma2 semaphore(%run_scoped3A : memref<!tpu.dma_semaphore, #tpu.memory_space<semaphore_mem>>) src(%arg3 : memref<16384xi32, #tpu.memory_space<hbm>>) dst(%arg6 : memref<16384xi32, #tpu.memory_space<vmem>>)
      tpu.yield
    }) : () -> ()
    "tpu.trace_start"() <{level = 10 : i32, message = "claim0"}> : () -> ()
    %scan3A = arith.constant 0 : i32
    %scan3A_53 = arith.constant 0 : i32
    %scan3A_54 = arith.constant 1024 : i32
    %scan3A_55 = arith.addi %scan3A_53, %scan3A_54 : i32
    %scan3A_56 = arith.constant 1 : i32
    scf.for %scan3A_602 = %scan3A_53 to %scan3A_55 step %scan3A_56  : i32 {
      %mul3A_603 = arith.constant 16 : i32
      %mul3A_604 = arith.muli %scan3A_602, %mul3A_603 : i32
      %swap3A = arith.index_cast %mul3A_604 : i32 to index
      %swap3A_605 = tpu.vector_load %arg7[%swap3A] {strides = array<i32>} : memref<16384xi32, #tpu.memory_space<vmem>>, vector<16xi32>,
      tpu.vector_store %arg7[%swap3A], %broadcast_in_dim3A_52 {strides = array<i32>} : memref<16384xi32, #tpu.memory_space<vmem>>, vector<16xi32>,
    }
    %scan3A_57 = arith.constant 1024 : i32
    %add3A_58 = arith.constant 16384 : i32
    %add3A_59 = arith.addi %multiple_of3A, %add3A_58 : i32
    %scan3A_60 = arith.constant 0 : i32
    %scan3A_61 = arith.constant 0 : i32
    %scan3A_62 = arith.constant 1024 : i32
    %scan3A_63 = arith.addi %scan3A_61, %scan3A_62 : i32
    %scan3A_64 = arith.constant 1 : i32
    scf.for %scan3A_602 = %scan3A_61 to %scan3A_63 step %scan3A_64  : i32 {
      %mul3A_603 = arith.constant 16 : i32
      %mul3A_604 = arith.muli %scan3A_602, %mul3A_603 : i32
      %get3A = arith.index_cast %mul3A_604 : i32 to index
      %get3A_605 = tpu.vector_load %arg6[%get3A] {strides = array<i32>} : memref<16384xi32, #tpu.memory_space<vmem>>, vector<16xi32>,
      %ge3A = vector.broadcast %multiple_of3A : i32 to vector<16xi32>
      %ge3A_606 = arith.cmpi sge, %get3A_605, %ge3A : vector<16xi32>
      %lt3A = vector.broadcast %add3A_59 : i32 to vector<16xi32>
      %lt3A_607 = arith.cmpi slt, %get3A_605, %lt3A : vector<16xi32>
      %and3A_608 = arith.andi %ge3A_606, %lt3A_607 : vector<16xi1>
      %sub3A_609 = vector.broadcast %multiple_of3A : i32 to vector<16xi32>
      %sub3A_610 = arith.subi %get3A_605, %sub3A_609 : vector<16xi32>
      %jit3A_611 = arith.constant 0 : i32
      %broadcast_in_dim3A_612 = vector.broadcast %jit3A_611 : i32 to vector<16xi32>
      %select_n3A_613 = arith.select %and3A_608, %sub3A_610, %broadcast_in_dim3A_612 : vector<16xi1>, vector<16xi32>
      %mul3A_614 = arith.constant 16 : i32
      %mul3A_615 = arith.muli %scan3A_602, %mul3A_614 : i32
      %add3A_616 = vector.broadcast %mul3A_615 : i32 to vector<16xi32>
      %add3A_617 = arith.addi %add3A_616, %iota3A : vector<16xi32>
      %jit3A_618 = arith.constant 1 : i32
      %jit3A_619 = arith.constant 0 : i32
      %broadcast_in_dim3A_620 = vector.broadcast %jit3A_618 : i32 to vector<16xi32>
      %broadcast_in_dim3A_621 = vector.broadcast %jit3A_619 : i32 to vector<16xi32>
      %select_n3A_622 = arith.select %and3A_608, %broadcast_in_dim3A_620, %broadcast_in_dim3A_621 : vector<16xi1>, vector<16xi32>
      %reduce_sum3A = arith.constant true
      %reduce_sum3A_623 = vector.broadcast %reduce_sum3A : i1 to vector<16xi1>
      %reduce_sum3A_624 = tpu.scan <sum>, %select_n3A_622 masked %reduce_sum3A_623 : vector<16xi32>, vector<16xi1> -> vector<16xi32>
      %reduce_sum3A_625 = vector.extract %reduce_sum3A_624[15] : i32 from vector<16xi32>
      %gt3A_626 = arith.constant 1 : i32
      %gt3A_627 = arith.cmpi sgt, %reduce_sum3A_625, %gt3A_626 : i32
      %convert_element_type3A_628 = arith.extui %gt3A_627 : i1 to i32
      %cond3A_629 = arith.constant 0 : i32
      %cond3A_630 = arith.cmpi ne, %convert_element_type3A_628, %cond3A_629 : i32
      scf.if %cond3A_630 {
        %eq3A = arith.constant 0 : i32
        %eq3A_631 = vector.broadcast %eq3A : i32 to vector<16xi32>
        %eq3A_632 = arith.cmpi eq, %iota3A, %eq3A_631 : vector<16xi32>
        %and3A_633 = arith.andi %and3A_608, %eq3A_632 : vector<16xi1>
        tpu.vector_store_idx %arg7[%select_n3A_613], %add3A_617 masked %and3A_633 : memref<16384xi32, #tpu.memory_space<vmem>>[vector<16xi32>], vector<16xi32>, vector<16xi1>
        %eq3A_634 = arith.constant 1 : i32
        %eq3A_635 = vector.broadcast %eq3A_634 : i32 to vector<16xi32>
        %eq3A_636 = arith.cmpi eq, %iota3A, %eq3A_635 : vector<16xi32>
        %and3A_637 = arith.andi %and3A_608, %eq3A_636 : vector<16xi1>
        tpu.vector_store_idx %arg7[%select_n3A_613], %add3A_617 masked %and3A_637 : memref<16384xi32, #tpu.memory_space<vmem>>[vector<16xi32>], vector<16xi32>, vector<16xi1>
        %eq3A_638 = arith.constant 2 : i32
        %eq3A_639 = vector.broadcast %eq3A_638 : i32 to vector<16xi32>
        %eq3A_640 = arith.cmpi eq, %iota3A, %eq3A_639 : vector<16xi32>
        %and3A_641 = arith.andi %and3A_608, %eq3A_640 : vector<16xi1>
        tpu.vector_store_idx %arg7[%select_n3A_613], %add3A_617 masked %and3A_641 : memref<16384xi32, #tpu.memory_space<vmem>>[vector<16xi32>], vector<16xi32>, vector<16xi1>
        %eq3A_642 = arith.constant 3 : i32
        %eq3A_643 = vector.broadcast %eq3A_642 : i32 to vector<16xi32>
        %eq3A_644 = arith.cmpi eq, %iota3A, %eq3A_643 : vector<16xi32>
        %and3A_645 = arith.andi %and3A_608, %eq3A_644 : vector<16xi1>
        tpu.vector_store_idx %arg7[%select_n3A_613], %add3A_617 masked %and3A_645 : memref<16384xi32, #tpu.memory_space<vmem>>[vector<16xi32>], vector<16xi32>, vector<16xi1>
        %eq3A_646 = arith.constant 4 : i32
        %eq3A_647 = vector.broadcast %eq3A_646 : i32 to vector<16xi32>
        %eq3A_648 = arith.cmpi eq, %iota3A, %eq3A_647 : vector<16xi32>
        %and3A_649 = arith.andi %and3A_608, %eq3A_648 : vector<16xi1>
        tpu.vector_store_idx %arg7[%select_n3A_613], %add3A_617 masked %and3A_649 : memref<16384xi32, #tpu.memory_space<vmem>>[vector<16xi32>], vector<16xi32>, vector<16xi1>
        %eq3A_650 = arith.constant 5 : i32
        %eq3A_651 = vector.broadcast %eq3A_650 : i32 to vector<16xi32>
        %eq3A_652 = arith.cmpi eq, %iota3A, %eq3A_651 : vector<16xi32>
        %and3A_653 = arith.andi %and3A_608, %eq3A_652 : vector<16xi1>
        tpu.vector_store_idx %arg7[%select_n3A_613], %add3A_617 masked %and3A_653 : memref<16384xi32, #tpu.memory_space<vmem>>[vector<16xi32>], vector<16xi32>, vector<16xi1>
        %eq3A_654 = arith.constant 6 : i32
        %eq3A_655 = vector.broadcast %eq3A_654 : i32 to vector<16xi32>
        %eq3A_656 = arith.cmpi eq, %iota3A, %eq3A_655 : vector<16xi32>
        %and3A_657 = arith.andi %and3A_608, %eq3A_656 : vector<16xi1>
        tpu.vector_store_idx %arg7[%select_n3A_613], %add3A_617 masked %and3A_657 : memref<16384xi32, #tpu.memory_space<vmem>>[vector<16xi32>], vector<16xi32>, vector<16xi1>
        %eq3A_658 = arith.constant 7 : i32
        %eq3A_659 = vector.broadcast %eq3A_658 : i32 to vector<16xi32>
        %eq3A_660 = arith.cmpi eq, %iota3A, %eq3A_659 : vector<16xi32>
        %and3A_661 = arith.andi %and3A_608, %eq3A_660 : vector<16xi1>
        tpu.vector_store_idx %arg7[%select_n3A_613], %add3A_617 masked %and3A_661 : memref<16384xi32, #tpu.memory_space<vmem>>[vector<16xi32>], vector<16xi32>, vector<16xi1>
        %eq3A_662 = arith.constant 8 : i32
        %eq3A_663 = vector.broadcast %eq3A_662 : i32 to vector<16xi32>
        %eq3A_664 = arith.cmpi eq, %iota3A, %eq3A_663 : vector<16xi32>
        %and3A_665 = arith.andi %and3A_608, %eq3A_664 : vector<16xi1>
        tpu.vector_store_idx %arg7[%select_n3A_613], %add3A_617 masked %and3A_665 : memref<16384xi32, #tpu.memory_space<vmem>>[vector<16xi32>], vector<16xi32>, vector<16xi1>
        %eq3A_666 = arith.constant 9 : i32
        %eq3A_667 = vector.broadcast %eq3A_666 : i32 to vector<16xi32>
        %eq3A_668 = arith.cmpi eq, %iota3A, %eq3A_667 : vector<16xi32>
        %and3A_669 = arith.andi %and3A_608, %eq3A_668 : vector<16xi1>
        tpu.vector_store_idx %arg7[%select_n3A_613], %add3A_617 masked %and3A_669 : memref<16384xi32, #tpu.memory_space<vmem>>[vector<16xi32>], vector<16xi32>, vector<16xi1>
        %eq3A_670 = arith.constant 10 : i32
        %eq3A_671 = vector.broadcast %eq3A_670 : i32 to vector<16xi32>
        %eq3A_672 = arith.cmpi eq, %iota3A, %eq3A_671 : vector<16xi32>
        %and3A_673 = arith.andi %and3A_608, %eq3A_672 : vector<16xi1>
        tpu.vector_store_idx %arg7[%select_n3A_613], %add3A_617 masked %and3A_673 : memref<16384xi32, #tpu.memory_space<vmem>>[vector<16xi32>], vector<16xi32>, vector<16xi1>
        %eq3A_674 = arith.constant 11 : i32
        %eq3A_675 = vector.broadcast %eq3A_674 : i32 to vector<16xi32>
        %eq3A_676 = arith.cmpi eq, %iota3A, %eq3A_675 : vector<16xi32>
        %and3A_677 = arith.andi %and3A_608, %eq3A_676 : vector<16xi1>
        tpu.vector_store_idx %arg7[%select_n3A_613], %add3A_617 masked %and3A_677 : memref<16384xi32, #tpu.memory_space<vmem>>[vector<16xi32>], vector<16xi32>, vector<16xi1>
        %eq3A_678 = arith.constant 12 : i32
        %eq3A_679 = vector.broadcast %eq3A_678 : i32 to vector<16xi32>
        %eq3A_680 = arith.cmpi eq, %iota3A, %eq3A_679 : vector<16xi32>
        %and3A_681 = arith.andi %and3A_608, %eq3A_680 : vector<16xi1>
        tpu.vector_store_idx %arg7[%select_n3A_613], %add3A_617 masked %and3A_681 : memref<16384xi32, #tpu.memory_space<vmem>>[vector<16xi32>], vector<16xi32>, vector<16xi1>
        %eq3A_682 = arith.constant 13 : i32
        %eq3A_683 = vector.broadcast %eq3A_682 : i32 to vector<16xi32>
        %eq3A_684 = arith.cmpi eq, %iota3A, %eq3A_683 : vector<16xi32>
        %and3A_685 = arith.andi %and3A_608, %eq3A_684 : vector<16xi1>
        tpu.vector_store_idx %arg7[%select_n3A_613], %add3A_617 masked %and3A_685 : memref<16384xi32, #tpu.memory_space<vmem>>[vector<16xi32>], vector<16xi32>, vector<16xi1>
        %eq3A_686 = arith.constant 14 : i32
        %eq3A_687 = vector.broadcast %eq3A_686 : i32 to vector<16xi32>
        %eq3A_688 = arith.cmpi eq, %iota3A, %eq3A_687 : vector<16xi32>
        %and3A_689 = arith.andi %and3A_608, %eq3A_688 : vector<16xi1>
        tpu.vector_store_idx %arg7[%select_n3A_613], %add3A_617 masked %and3A_689 : memref<16384xi32, #tpu.memory_space<vmem>>[vector<16xi32>], vector<16xi32>, vector<16xi1>
        %eq3A_690 = arith.constant 15 : i32
        %eq3A_691 = vector.broadcast %eq3A_690 : i32 to vector<16xi32>
        %eq3A_692 = arith.cmpi eq, %iota3A, %eq3A_691 : vector<16xi32>
        %and3A_693 = arith.andi %and3A_608, %eq3A_692 : vector<16xi1>
        tpu.vector_store_idx %arg7[%select_n3A_613], %add3A_617 masked %and3A_693 : memref<16384xi32, #tpu.memory_space<vmem>>[vector<16xi32>], vector<16xi32>, vector<16xi1>
      } else {
        %gt3A_631 = arith.constant 0 : i32
        %gt3A_632 = arith.cmpi sgt, %reduce_sum3A_625, %gt3A_631 : i32
        %convert_element_type3A_633 = arith.extui %gt3A_632 : i1 to i32
        %cond3A_634 = arith.constant 0 : i32
        %cond3A_635 = arith.cmpi ne, %convert_element_type3A_633, %cond3A_634 : i32
        scf.if %cond3A_635 {
          tpu.vector_store_idx %arg7[%select_n3A_613], %add3A_617 masked %and3A_608 : memref<16384xi32, #tpu.memory_space<vmem>>[vector<16xi32>], vector<16xi32>, vector<16xi1>
        } else {
        }
      }
    }
    %scan3A_65 = arith.constant 1024 : i32
    %scan3A_66 = arith.constant 0 : i32
    %scan3A_67 = arith.constant 0 : i32
    %scan3A_68 = arith.constant 1024 : i32
    %scan3A_69 = arith.addi %scan3A_67, %scan3A_68 : i32
    %scan3A_70 = arith.constant 1 : i32
    %scan3A_71 = scf.for %scan3A_602 = %scan3A_67 to %scan3A_69 step %scan3A_70 iter_args(%scan3A_603 = %scan3A_66) -> (i32)  : i32 {
      %mul3A_604 = arith.constant 16 : i32
      %mul3A_605 = arith.muli %scan3A_602, %mul3A_604 : i32
      %get3A = arith.index_cast %mul3A_605 : i32 to index
      %get3A_606 = tpu.vector_load %arg7[%get3A] {strides = array<i32>} : memref<16384xi32, #tpu.memory_space<vmem>>, vector<16xi32>,
      %ge3A = arith.constant 0 : i32
      %ge3A_607 = vector.broadcast %ge3A : i32 to vector<16xi32>
      %ge3A_608 = arith.cmpi sge, %get3A_606, %ge3A_607 : vector<16xi32>
      %jit3A_609 = arith.constant 1 : i32
      %jit3A_610 = arith.constant 0 : i32
      %broadcast_in_dim3A_611 = vector.broadcast %jit3A_609 : i32 to vector<16xi32>
      %broadcast_in_dim3A_612 = vector.broadcast %jit3A_610 : i32 to vector<16xi32>
      %select_n3A_613 = arith.select %ge3A_608, %broadcast_in_dim3A_611, %broadcast_in_dim3A_612 : vector<16xi1>, vector<16xi32>
      %reduce_sum3A = arith.constant true
      %reduce_sum3A_614 = vector.broadcast %reduce_sum3A : i1 to vector<16xi1>
      %reduce_sum3A_615 = tpu.scan <sum>, %select_n3A_613 masked %reduce_sum3A_614 : vector<16xi32>, vector<16xi1> -> vector<16xi32>
      %reduce_sum3A_616 = vector.extract %reduce_sum3A_615[15] : i32 from vector<16xi32>
      %mul3A_617 = arith.constant 16 : i32
      %mul3A_618 = arith.muli %scan3A_602, %mul3A_617 : i32
      %add3A_619 = arith.addi %multiple_of3A, %mul3A_618 : i32
      %add3A_620 = vector.broadcast %add3A_619 : i32 to vector<16xi32>
      %add3A_621 = arith.addi %add3A_620, %iota3A : vector<16xi32>
      %gt3A_622 = arith.constant 0 : i32
      %gt3A_623 = arith.cmpi sgt, %reduce_sum3A_616, %gt3A_622 : i32
      %convert_element_type3A_624 = arith.extui %gt3A_623 : i1 to i32
      %cond3A_625 = arith.constant 0 : i32
      %cond3A_626 = arith.cmpi ne, %convert_element_type3A_624, %cond3A_625 : i32
      %cond3A_627 = scf.if %cond3A_626 -> (i32) {
        %swap3A = arith.index_cast %scan3A_603 : i32 to index
        %swap3A_628 = tpu.vector_load %arg8[%swap3A] masked %ge3A_608 {strides = array<i32>} : memref<16400xi32, #tpu.memory_space<vmem>>, vector<16xi32>, vector<16xi1>
        tpu.vector_store %arg8[%swap3A], %get3A_606 masked %ge3A_608 {strides = array<i32>} : memref<16400xi32, #tpu.memory_space<vmem>>, vector<16xi32>, vector<16xi1>
        %swap3A_629 = arith.index_cast %scan3A_603 : i32 to index
        %swap3A_630 = tpu.vector_load %arg9[%swap3A_629] masked %ge3A_608 {strides = array<i32>} : memref<16400xi32, #tpu.memory_space<vmem>>, vector<16xi32>, vector<16xi1>
        tpu.vector_store %arg9[%swap3A_629], %add3A_621 masked %ge3A_608 {strides = array<i32>} : memref<16400xi32, #tpu.memory_space<vmem>>, vector<16xi32>, vector<16xi1>
        %add3A_631 = arith.addi %scan3A_603, %reduce_sum3A_616 : i32
        scf.yield %add3A_631 : i32
      } else {
        scf.yield %scan3A_603 : i32
      }
      scf.yield %cond3A_627 : i32
    }
    %scan3A_72 = arith.constant 1024 : i32
    "tpu.trace_stop"() : () -> ()
    "tpu.trace_start"() <{level = 10 : i32, message = "claim1"}> : () -> ()
    %scan3A_73 = arith.constant 0 : i32
    %scan3A_74 = arith.constant 0 : i32
    %scan3A_75 = arith.constant 1024 : i32
    %scan3A_76 = arith.addi %scan3A_74, %scan3A_75 : i32
    %scan3A_77 = arith.constant 1 : i32
    scf.for %scan3A_602 = %scan3A_74 to %scan3A_76 step %scan3A_77  : i32 {
      %mul3A_603 = arith.constant 16 : i32
      %mul3A_604 = arith.muli %scan3A_602, %mul3A_603 : i32
      %swap3A = arith.index_cast %mul3A_604 : i32 to index
      %swap3A_605 = tpu.vector_load %arg7[%swap3A] {strides = array<i32>} : memref<16384xi32, #tpu.memory_space<vmem>>, vector<16xi32>,
      tpu.vector_store %arg7[%swap3A], %broadcast_in_dim3A_52 {strides = array<i32>} : memref<16384xi32, #tpu.memory_space<vmem>>, vector<16xi32>,
    }
    %scan3A_78 = arith.constant 1024 : i32
    %add3A_79 = arith.constant 16384 : i32
    %add3A_80 = arith.addi %multiple_of3A, %add3A_79 : i32
    %scan3A_81 = arith.constant 0 : i32
    %scan3A_82 = arith.constant 0 : i32
    %scan3A_83 = arith.constant 1024 : i32
    %scan3A_84 = arith.addi %scan3A_82, %scan3A_83 : i32
    %scan3A_85 = arith.constant 1 : i32
    scf.for %scan3A_602 = %scan3A_82 to %scan3A_84 step %scan3A_85  : i32 {
      %mul3A_603 = arith.constant 16 : i32
      %mul3A_604 = arith.muli %scan3A_602, %mul3A_603 : i32
      %get3A = arith.index_cast %mul3A_604 : i32 to index
      %get3A_605 = tpu.vector_load %arg6[%get3A] {strides = array<i32>} : memref<16384xi32, #tpu.memory_space<vmem>>, vector<16xi32>,
      %ge3A = vector.broadcast %add3A_80 : i32 to vector<16xi32>
      %ge3A_606 = arith.cmpi sge, %get3A_605, %ge3A : vector<16xi32>
      %lt3A = vector.broadcast %multiple_of3A_51 : i32 to vector<16xi32>
      %lt3A_607 = arith.cmpi slt, %get3A_605, %lt3A : vector<16xi32>
      %and3A_608 = arith.andi %ge3A_606, %lt3A_607 : vector<16xi1>
      %sub3A_609 = vector.broadcast %add3A_80 : i32 to vector<16xi32>
      %sub3A_610 = arith.subi %get3A_605, %sub3A_609 : vector<16xi32>
      %jit3A_611 = arith.constant 0 : i32
      %broadcast_in_dim3A_612 = vector.broadcast %jit3A_611 : i32 to vector<16xi32>
      %select_n3A_613 = arith.select %and3A_608, %sub3A_610, %broadcast_in_dim3A_612 : vector<16xi1>, vector<16xi32>
      %mul3A_614 = arith.constant 16 : i32
      %mul3A_615 = arith.muli %scan3A_602, %mul3A_614 : i32
      %add3A_616 = vector.broadcast %mul3A_615 : i32 to vector<16xi32>
      %add3A_617 = arith.addi %add3A_616, %iota3A : vector<16xi32>
      %jit3A_618 = arith.constant 1 : i32
      %jit3A_619 = arith.constant 0 : i32
      %broadcast_in_dim3A_620 = vector.broadcast %jit3A_618 : i32 to vector<16xi32>
      %broadcast_in_dim3A_621 = vector.broadcast %jit3A_619 : i32 to vector<16xi32>
      %select_n3A_622 = arith.select %and3A_608, %broadcast_in_dim3A_620, %broadcast_in_dim3A_621 : vector<16xi1>, vector<16xi32>
      %reduce_sum3A = arith.constant true
      %reduce_sum3A_623 = vector.broadcast %reduce_sum3A : i1 to vector<16xi1>
      %reduce_sum3A_624 = tpu.scan <sum>, %select_n3A_622 masked %reduce_sum3A_623 : vector<16xi32>, vector<16xi1> -> vector<16xi32>
      %reduce_sum3A_625 = vector.extract %reduce_sum3A_624[15] : i32 from vector<16xi32>
      %gt3A_626 = arith.constant 1 : i32
      %gt3A_627 = arith.cmpi sgt, %reduce_sum3A_625, %gt3A_626 : i32
      %convert_element_type3A_628 = arith.extui %gt3A_627 : i1 to i32
      %cond3A_629 = arith.constant 0 : i32
      %cond3A_630 = arith.cmpi ne, %convert_element_type3A_628, %cond3A_629 : i32
      scf.if %cond3A_630 {
        %eq3A = arith.constant 0 : i32
        %eq3A_631 = vector.broadcast %eq3A : i32 to vector<16xi32>
        %eq3A_632 = arith.cmpi eq, %iota3A, %eq3A_631 : vector<16xi32>
        %and3A_633 = arith.andi %and3A_608, %eq3A_632 : vector<16xi1>
        tpu.vector_store_idx %arg7[%select_n3A_613], %add3A_617 masked %and3A_633 : memref<16384xi32, #tpu.memory_space<vmem>>[vector<16xi32>], vector<16xi32>, vector<16xi1>
        %eq3A_634 = arith.constant 1 : i32
        %eq3A_635 = vector.broadcast %eq3A_634 : i32 to vector<16xi32>
        %eq3A_636 = arith.cmpi eq, %iota3A, %eq3A_635 : vector<16xi32>
        %and3A_637 = arith.andi %and3A_608, %eq3A_636 : vector<16xi1>
        tpu.vector_store_idx %arg7[%select_n3A_613], %add3A_617 masked %and3A_637 : memref<16384xi32, #tpu.memory_space<vmem>>[vector<16xi32>], vector<16xi32>, vector<16xi1>
        %eq3A_638 = arith.constant 2 : i32
        %eq3A_639 = vector.broadcast %eq3A_638 : i32 to vector<16xi32>
        %eq3A_640 = arith.cmpi eq, %iota3A, %eq3A_639 : vector<16xi32>
        %and3A_641 = arith.andi %and3A_608, %eq3A_640 : vector<16xi1>
        tpu.vector_store_idx %arg7[%select_n3A_613], %add3A_617 masked %and3A_641 : memref<16384xi32, #tpu.memory_space<vmem>>[vector<16xi32>], vector<16xi32>, vector<16xi1>
        %eq3A_642 = arith.constant 3 : i32
        %eq3A_643 = vector.broadcast %eq3A_642 : i32 to vector<16xi32>
        %eq3A_644 = arith.cmpi eq, %iota3A, %eq3A_643 : vector<16xi32>
        %and3A_645 = arith.andi %and3A_608, %eq3A_644 : vector<16xi1>
        tpu.vector_store_idx %arg7[%select_n3A_613], %add3A_617 masked %and3A_645 : memref<16384xi32, #tpu.memory_space<vmem>>[vector<16xi32>], vector<16xi32>, vector<16xi1>
        %eq3A_646 = arith.constant 4 : i32
        %eq3A_647 = vector.broadcast %eq3A_646 : i32 to vector<16xi32>
        %eq3A_648 = arith.cmpi eq, %iota3A, %eq3A_647 : vector<16xi32>
        %and3A_649 = arith.andi %and3A_608, %eq3A_648 : vector<16xi1>
        tpu.vector_store_idx %arg7[%select_n3A_613], %add3A_617 masked %and3A_649 : memref<16384xi32, #tpu.memory_space<vmem>>[vector<16xi32>], vector<16xi32>, vector<16xi1>
        %eq3A_650 = arith.constant 5 : i32
        %eq3A_651 = vector.broadcast %eq3A_650 : i32 to vector<16xi32>
        %eq3A_652 = arith.cmpi eq, %iota3A, %eq3A_651 : vector<16xi32>
        %and3A_653 = arith.andi %and3A_608, %eq3A_652 : vector<16xi1>
        tpu.vector_store_idx %arg7[%select_n3A_613], %add3A_617 masked %and3A_653 : memref<16384xi32, #tpu.memory_space<vmem>>[vector<16xi32>], vector<16xi32>, vector<16xi1>
        %eq3A_654 = arith.constant 6 : i32
        %eq3A_655 = vector.broadcast %eq3A_654 : i32 to vector<16xi32>
        %eq3A_656 = arith.cmpi eq, %iota3A, %eq3A_655 : vector<16xi32>
        %and3A_657 = arith.andi %and3A_608, %eq3A_656 : vector<16xi1>
        tpu.vector_store_idx %arg7[%select_n3A_613], %add3A_617 masked %and3A_657 : memref<16384xi32, #tpu.memory_space<vmem>>[vector<16xi32>], vector<16xi32>, vector<16xi1>
        %eq3A_658 = arith.constant 7 : i32
        %eq3A_659 = vector.broadcast %eq3A_658 : i32 to vector<16xi32>
        %eq3A_660 = arith.cmpi eq, %iota3A, %eq3A_659 : vector<16xi32>
        %and3A_661 = arith.andi %and3A_608, %eq3A_660 : vector<16xi1>
        tpu.vector_store_idx %arg7[%select_n3A_613], %add3A_617 masked %and3A_661 : memref<16384xi32, #tpu.memory_space<vmem>>[vector<16xi32>], vector<16xi32>, vector<16xi1>
        %eq3A_662 = arith.constant 8 : i32
        %eq3A_663 = vector.broadcast %eq3A_662 : i32 to vector<16xi32>
        %eq3A_664 = arith.cmpi eq, %iota3A, %eq3A_663 : vector<16xi32>
        %and3A_665 = arith.andi %and3A_608, %eq3A_664 : vector<16xi1>
        tpu.vector_store_idx %arg7[%select_n3A_613], %add3A_617 masked %and3A_665 : memref<16384xi32, #tpu.memory_space<vmem>>[vector<16xi32>], vector<16xi32>, vector<16xi1>
        %eq3A_666 = arith.constant 9 : i32
        %eq3A_667 = vector.broadcast %eq3A_666 : i32 to vector<16xi32>
        %eq3A_668 = arith.cmpi eq, %iota3A, %eq3A_667 : vector<16xi32>
        %and3A_669 = arith.andi %and3A_608, %eq3A_668 : vector<16xi1>
        tpu.vector_store_idx %arg7[%select_n3A_613], %add3A_617 masked %and3A_669 : memref<16384xi32, #tpu.memory_space<vmem>>[vector<16xi32>], vector<16xi32>, vector<16xi1>
        %eq3A_670 = arith.constant 10 : i32
        %eq3A_671 = vector.broadcast %eq3A_670 : i32 to vector<16xi32>
        %eq3A_672 = arith.cmpi eq, %iota3A, %eq3A_671 : vector<16xi32>
        %and3A_673 = arith.andi %and3A_608, %eq3A_672 : vector<16xi1>
        tpu.vector_store_idx %arg7[%select_n3A_613], %add3A_617 masked %and3A_673 : memref<16384xi32, #tpu.memory_space<vmem>>[vector<16xi32>], vector<16xi32>, vector<16xi1>
        %eq3A_674 = arith.constant 11 : i32
        %eq3A_675 = vector.broadcast %eq3A_674 : i32 to vector<16xi32>
        %eq3A_676 = arith.cmpi eq, %iota3A, %eq3A_675 : vector<16xi32>
        %and3A_677 = arith.andi %and3A_608, %eq3A_676 : vector<16xi1>
        tpu.vector_store_idx %arg7[%select_n3A_613], %add3A_617 masked %and3A_677 : memref<16384xi32, #tpu.memory_space<vmem>>[vector<16xi32>], vector<16xi32>, vector<16xi1>
        %eq3A_678 = arith.constant 12 : i32
        %eq3A_679 = vector.broadcast %eq3A_678 : i32 to vector<16xi32>
        %eq3A_680 = arith.cmpi eq, %iota3A, %eq3A_679 : vector<16xi32>
        %and3A_681 = arith.andi %and3A_608, %eq3A_680 : vector<16xi1>
        tpu.vector_store_idx %arg7[%select_n3A_613], %add3A_617 masked %and3A_681 : memref<16384xi32, #tpu.memory_space<vmem>>[vector<16xi32>], vector<16xi32>, vector<16xi1>
        %eq3A_682 = arith.constant 13 : i32
        %eq3A_683 = vector.broadcast %eq3A_682 : i32 to vector<16xi32>
        %eq3A_684 = arith.cmpi eq, %iota3A, %eq3A_683 : vector<16xi32>
        %and3A_685 = arith.andi %and3A_608, %eq3A_684 : vector<16xi1>
        tpu.vector_store_idx %arg7[%select_n3A_613], %add3A_617 masked %and3A_685 : memref<16384xi32, #tpu.memory_space<vmem>>[vector<16xi32>], vector<16xi32>, vector<16xi1>
        %eq3A_686 = arith.constant 14 : i32
        %eq3A_687 = vector.broadcast %eq3A_686 : i32 to vector<16xi32>
        %eq3A_688 = arith.cmpi eq, %iota3A, %eq3A_687 : vector<16xi32>
        %and3A_689 = arith.andi %and3A_608, %eq3A_688 : vector<16xi1>
        tpu.vector_store_idx %arg7[%select_n3A_613], %add3A_617 masked %and3A_689 : memref<16384xi32, #tpu.memory_space<vmem>>[vector<16xi32>], vector<16xi32>, vector<16xi1>
        %eq3A_690 = arith.constant 15 : i32
        %eq3A_691 = vector.broadcast %eq3A_690 : i32 to vector<16xi32>
        %eq3A_692 = arith.cmpi eq, %iota3A, %eq3A_691 : vector<16xi32>
        %and3A_693 = arith.andi %and3A_608, %eq3A_692 : vector<16xi1>
        tpu.vector_store_idx %arg7[%select_n3A_613], %add3A_617 masked %and3A_693 : memref<16384xi32, #tpu.memory_space<vmem>>[vector<16xi32>], vector<16xi32>, vector<16xi1>
      } else {
        %gt3A_631 = arith.constant 0 : i32
        %gt3A_632 = arith.cmpi sgt, %reduce_sum3A_625, %gt3A_631 : i32
        %convert_element_type3A_633 = arith.extui %gt3A_632 : i1 to i32
        %cond3A_634 = arith.constant 0 : i32
        %cond3A_635 = arith.cmpi ne, %convert_element_type3A_633, %cond3A_634 : i32
        scf.if %cond3A_635 {
          tpu.vector_store_idx %arg7[%select_n3A_613], %add3A_617 masked %and3A_608 : memref<16384xi32, #tpu.memory_space<vmem>>[vector<16xi32>], vector<16xi32>, vector<16xi1>
        } else {
        }
      }
    }
    %scan3A_86 = arith.constant 1024 : i32
    %add3A_87 = arith.constant 16384 : i32
    %add3A_88 = arith.addi %multiple_of3A, %add3A_87 : i32
    %scan3A_89 = arith.constant 0 : i32
    %scan3A_90 = arith.constant 930 : i32
    %scan3A_91 = arith.addi %scan3A_89, %scan3A_90 : i32
    %scan3A_92 = arith.constant 1 : i32
    %scan3A_93 = scf.for %scan3A_602 = %scan3A_89 to %scan3A_91 step %scan3A_92 iter_args(%scan3A_603 = %scan3A_71) -> (i32)  : i32 {
      %mul3A_604 = arith.constant 16 : i32
      %mul3A_605 = arith.muli %scan3A_602, %mul3A_604 : i32
      %get3A = arith.index_cast %mul3A_605 : i32 to index
      %get3A_606 = tpu.vector_load %arg7[%get3A] {strides = array<i32>} : memref<16384xi32, #tpu.memory_space<vmem>>, vector<16xi32>,
      %ge3A = arith.constant 0 : i32
      %ge3A_607 = vector.broadcast %ge3A : i32 to vector<16xi32>
      %ge3A_608 = arith.cmpi sge, %get3A_606, %ge3A_607 : vector<16xi32>
      %jit3A_609 = arith.constant 1 : i32
      %jit3A_610 = arith.constant 0 : i32
      %broadcast_in_dim3A_611 = vector.broadcast %jit3A_609 : i32 to vector<16xi32>
      %broadcast_in_dim3A_612 = vector.broadcast %jit3A_610 : i32 to vector<16xi32>
      %select_n3A_613 = arith.select %ge3A_608, %broadcast_in_dim3A_611, %broadcast_in_dim3A_612 : vector<16xi1>, vector<16xi32>
      %reduce_sum3A = arith.constant true
      %reduce_sum3A_614 = vector.broadcast %reduce_sum3A : i1 to vector<16xi1>
      %reduce_sum3A_615 = tpu.scan <sum>, %select_n3A_613 masked %reduce_sum3A_614 : vector<16xi32>, vector<16xi1> -> vector<16xi32>
      %reduce_sum3A_616 = vector.extract %reduce_sum3A_615[15] : i32 from vector<16xi32>
      %mul3A_617 = arith.constant 16 : i32
      %mul3A_618 = arith.muli %scan3A_602, %mul3A_617 : i32
      %add3A_619 = arith.addi %add3A_88, %mul3A_618 : i32
      %add3A_620 = vector.broadcast %add3A_619 : i32 to vector<16xi32>
      %add3A_621 = arith.addi %add3A_620, %iota3A : vector<16xi32>
      %gt3A_622 = arith.constant 0 : i32
      %gt3A_623 = arith.cmpi sgt, %reduce_sum3A_616, %gt3A_622 : i32
      %convert_element_type3A_624 = arith.extui %gt3A_623 : i1 to i32
      %cond3A_625 = arith.constant 0 : i32
      %cond3A_626 = arith.cmpi ne, %convert_element_type3A_624, %cond3A_625 : i32
      %cond3A_627 = scf.if %cond3A_626 -> (i32) {
        %swap3A = arith.index_cast %scan3A_603 : i32 to index
        %swap3A_628 = tpu.vector_load %arg8[%swap3A] masked %ge3A_608 {strides = array<i32>} : memref<16400xi32, #tpu.memory_space<vmem>>, vector<16xi32>, vector<16xi1>
        tpu.vector_store %arg8[%swap3A], %get3A_606 masked %ge3A_608 {strides = array<i32>} : memref<16400xi32, #tpu.memory_space<vmem>>, vector<16xi32>, vector<16xi1>
        %swap3A_629 = arith.index_cast %scan3A_603 : i32 to index
        %swap3A_630 = tpu.vector_load %arg9[%swap3A_629] masked %ge3A_608 {strides = array<i32>} : memref<16400xi32, #tpu.memory_space<vmem>>, vector<16xi32>, vector<16xi1>
        tpu.vector_store %arg9[%swap3A_629], %add3A_621 masked %ge3A_608 {strides = array<i32>} : memref<16400xi32, #tpu.memory_space<vmem>>, vector<16xi32>, vector<16xi1>
        %add3A_631 = arith.addi %scan3A_603, %reduce_sum3A_616 : i32
        scf.yield %add3A_631 : i32
      } else {
        scf.yield %scan3A_603 : i32
      }
      scf.yield %cond3A_627 : i32
    }
    %scan3A_94 = arith.constant 930 : i32
    "tpu.trace_stop"() : () -> ()
    %add3A_95 = arith.constant 256 : i32
    %add3A_96 = arith.addi %scan3A_93, %add3A_95 : i32
    %sub3A_97 = arith.constant 1 : i32
    %sub3A_98 = arith.subi %add3A_96, %sub3A_97 : i32
    %jit3A_99 = arith.constant 256 : i32
    %div3A_100 = arith.divsi %sub3A_98, %jit3A_99 : i32
    %sign3A_101 = arith.constant 0 : i32
    %sign3A_102 = arith.cmpi sgt, %sub3A_98, %sign3A_101 : i32
    %sign3A_103 = arith.extui %sign3A_102 : i1 to i32
    %sign3A_104 = arith.constant 0 : i32
    %sign3A_105 = arith.cmpi slt, %sub3A_98, %sign3A_104 : i32
    %sign3A_106 = arith.extui %sign3A_105 : i1 to i32
    %sign3A_107 = arith.subi %sign3A_103, %sign3A_106 : i32
    %sign3A_108 = arith.constant 0 : i32
    %sign3A_109 = arith.cmpi sgt, %jit3A_99, %sign3A_108 : i32
    %sign3A_110 = arith.extui %sign3A_109 : i1 to i32
    %sign3A_111 = arith.constant 0 : i32
    %sign3A_112 = arith.cmpi slt, %jit3A_99, %sign3A_111 : i32
    %sign3A_113 = arith.extui %sign3A_112 : i1 to i32
    %sign3A_114 = arith.subi %sign3A_110, %sign3A_113 : i32
    %ne3A_115 = arith.cmpi ne, %sign3A_107, %sign3A_114 : i32
    %rem3A_116 = arith.remsi %sub3A_98, %jit3A_99 : i32
    %ne3A_117 = arith.constant 0 : i32
    %ne3A_118 = arith.cmpi ne, %rem3A_116, %ne3A_117 : i32
    %and3A_119 = arith.andi %ne3A_115, %ne3A_118 : i1
    %sub3A_120 = arith.constant 1 : i32
    %sub3A_121 = arith.subi %div3A_100, %sub3A_120 : i32
    %select_n3A_122 = arith.select %and3A_119, %sub3A_121, %div3A_100 : i32
    %gt3A = arith.constant 0 : i32
    "tpu.trace_start"() <{level = 10 : i32, message = "fill"}> : () -> ()
    %gt3A_123 = arith.cmpi sgt, %scan3A_93, %gt3A : i32
    %convert_element_type3A = arith.extui %gt3A_123 : i1 to i32
    %cond3A = arith.constant 0 : i32
    %cond3A_124 = arith.constant 0 : i32
    %cond3A_125 = arith.cmpi ne, %convert_element_type3A, %cond3A_124 : i32
    %cond3A_126 = scf.if %cond3A_125 -> (i32) {
      %get3A = arith.constant 0 : index
      %get3A_602 = tpu.vector_load %arg8[%get3A] {strides = array<i32>} : memref<16400xi32, #tpu.memory_space<vmem>>, vector<16xi32>,
      %get3A_603 = arith.constant 0 : index
      %get3A_604 = tpu.vector_load %arg9[%get3A_603] {strides = array<i32>} : memref<16400xi32, #tpu.memory_space<vmem>>, vector<16xi32>,
      %eq3A = arith.constant 0 : i32
      %eq3A_605 = vector.broadcast %eq3A : i32 to vector<16xi32>
      %eq3A_606 = arith.cmpi eq, %iota3A, %eq3A_605 : vector<16xi32>
      %jit3A_607 = arith.constant 0 : i32
      %broadcast_in_dim3A_608 = vector.broadcast %jit3A_607 : i32 to vector<16xi32>
      %select_n3A_609 = arith.select %eq3A_606, %get3A_602, %broadcast_in_dim3A_608 : vector<16xi1>, vector<16xi32>
      %reduce_sum3A = arith.constant true
      %reduce_sum3A_610 = vector.broadcast %reduce_sum3A : i1 to vector<16xi1>
      %reduce_sum3A_611 = tpu.scan <sum>, %select_n3A_609 masked %reduce_sum3A_610 : vector<16xi32>, vector<16xi1> -> vector<16xi32>
      %reduce_sum3A_612 = vector.extract %reduce_sum3A_611[15] : i32 from vector<16xi32>
      %broadcast_in_dim3A_613 = vector.broadcast %reduce_sum3A_612 : i32 to vector<16xi32>
      %eq3A_614 = arith.constant 0 : i32
      %eq3A_615 = vector.broadcast %eq3A_614 : i32 to vector<16xi32>
      %eq3A_616 = arith.cmpi eq, %iota3A, %eq3A_615 : vector<16xi32>
      %jit3A_617 = arith.constant 0 : i32
      %broadcast_in_dim3A_618 = vector.broadcast %jit3A_617 : i32 to vector<16xi32>
      %select_n3A_619 = arith.select %eq3A_616, %get3A_604, %broadcast_in_dim3A_618 : vector<16xi1>, vector<16xi32>
      %reduce_sum3A_620 = arith.constant true
      %reduce_sum3A_621 = vector.broadcast %reduce_sum3A_620 : i1 to vector<16xi1>
      %reduce_sum3A_622 = tpu.scan <sum>, %select_n3A_619 masked %reduce_sum3A_621 : vector<16xi32>, vector<16xi1> -> vector<16xi32>
      %reduce_sum3A_623 = vector.extract %reduce_sum3A_622[15] : i32 from vector<16xi32>
      %broadcast_in_dim3A_624 = vector.broadcast %reduce_sum3A_623 : i32 to vector<16xi32>
      %jit3A_625 = arith.constant 16 : i32
      %div3A_626 = arith.divsi %scan3A_93, %jit3A_625 : i32
      %sign3A_627 = arith.constant 0 : i32
      %sign3A_628 = arith.cmpi sgt, %scan3A_93, %sign3A_627 : i32
      %sign3A_629 = arith.extui %sign3A_628 : i1 to i32
      %sign3A_630 = arith.constant 0 : i32
      %sign3A_631 = arith.cmpi slt, %scan3A_93, %sign3A_630 : i32
      %sign3A_632 = arith.extui %sign3A_631 : i1 to i32
      %sign3A_633 = arith.subi %sign3A_629, %sign3A_632 : i32
      %sign3A_634 = arith.constant 0 : i32
      %sign3A_635 = arith.cmpi sgt, %jit3A_625, %sign3A_634 : i32
      %sign3A_636 = arith.extui %sign3A_635 : i1 to i32
      %sign3A_637 = arith.constant 0 : i32
      %sign3A_638 = arith.cmpi slt, %jit3A_625, %sign3A_637 : i32
      %sign3A_639 = arith.extui %sign3A_638 : i1 to i32
      %sign3A_640 = arith.subi %sign3A_636, %sign3A_639 : i32
      %ne3A_641 = arith.cmpi ne, %sign3A_633, %sign3A_640 : i32
      %rem3A_642 = arith.remsi %scan3A_93, %jit3A_625 : i32
      %ne3A_643 = arith.constant 0 : i32
      %ne3A_644 = arith.cmpi ne, %rem3A_642, %ne3A_643 : i32
      %and3A_645 = arith.andi %ne3A_641, %ne3A_644 : i1
      %sub3A_646 = arith.constant 1 : i32
      %sub3A_647 = arith.subi %div3A_626, %sub3A_646 : i32
      %select_n3A_648 = arith.select %and3A_645, %sub3A_647, %div3A_626 : i32
      %mul3A_649 = arith.constant 16 : i32
      %mul3A_650 = arith.muli %select_n3A_122, %mul3A_649 : i32
      %while3A_651 = arith.constant 0 : i32
      %while3A_652 = arith.subi %mul3A_650, %select_n3A_648 : i32
      %while3A_653 = arith.addi %select_n3A_648, %while3A_652 : i32
      %while3A_654 = arith.constant 1 : i32
      %while3A_655 = arith.divsi %while3A_652, %while3A_654 : i32
      %while3A_656 = arith.muli %while3A_655, %while3A_654 : i32
      %while3A_657 = arith.addi %select_n3A_648, %while3A_656 : i32
      %while3A_658 = arith.constant 1 : i32
      scf.for %while3A_661 = %select_n3A_648 to %while3A_657 step %while3A_658  : i32 {
        %mul3A_662 = arith.constant 16 : i32
        %mul3A_663 = arith.muli %while3A_661, %mul3A_662 : i32
        %add3A_664 = vector.broadcast %mul3A_663 : i32 to vector<16xi32>
        %add3A_665 = arith.addi %add3A_664, %iota3A : vector<16xi32>
        %ge3A = vector.broadcast %scan3A_93 : i32 to vector<16xi32>
        %ge3A_666 = arith.cmpi sge, %add3A_665, %ge3A : vector<16xi32>
        %mul3A_667 = arith.constant 16 : i32
        %mul3A_668 = arith.muli %while3A_661, %mul3A_667 : i32
        %get3A_669 = arith.index_cast %mul3A_668 : i32 to index
        %get3A_670 = tpu.vector_load %arg8[%get3A_669] {strides = array<i32>} : memref<16400xi32, #tpu.memory_space<vmem>>, vector<16xi32>,
        %mul3A_671 = arith.constant 16 : i32
        %mul3A_672 = arith.muli %while3A_661, %mul3A_671 : i32
        %get3A_673 = arith.index_cast %mul3A_672 : i32 to index
        %get3A_674 = tpu.vector_load %arg9[%get3A_673] {strides = array<i32>} : memref<16400xi32, #tpu.memory_space<vmem>>, vector<16xi32>,
        %select_n3A_675 = arith.select %ge3A_666, %broadcast_in_dim3A_613, %get3A_670 : vector<16xi1>, vector<16xi32>
        %mul3A_676 = arith.constant 16 : i32
        %mul3A_677 = arith.muli %while3A_661, %mul3A_676 : i32
        %swap3A = arith.index_cast %mul3A_677 : i32 to index
        %swap3A_678 = tpu.vector_load %arg8[%swap3A] {strides = array<i32>} : memref<16400xi32, #tpu.memory_space<vmem>>, vector<16xi32>,
        tpu.vector_store %arg8[%swap3A], %select_n3A_675 {strides = array<i32>} : memref<16400xi32, #tpu.memory_space<vmem>>, vector<16xi32>,
        %select_n3A_679 = arith.select %ge3A_666, %broadcast_in_dim3A_624, %get3A_674 : vector<16xi1>, vector<16xi32>
        %mul3A_680 = arith.constant 16 : i32
        %mul3A_681 = arith.muli %while3A_661, %mul3A_680 : i32
        %swap3A_682 = arith.index_cast %mul3A_681 : i32 to index
        %swap3A_683 = tpu.vector_load %arg9[%swap3A_682] {strides = array<i32>} : memref<16400xi32, #tpu.memory_space<vmem>>, vector<16xi32>,
        tpu.vector_store %arg9[%swap3A_682], %select_n3A_679 {strides = array<i32>} : memref<16400xi32, #tpu.memory_space<vmem>>, vector<16xi32>,
      }
      %while3A_659 = arith.constant 1 : i32
      scf.for %while3A_661 = %while3A_657 to %while3A_653 step %while3A_659  : i32 {
        %mul3A_662 = arith.constant 16 : i32
        %mul3A_663 = arith.muli %while3A_661, %mul3A_662 : i32
        %add3A_664 = vector.broadcast %mul3A_663 : i32 to vector<16xi32>
        %add3A_665 = arith.addi %add3A_664, %iota3A : vector<16xi32>
        %ge3A = vector.broadcast %scan3A_93 : i32 to vector<16xi32>
        %ge3A_666 = arith.cmpi sge, %add3A_665, %ge3A : vector<16xi32>
        %mul3A_667 = arith.constant 16 : i32
        %mul3A_668 = arith.muli %while3A_661, %mul3A_667 : i32
        %get3A_669 = arith.index_cast %mul3A_668 : i32 to index
        %get3A_670 = tpu.vector_load %arg8[%get3A_669] {strides = array<i32>} : memref<16400xi32, #tpu.memory_space<vmem>>, vector<16xi32>,
        %mul3A_671 = arith.constant 16 : i32
        %mul3A_672 = arith.muli %while3A_661, %mul3A_671 : i32
        %get3A_673 = arith.index_cast %mul3A_672 : i32 to index
        %get3A_674 = tpu.vector_load %arg9[%get3A_673] {strides = array<i32>} : memref<16400xi32, #tpu.memory_space<vmem>>, vector<16xi32>,
        %select_n3A_675 = arith.select %ge3A_666, %broadcast_in_dim3A_613, %get3A_670 : vector<16xi1>, vector<16xi32>
        %mul3A_676 = arith.constant 16 : i32
        %mul3A_677 = arith.muli %while3A_661, %mul3A_676 : i32
        %swap3A = arith.index_cast %mul3A_677 : i32 to index
        %swap3A_678 = tpu.vector_load %arg8[%swap3A] {strides = array<i32>} : memref<16400xi32, #tpu.memory_space<vmem>>, vector<16xi32>,
        tpu.vector_store %arg8[%swap3A], %select_n3A_675 {strides = array<i32>} : memref<16400xi32, #tpu.memory_space<vmem>>, vector<16xi32>,
        %select_n3A_679 = arith.select %ge3A_666, %broadcast_in_dim3A_624, %get3A_674 : vector<16xi1>, vector<16xi32>
        %mul3A_680 = arith.constant 16 : i32
        %mul3A_681 = arith.muli %while3A_661, %mul3A_680 : i32
        %swap3A_682 = arith.index_cast %mul3A_681 : i32 to index
        %swap3A_683 = tpu.vector_load %arg9[%swap3A_682] {strides = array<i32>} : memref<16400xi32, #tpu.memory_space<vmem>>, vector<16xi32>,
        tpu.vector_store %arg9[%swap3A_682], %select_n3A_679 {strides = array<i32>} : memref<16400xi32, #tpu.memory_space<vmem>>, vector<16xi32>,
      }
      %cond3A_660 = arith.constant 0 : i32
      scf.yield %cond3A_660 : i32
    } else {
      scf.yield %cond3A : i32
    }
    "tpu.trace_stop"() : () -> ()
    "tpu.trace_start"() <{level = 10 : i32, message = "slicecopy"}> : () -> ()
    %add3A_127 = arith.constant 0 : i32
    %add3A_128 = arith.addi %multiple_of3A, %add3A_127 : i32
    %multiple_of3A_129 = tpu.assume_multiple %add3A_128, 8 : i32
    %dma_start3A = arith.constant 0 : i32
    %dma_start3A_130 = tpu.memref_slice %arg4[%multiple_of3A_129, %dma_start3A] : memref<1000000x16xf32, #tpu.memory_space<hbm>> -> memref<1488x16xf32, #tpu.memory_space<hbm>>
    %dma_start3A_131 = arith.constant 0 : i32
    %dma_start3A_132 = tpu.memref_slice %arg4[%multiple_of3A_129, %dma_start3A_131] : memref<1000000x16xf32, #tpu.memory_space<hbm>> -> memref<1488x16xf32, #tpu.memory_space<hbm>>
    tpu.enqueue_dma source(%dma_start3A_132 : memref<1488x16xf32, #tpu.memory_space<hbm>>) target(%arg14 : memref<1488x16xf32, #tpu.memory_space<vmem>>) target_semaphore(%arg16 : memref<!tpu.dma_semaphore, #tpu.memory_space<semaphore_mem>>)
    %add3A_133 = arith.constant 1488 : i32
    %add3A_134 = arith.addi %multiple_of3A, %add3A_133 : i32
    %multiple_of3A_135 = tpu.assume_multiple %add3A_134, 8 : i32
    %dma_start3A_136 = arith.constant 0 : i32
    %dma_start3A_137 = tpu.memref_slice %arg4[%multiple_of3A_135, %dma_start3A_136] : memref<1000000x16xf32, #tpu.memory_space<hbm>> -> memref<1488x16xf32, #tpu.memory_space<hbm>>
    %dma_start3A_138 = arith.constant 0 : i32
    %dma_start3A_139 = tpu.memref_slice %arg4[%multiple_of3A_135, %dma_start3A_138] : memref<1000000x16xf32, #tpu.memory_space<hbm>> -> memref<1488x16xf32, #tpu.memory_space<hbm>>
    tpu.enqueue_dma source(%dma_start3A_139 : memref<1488x16xf32, #tpu.memory_space<hbm>>) target(%arg15 : memref<1488x16xf32, #tpu.memory_space<vmem>>) target_semaphore(%arg17 : memref<!tpu.dma_semaphore, #tpu.memory_space<semaphore_mem>>)
    %dma_wait3A = arith.constant 0 : i32
    %dma_wait3A_140 = tpu.memref_slice %arg4[%multiple_of3A_129, %dma_wait3A] : memref<1000000x16xf32, #tpu.memory_space<hbm>> -> memref<1488x16xf32, #tpu.memory_space<hbm>>
    %dma_wait3A_141 = arith.constant 0 : i32
    %dma_wait3A_142 = tpu.memref_slice %arg4[%multiple_of3A_129, %dma_wait3A_141] : memref<1000000x16xf32, #tpu.memory_space<hbm>> -> memref<1488x16xf32, #tpu.memory_space<hbm>>
    tpu.wait_dma2 semaphore(%arg16 : memref<!tpu.dma_semaphore, #tpu.memory_space<semaphore_mem>>) src(%dma_wait3A_142 : memref<1488x16xf32, #tpu.memory_space<hbm>>) dst(%arg14 : memref<1488x16xf32, #tpu.memory_space<vmem>>)
    %add3A_143 = arith.constant 0 : i32
    %add3A_144 = arith.addi %multiple_of3A, %add3A_143 : i32
    %multiple_of3A_145 = tpu.assume_multiple %add3A_144, 8 : i32
    %dma_start3A_146 = arith.constant 0 : i32
    %dma_start3A_147 = tpu.memref_slice %arg5[%multiple_of3A_145, %dma_start3A_146] : memref<1000000x16xf32, #tpu.memory_space<hbm>> -> memref<1488x16xf32, #tpu.memory_space<hbm>>
    %dma_start3A_148 = arith.constant 0 : i32
    %dma_start3A_149 = tpu.memref_slice %arg5[%multiple_of3A_145, %dma_start3A_148] : memref<1000000x16xf32, #tpu.memory_space<hbm>> -> memref<1488x16xf32, #tpu.memory_space<hbm>>
    tpu.enqueue_dma source(%arg14 : memref<1488x16xf32, #tpu.memory_space<vmem>>) target(%dma_start3A_149 : memref<1488x16xf32, #tpu.memory_space<hbm>>) target_semaphore(%arg18 : memref<!tpu.dma_semaphore, #tpu.memory_space<semaphore_mem>>)
    %dma_wait3A_150 = arith.constant 0 : i32
    %dma_wait3A_151 = tpu.memref_slice %arg5[%multiple_of3A_145, %dma_wait3A_150] : memref<1000000x16xf32, #tpu.memory_space<hbm>> -> memref<1488x16xf32, #tpu.memory_space<hbm>>
    %dma_wait3A_152 = arith.constant 0 : i32
    %dma_wait3A_153 = tpu.memref_slice %arg5[%multiple_of3A_145, %dma_wait3A_152] : memref<1000000x16xf32, #tpu.memory_space<hbm>> -> memref<1488x16xf32, #tpu.memory_space<hbm>>
    tpu.wait_dma2 semaphore(%arg18 : memref<!tpu.dma_semaphore, #tpu.memory_space<semaphore_mem>>) src(%arg14 : memref<1488x16xf32, #tpu.memory_space<vmem>>) dst(%dma_wait3A_153 : memref<1488x16xf32, #tpu.memory_space<hbm>>)
    %add3A_154 = arith.constant 2976 : i32
    %add3A_155 = arith.addi %multiple_of3A, %add3A_154 : i32
    %multiple_of3A_156 = tpu.assume_multiple %add3A_155, 8 : i32
    %dma_start3A_157 = arith.constant 0 : i32
    %dma_start3A_158 = tpu.memref_slice %arg4[%multiple_of3A_156, %dma_start3A_157] : memref<1000000x16xf32, #tpu.memory_space<hbm>> -> memref<1488x16xf32, #tpu.memory_space<hbm>>
    %dma_start3A_159 = arith.constant 0 : i32
    %dma_start3A_160 = tpu.memref_slice %arg4[%multiple_of3A_156, %dma_start3A_159] : memref<1000000x16xf32, #tpu.memory_space<hbm>> -> memref<1488x16xf32, #tpu.memory_space<hbm>>
    tpu.enqueue_dma source(%dma_start3A_160 : memref<1488x16xf32, #tpu.memory_space<hbm>>) target(%arg14 : memref<1488x16xf32, #tpu.memory_space<vmem>>) target_semaphore(%arg16 : memref<!tpu.dma_semaphore, #tpu.memory_space<semaphore_mem>>)
    %dma_wait3A_161 = arith.constant 0 : i32
    %dma_wait3A_162 = tpu.memref_slice %arg4[%multiple_of3A_135, %dma_wait3A_161] : memref<1000000x16xf32, #tpu.memory_space<hbm>> -> memref<1488x16xf32, #tpu.memory_space<hbm>>
    %dma_wait3A_163 = arith.constant 0 : i32
    %dma_wait3A_164 = tpu.memref_slice %arg4[%multiple_of3A_135, %dma_wait3A_163] : memref<1000000x16xf32, #tpu.memory_space<hbm>> -> memref<1488x16xf32, #tpu.memory_space<hbm>>
    tpu.wait_dma2 semaphore(%arg17 : memref<!tpu.dma_semaphore, #tpu.memory_space<semaphore_mem>>) src(%dma_wait3A_164 : memref<1488x16xf32, #tpu.memory_space<hbm>>) dst(%arg15 : memref<1488x16xf32, #tpu.memory_space<vmem>>)
    %add3A_165 = arith.constant 1488 : i32
    %add3A_166 = arith.addi %multiple_of3A, %add3A_165 : i32
    %multiple_of3A_167 = tpu.assume_multiple %add3A_166, 8 : i32
    %dma_start3A_168 = arith.constant 0 : i32
    %dma_start3A_169 = tpu.memref_slice %arg5[%multiple_of3A_167, %dma_start3A_168] : memref<1000000x16xf32, #tpu.memory_space<hbm>> -> memref<1488x16xf32, #tpu.memory_space<hbm>>
    %dma_start3A_170 = arith.constant 0 : i32
    %dma_start3A_171 = tpu.memref_slice %arg5[%multiple_of3A_167, %dma_start3A_170] : memref<1000000x16xf32, #tpu.memory_space<hbm>> -> memref<1488x16xf32, #tpu.memory_space<hbm>>
    tpu.enqueue_dma source(%arg15 : memref<1488x16xf32, #tpu.memory_space<vmem>>) target(%dma_start3A_171 : memref<1488x16xf32, #tpu.memory_space<hbm>>) target_semaphore(%arg19 : memref<!tpu.dma_semaphore, #tpu.memory_space<semaphore_mem>>)
    %dma_wait3A_172 = arith.constant 0 : i32
    %dma_wait3A_173 = tpu.memref_slice %arg5[%multiple_of3A_167, %dma_wait3A_172] : memref<1000000x16xf32, #tpu.memory_space<hbm>> -> memref<1488x16xf32, #tpu.memory_space<hbm>>
    %dma_wait3A_174 = arith.constant 0 : i32
    %dma_wait3A_175 = tpu.memref_slice %arg5[%multiple_of3A_167, %dma_wait3A_174] : memref<1000000x16xf32, #tpu.memory_space<hbm>> -> memref<1488x16xf32, #tpu.memory_space<hbm>>
    tpu.wait_dma2 semaphore(%arg19 : memref<!tpu.dma_semaphore, #tpu.memory_space<semaphore_mem>>) src(%arg15 : memref<1488x16xf32, #tpu.memory_space<vmem>>) dst(%dma_wait3A_175 : memref<1488x16xf32, #tpu.memory_space<hbm>>)
    %add3A_176 = arith.constant 4464 : i32
    %add3A_177 = arith.addi %multiple_of3A, %add3A_176 : i32
    %multiple_of3A_178 = tpu.assume_multiple %add3A_177, 8 : i32
    %dma_start3A_179 = arith.constant 0 : i32
    %dma_start3A_180 = tpu.memref_slice %arg4[%multiple_of3A_178, %dma_start3A_179] : memref<1000000x16xf32, #tpu.memory_space<hbm>> -> memref<1488x16xf32, #tpu.memory_space<hbm>>
    %dma_start3A_181 = arith.constant 0 : i32
    %dma_start3A_182 = tpu.memref_slice %arg4[%multiple_of3A_178, %dma_start3A_181] : memref<1000000x16xf32, #tpu.memory_space<hbm>> -> memref<1488x16xf32, #tpu.memory_space<hbm>>
    tpu.enqueue_dma source(%dma_start3A_182 : memref<1488x16xf32, #tpu.memory_space<hbm>>) target(%arg15 : memref<1488x16xf32, #tpu.memory_space<vmem>>) target_semaphore(%arg17 : memref<!tpu.dma_semaphore, #tpu.memory_space<semaphore_mem>>)
    %dma_wait3A_183 = arith.constant 0 : i32
    %dma_wait3A_184 = tpu.memref_slice %arg4[%multiple_of3A_156, %dma_wait3A_183] : memref<1000000x16xf32, #tpu.memory_space<hbm>> -> memref<1488x16xf32, #tpu.memory_space<hbm>>
    %dma_wait3A_185 = arith.constant 0 : i32
    %dma_wait3A_186 = tpu.memref_slice %arg4[%multiple_of3A_156, %dma_wait3A_185] : memref<1000000x16xf32, #tpu.memory_space<hbm>> -> memref<1488x16xf32, #tpu.memory_space<hbm>>
    tpu.wait_dma2 semaphore(%arg16 : memref<!tpu.dma_semaphore, #tpu.memory_space<semaphore_mem>>) src(%dma_wait3A_186 : memref<1488x16xf32, #tpu.memory_space<hbm>>) dst(%arg14 : memref<1488x16xf32, #tpu.memory_space<vmem>>)
    %add3A_187 = arith.constant 2976 : i32
    %add3A_188 = arith.addi %multiple_of3A, %add3A_187 : i32
    %multiple_of3A_189 = tpu.assume_multiple %add3A_188, 8 : i32
    %dma_start3A_190 = arith.constant 0 : i32
    %dma_start3A_191 = tpu.memref_slice %arg5[%multiple_of3A_189, %dma_start3A_190] : memref<1000000x16xf32, #tpu.memory_space<hbm>> -> memref<1488x16xf32, #tpu.memory_space<hbm>>
    %dma_start3A_192 = arith.constant 0 : i32
    %dma_start3A_193 = tpu.memref_slice %arg5[%multiple_of3A_189, %dma_start3A_192] : memref<1000000x16xf32, #tpu.memory_space<hbm>> -> memref<1488x16xf32, #tpu.memory_space<hbm>>
    tpu.enqueue_dma source(%arg14 : memref<1488x16xf32, #tpu.memory_space<vmem>>) target(%dma_start3A_193 : memref<1488x16xf32, #tpu.memory_space<hbm>>) target_semaphore(%arg18 : memref<!tpu.dma_semaphore, #tpu.memory_space<semaphore_mem>>)
    %dma_wait3A_194 = arith.constant 0 : i32
    %dma_wait3A_195 = tpu.memref_slice %arg5[%multiple_of3A_189, %dma_wait3A_194] : memref<1000000x16xf32, #tpu.memory_space<hbm>> -> memref<1488x16xf32, #tpu.memory_space<hbm>>
    %dma_wait3A_196 = arith.constant 0 : i32
    %dma_wait3A_197 = tpu.memref_slice %arg5[%multiple_of3A_189, %dma_wait3A_196] : memref<1000000x16xf32, #tpu.memory_space<hbm>> -> memref<1488x16xf32, #tpu.memory_space<hbm>>
    tpu.wait_dma2 semaphore(%arg18 : memref<!tpu.dma_semaphore, #tpu.memory_space<semaphore_mem>>) src(%arg14 : memref<1488x16xf32, #tpu.memory_space<vmem>>) dst(%dma_wait3A_197 : memref<1488x16xf32, #tpu.memory_space<hbm>>)
    %add3A_198 = arith.constant 5952 : i32
    %add3A_199 = arith.addi %multiple_of3A, %add3A_198 : i32
    %multiple_of3A_200 = tpu.assume_multiple %add3A_199, 8 : i32
    %dma_start3A_201 = arith.constant 0 : i32
    %dma_start3A_202 = tpu.memref_slice %arg4[%multiple_of3A_200, %dma_start3A_201] : memref<1000000x16xf32, #tpu.memory_space<hbm>> -> memref<1488x16xf32, #tpu.memory_space<hbm>>
    %dma_start3A_203 = arith.constant 0 : i32
    %dma_start3A_204 = tpu.memref_slice %arg4[%multiple_of3A_200, %dma_start3A_203] : memref<1000000x16xf32, #tpu.memory_space<hbm>> -> memref<1488x16xf32, #tpu.memory_space<hbm>>
    tpu.enqueue_dma source(%dma_start3A_204 : memref<1488x16xf32, #tpu.memory_space<hbm>>) target(%arg14 : memref<1488x16xf32, #tpu.memory_space<vmem>>) target_semaphore(%arg16 : memref<!tpu.dma_semaphore, #tpu.memory_space<semaphore_mem>>)
    %dma_wait3A_205 = arith.constant 0 : i32
    %dma_wait3A_206 = tpu.memref_slice %arg4[%multiple_of3A_178, %dma_wait3A_205] : memref<1000000x16xf32, #tpu.memory_space<hbm>> -> memref<1488x16xf32, #tpu.memory_space<hbm>>
    %dma_wait3A_207 = arith.constant 0 : i32
    %dma_wait3A_208 = tpu.memref_slice %arg4[%multiple_of3A_178, %dma_wait3A_207] : memref<1000000x16xf32, #tpu.memory_space<hbm>> -> memref<1488x16xf32, #tpu.memory_space<hbm>>
    tpu.wait_dma2 semaphore(%arg17 : memref<!tpu.dma_semaphore, #tpu.memory_space<semaphore_mem>>) src(%dma_wait3A_208 : memref<1488x16xf32, #tpu.memory_space<hbm>>) dst(%arg15 : memref<1488x16xf32, #tpu.memory_space<vmem>>)
    %add3A_209 = arith.constant 4464 : i32
    %add3A_210 = arith.addi %multiple_of3A, %add3A_209 : i32
    %multiple_of3A_211 = tpu.assume_multiple %add3A_210, 8 : i32
    %dma_start3A_212 = arith.constant 0 : i32
    %dma_start3A_213 = tpu.memref_slice %arg5[%multiple_of3A_211, %dma_start3A_212] : memref<1000000x16xf32, #tpu.memory_space<hbm>> -> memref<1488x16xf32, #tpu.memory_space<hbm>>
    %dma_start3A_214 = arith.constant 0 : i32
    %dma_start3A_215 = tpu.memref_slice %arg5[%multiple_of3A_211, %dma_start3A_214] : memref<1000000x16xf32, #tpu.memory_space<hbm>> -> memref<1488x16xf32, #tpu.memory_space<hbm>>
    tpu.enqueue_dma source(%arg15 : memref<1488x16xf32, #tpu.memory_space<vmem>>) target(%dma_start3A_215 : memref<1488x16xf32, #tpu.memory_space<hbm>>) target_semaphore(%arg19 : memref<!tpu.dma_semaphore, #tpu.memory_space<semaphore_mem>>)
    %dma_wait3A_216 = arith.constant 0 : i32
    %dma_wait3A_217 = tpu.memref_slice %arg5[%multiple_of3A_211, %dma_wait3A_216] : memref<1000000x16xf32, #tpu.memory_space<hbm>> -> memref<1488x16xf32, #tpu.memory_space<hbm>>
    %dma_wait3A_218 = arith.constant 0 : i32
    %dma_wait3A_219 = tpu.memref_slice %arg5[%multiple_of3A_211, %dma_wait3A_218] : memref<1000000x16xf32, #tpu.memory_space<hbm>> -> memref<1488x16xf32, #tpu.memory_space<hbm>>
    tpu.wait_dma2 semaphore(%arg19 : memref<!tpu.dma_semaphore, #tpu.memory_space<semaphore_mem>>) src(%arg15 : memref<1488x16xf32, #tpu.memory_space<vmem>>) dst(%dma_wait3A_219 : memref<1488x16xf32, #tpu.memory_space<hbm>>)
    %add3A_220 = arith.constant 7440 : i32
    %add3A_221 = arith.addi %multiple_of3A, %add3A_220 : i32
    %multiple_of3A_222 = tpu.assume_multiple %add3A_221, 8 : i32
    %dma_start3A_223 = arith.constant 0 : i32
    %dma_start3A_224 = tpu.memref_slice %arg4[%multiple_of3A_222, %dma_start3A_223] : memref<1000000x16xf32, #tpu.memory_space<hbm>> -> memref<1488x16xf32, #tpu.memory_space<hbm>>
    %dma_start3A_225 = arith.constant 0 : i32
    %dma_start3A_226 = tpu.memref_slice %arg4[%multiple_of3A_222, %dma_start3A_225] : memref<1000000x16xf32, #tpu.memory_space<hbm>> -> memref<1488x16xf32, #tpu.memory_space<hbm>>
    tpu.enqueue_dma source(%dma_start3A_226 : memref<1488x16xf32, #tpu.memory_space<hbm>>) target(%arg15 : memref<1488x16xf32, #tpu.memory_space<vmem>>) target_semaphore(%arg17 : memref<!tpu.dma_semaphore, #tpu.memory_space<semaphore_mem>>)
    %dma_wait3A_227 = arith.constant 0 : i32
    %dma_wait3A_228 = tpu.memref_slice %arg4[%multiple_of3A_200, %dma_wait3A_227] : memref<1000000x16xf32, #tpu.memory_space<hbm>> -> memref<1488x16xf32, #tpu.memory_space<hbm>>
    %dma_wait3A_229 = arith.constant 0 : i32
    %dma_wait3A_230 = tpu.memref_slice %arg4[%multiple_of3A_200, %dma_wait3A_229] : memref<1000000x16xf32, #tpu.memory_space<hbm>> -> memref<1488x16xf32, #tpu.memory_space<hbm>>
    tpu.wait_dma2 semaphore(%arg16 : memref<!tpu.dma_semaphore, #tpu.memory_space<semaphore_mem>>) src(%dma_wait3A_230 : memref<1488x16xf32, #tpu.memory_space<hbm>>) dst(%arg14 : memref<1488x16xf32, #tpu.memory_space<vmem>>)
    %add3A_231 = arith.constant 5952 : i32
    %add3A_232 = arith.addi %multiple_of3A, %add3A_231 : i32
    %multiple_of3A_233 = tpu.assume_multiple %add3A_232, 8 : i32
    %dma_start3A_234 = arith.constant 0 : i32
    %dma_start3A_235 = tpu.memref_slice %arg5[%multiple_of3A_233, %dma_start3A_234] : memref<1000000x16xf32, #tpu.memory_space<hbm>> -> memref<1488x16xf32, #tpu.memory_space<hbm>>
    %dma_start3A_236 = arith.constant 0 : i32
    %dma_start3A_237 = tpu.memref_slice %arg5[%multiple_of3A_233, %dma_start3A_236] : memref<1000000x16xf32, #tpu.memory_space<hbm>> -> memref<1488x16xf32, #tpu.memory_space<hbm>>
    tpu.enqueue_dma source(%arg14 : memref<1488x16xf32, #tpu.memory_space<vmem>>) target(%dma_start3A_237 : memref<1488x16xf32, #tpu.memory_space<hbm>>) target_semaphore(%arg18 : memref<!tpu.dma_semaphore, #tpu.memory_space<semaphore_mem>>)
    %dma_wait3A_238 = arith.constant 0 : i32
    %dma_wait3A_239 = tpu.memref_slice %arg5[%multiple_of3A_233, %dma_wait3A_238] : memref<1000000x16xf32, #tpu.memory_space<hbm>> -> memref<1488x16xf32, #tpu.memory_space<hbm>>
    %dma_wait3A_240 = arith.constant 0 : i32
    %dma_wait3A_241 = tpu.memref_slice %arg5[%multiple_of3A_233, %dma_wait3A_240] : memref<1000000x16xf32, #tpu.memory_space<hbm>> -> memref<1488x16xf32, #tpu.memory_space<hbm>>
    tpu.wait_dma2 semaphore(%arg18 : memref<!tpu.dma_semaphore, #tpu.memory_space<semaphore_mem>>) src(%arg14 : memref<1488x16xf32, #tpu.memory_space<vmem>>) dst(%dma_wait3A_241 : memref<1488x16xf32, #tpu.memory_space<hbm>>)
    %add3A_242 = arith.constant 8928 : i32
    %add3A_243 = arith.addi %multiple_of3A, %add3A_242 : i32
    %multiple_of3A_244 = tpu.assume_multiple %add3A_243, 8 : i32
    %dma_start3A_245 = arith.constant 0 : i32
    %dma_start3A_246 = tpu.memref_slice %arg4[%multiple_of3A_244, %dma_start3A_245] : memref<1000000x16xf32, #tpu.memory_space<hbm>> -> memref<1488x16xf32, #tpu.memory_space<hbm>>
    %dma_start3A_247 = arith.constant 0 : i32
    %dma_start3A_248 = tpu.memref_slice %arg4[%multiple_of3A_244, %dma_start3A_247] : memref<1000000x16xf32, #tpu.memory_space<hbm>> -> memref<1488x16xf32, #tpu.memory_space<hbm>>
    tpu.enqueue_dma source(%dma_start3A_248 : memref<1488x16xf32, #tpu.memory_space<hbm>>) target(%arg14 : memref<1488x16xf32, #tpu.memory_space<vmem>>) target_semaphore(%arg16 : memref<!tpu.dma_semaphore, #tpu.memory_space<semaphore_mem>>)
    %dma_wait3A_249 = arith.constant 0 : i32
    %dma_wait3A_250 = tpu.memref_slice %arg4[%multiple_of3A_222, %dma_wait3A_249] : memref<1000000x16xf32, #tpu.memory_space<hbm>> -> memref<1488x16xf32, #tpu.memory_space<hbm>>
    %dma_wait3A_251 = arith.constant 0 : i32
    %dma_wait3A_252 = tpu.memref_slice %arg4[%multiple_of3A_222, %dma_wait3A_251] : memref<1000000x16xf32, #tpu.memory_space<hbm>> -> memref<1488x16xf32, #tpu.memory_space<hbm>>
    tpu.wait_dma2 semaphore(%arg17 : memref<!tpu.dma_semaphore, #tpu.memory_space<semaphore_mem>>) src(%dma_wait3A_252 : memref<1488x16xf32, #tpu.memory_space<hbm>>) dst(%arg15 : memref<1488x16xf32, #tpu.memory_space<vmem>>)
    %add3A_253 = arith.constant 7440 : i32
    %add3A_254 = arith.addi %multiple_of3A, %add3A_253 : i32
    %multiple_of3A_255 = tpu.assume_multiple %add3A_254, 8 : i32
    %dma_start3A_256 = arith.constant 0 : i32
    %dma_start3A_257 = tpu.memref_slice %arg5[%multiple_of3A_255, %dma_start3A_256] : memref<1000000x16xf32, #tpu.memory_space<hbm>> -> memref<1488x16xf32, #tpu.memory_space<hbm>>
    %dma_start3A_258 = arith.constant 0 : i32
    %dma_start3A_259 = tpu.memref_slice %arg5[%multiple_of3A_255, %dma_start3A_258] : memref<1000000x16xf32, #tpu.memory_space<hbm>> -> memref<1488x16xf32, #tpu.memory_space<hbm>>
    tpu.enqueue_dma source(%arg15 : memref<1488x16xf32, #tpu.memory_space<vmem>>) target(%dma_start3A_259 : memref<1488x16xf32, #tpu.memory_space<hbm>>) target_semaphore(%arg19 : memref<!tpu.dma_semaphore, #tpu.memory_space<semaphore_mem>>)
    %dma_wait3A_260 = arith.constant 0 : i32
    %dma_wait3A_261 = tpu.memref_slice %arg5[%multiple_of3A_255, %dma_wait3A_260] : memref<1000000x16xf32, #tpu.memory_space<hbm>> -> memref<1488x16xf32, #tpu.memory_space<hbm>>
    %dma_wait3A_262 = arith.constant 0 : i32
    %dma_wait3A_263 = tpu.memref_slice %arg5[%multiple_of3A_255, %dma_wait3A_262] : memref<1000000x16xf32, #tpu.memory_space<hbm>> -> memref<1488x16xf32, #tpu.memory_space<hbm>>
    tpu.wait_dma2 semaphore(%arg19 : memref<!tpu.dma_semaphore, #tpu.memory_space<semaphore_mem>>) src(%arg15 : memref<1488x16xf32, #tpu.memory_space<vmem>>) dst(%dma_wait3A_263 : memref<1488x16xf32, #tpu.memory_space<hbm>>)
    %add3A_264 = arith.constant 10416 : i32
    %add3A_265 = arith.addi %multiple_of3A, %add3A_264 : i32
    %multiple_of3A_266 = tpu.assume_multiple %add3A_265, 8 : i32
    %dma_start3A_267 = arith.constant 0 : i32
    %dma_start3A_268 = tpu.memref_slice %arg4[%multiple_of3A_266, %dma_start3A_267] : memref<1000000x16xf32, #tpu.memory_space<hbm>> -> memref<1488x16xf32, #tpu.memory_space<hbm>>
    %dma_start3A_269 = arith.constant 0 : i32
    %dma_start3A_270 = tpu.memref_slice %arg4[%multiple_of3A_266, %dma_start3A_269] : memref<1000000x16xf32, #tpu.memory_space<hbm>> -> memref<1488x16xf32, #tpu.memory_space<hbm>>
    tpu.enqueue_dma source(%dma_start3A_270 : memref<1488x16xf32, #tpu.memory_space<hbm>>) target(%arg15 : memref<1488x16xf32, #tpu.memory_space<vmem>>) target_semaphore(%arg17 : memref<!tpu.dma_semaphore, #tpu.memory_space<semaphore_mem>>)
    %dma_wait3A_271 = arith.constant 0 : i32
    %dma_wait3A_272 = tpu.memref_slice %arg4[%multiple_of3A_244, %dma_wait3A_271] : memref<1000000x16xf32, #tpu.memory_space<hbm>> -> memref<1488x16xf32, #tpu.memory_space<hbm>>
    %dma_wait3A_273 = arith.constant 0 : i32
    %dma_wait3A_274 = tpu.memref_slice %arg4[%multiple_of3A_244, %dma_wait3A_273] : memref<1000000x16xf32, #tpu.memory_space<hbm>> -> memref<1488x16xf32, #tpu.memory_space<hbm>>
    tpu.wait_dma2 semaphore(%arg16 : memref<!tpu.dma_semaphore, #tpu.memory_space<semaphore_mem>>) src(%dma_wait3A_274 : memref<1488x16xf32, #tpu.memory_space<hbm>>) dst(%arg14 : memref<1488x16xf32, #tpu.memory_space<vmem>>)
    %add3A_275 = arith.constant 8928 : i32
    %add3A_276 = arith.addi %multiple_of3A, %add3A_275 : i32
    %multiple_of3A_277 = tpu.assume_multiple %add3A_276, 8 : i32
    %dma_start3A_278 = arith.constant 0 : i32
    %dma_start3A_279 = tpu.memref_slice %arg5[%multiple_of3A_277, %dma_start3A_278] : memref<1000000x16xf32, #tpu.memory_space<hbm>> -> memref<1488x16xf32, #tpu.memory_space<hbm>>
    %dma_start3A_280 = arith.constant 0 : i32
    %dma_start3A_281 = tpu.memref_slice %arg5[%multiple_of3A_277, %dma_start3A_280] : memref<1000000x16xf32, #tpu.memory_space<hbm>> -> memref<1488x16xf32, #tpu.memory_space<hbm>>
    tpu.enqueue_dma source(%arg14 : memref<1488x16xf32, #tpu.memory_space<vmem>>) target(%dma_start3A_281 : memref<1488x16xf32, #tpu.memory_space<hbm>>) target_semaphore(%arg18 : memref<!tpu.dma_semaphore, #tpu.memory_space<semaphore_mem>>)
    %dma_wait3A_282 = arith.constant 0 : i32
    %dma_wait3A_283 = tpu.memref_slice %arg5[%multiple_of3A_277, %dma_wait3A_282] : memref<1000000x16xf32, #tpu.memory_space<hbm>> -> memref<1488x16xf32, #tpu.memory_space<hbm>>
    %dma_wait3A_284 = arith.constant 0 : i32
    %dma_wait3A_285 = tpu.memref_slice %arg5[%multiple_of3A_277, %dma_wait3A_284] : memref<1000000x16xf32, #tpu.memory_space<hbm>> -> memref<1488x16xf32, #tpu.memory_space<hbm>>
    tpu.wait_dma2 semaphore(%arg18 : memref<!tpu.dma_semaphore, #tpu.memory_space<semaphore_mem>>) src(%arg14 : memref<1488x16xf32, #tpu.memory_space<vmem>>) dst(%dma_wait3A_285 : memref<1488x16xf32, #tpu.memory_space<hbm>>)
    %add3A_286 = arith.constant 11904 : i32
    %add3A_287 = arith.addi %multiple_of3A, %add3A_286 : i32
    %multiple_of3A_288 = tpu.assume_multiple %add3A_287, 8 : i32
    %dma_start3A_289 = arith.constant 0 : i32
    %dma_start3A_290 = tpu.memref_slice %arg4[%multiple_of3A_288, %dma_start3A_289] : memref<1000000x16xf32, #tpu.memory_space<hbm>> -> memref<1488x16xf32, #tpu.memory_space<hbm>>
    %dma_start3A_291 = arith.constant 0 : i32
    %dma_start3A_292 = tpu.memref_slice %arg4[%multiple_of3A_288, %dma_start3A_291] : memref<1000000x16xf32, #tpu.memory_space<hbm>> -> memref<1488x16xf32, #tpu.memory_space<hbm>>
    tpu.enqueue_dma source(%dma_start3A_292 : memref<1488x16xf32, #tpu.memory_space<hbm>>) target(%arg14 : memref<1488x16xf32, #tpu.memory_space<vmem>>) target_semaphore(%arg16 : memref<!tpu.dma_semaphore, #tpu.memory_space<semaphore_mem>>)
    %dma_wait3A_293 = arith.constant 0 : i32
    %dma_wait3A_294 = tpu.memref_slice %arg4[%multiple_of3A_266, %dma_wait3A_293] : memref<1000000x16xf32, #tpu.memory_space<hbm>> -> memref<1488x16xf32, #tpu.memory_space<hbm>>
    %dma_wait3A_295 = arith.constant 0 : i32
    %dma_wait3A_296 = tpu.memref_slice %arg4[%multiple_of3A_266, %dma_wait3A_295] : memref<1000000x16xf32, #tpu.memory_space<hbm>> -> memref<1488x16xf32, #tpu.memory_space<hbm>>
    tpu.wait_dma2 semaphore(%arg17 : memref<!tpu.dma_semaphore, #tpu.memory_space<semaphore_mem>>) src(%dma_wait3A_296 : memref<1488x16xf32, #tpu.memory_space<hbm>>) dst(%arg15 : memref<1488x16xf32, #tpu.memory_space<vmem>>)
    %add3A_297 = arith.constant 10416 : i32
    %add3A_298 = arith.addi %multiple_of3A, %add3A_297 : i32
    %multiple_of3A_299 = tpu.assume_multiple %add3A_298, 8 : i32
    %dma_start3A_300 = arith.constant 0 : i32
    %dma_start3A_301 = tpu.memref_slice %arg5[%multiple_of3A_299, %dma_start3A_300] : memref<1000000x16xf32, #tpu.memory_space<hbm>> -> memref<1488x16xf32, #tpu.memory_space<hbm>>
    %dma_start3A_302 = arith.constant 0 : i32
    %dma_start3A_303 = tpu.memref_slice %arg5[%multiple_of3A_299, %dma_start3A_302] : memref<1000000x16xf32, #tpu.memory_space<hbm>> -> memref<1488x16xf32, #tpu.memory_space<hbm>>
    tpu.enqueue_dma source(%arg15 : memref<1488x16xf32, #tpu.memory_space<vmem>>) target(%dma_start3A_303 : memref<1488x16xf32, #tpu.memory_space<hbm>>) target_semaphore(%arg19 : memref<!tpu.dma_semaphore, #tpu.memory_space<semaphore_mem>>)
    %dma_wait3A_304 = arith.constant 0 : i32
    %dma_wait3A_305 = tpu.memref_slice %arg5[%multiple_of3A_299, %dma_wait3A_304] : memref<1000000x16xf32, #tpu.memory_space<hbm>> -> memref<1488x16xf32, #tpu.memory_space<hbm>>
    %dma_wait3A_306 = arith.constant 0 : i32
    %dma_wait3A_307 = tpu.memref_slice %arg5[%multiple_of3A_299, %dma_wait3A_306] : memref<1000000x16xf32, #tpu.memory_space<hbm>> -> memref<1488x16xf32, #tpu.memory_space<hbm>>
    tpu.wait_dma2 semaphore(%arg19 : memref<!tpu.dma_semaphore, #tpu.memory_space<semaphore_mem>>) src(%arg15 : memref<1488x16xf32, #tpu.memory_space<vmem>>) dst(%dma_wait3A_307 : memref<1488x16xf32, #tpu.memory_space<hbm>>)
    %add3A_308 = arith.constant 13392 : i32
    %add3A_309 = arith.addi %multiple_of3A, %add3A_308 : i32
    %multiple_of3A_310 = tpu.assume_multiple %add3A_309, 8 : i32
    %dma_start3A_311 = arith.constant 0 : i32
    %dma_start3A_312 = tpu.memref_slice %arg4[%multiple_of3A_310, %dma_start3A_311] : memref<1000000x16xf32, #tpu.memory_space<hbm>> -> memref<1488x16xf32, #tpu.memory_space<hbm>>
    %dma_start3A_313 = arith.constant 0 : i32
    %dma_start3A_314 = tpu.memref_slice %arg4[%multiple_of3A_310, %dma_start3A_313] : memref<1000000x16xf32, #tpu.memory_space<hbm>> -> memref<1488x16xf32, #tpu.memory_space<hbm>>
    tpu.enqueue_dma source(%dma_start3A_314 : memref<1488x16xf32, #tpu.memory_space<hbm>>) target(%arg15 : memref<1488x16xf32, #tpu.memory_space<vmem>>) target_semaphore(%arg17 : memref<!tpu.dma_semaphore, #tpu.memory_space<semaphore_mem>>)
    %dma_wait3A_315 = arith.constant 0 : i32
    %dma_wait3A_316 = tpu.memref_slice %arg4[%multiple_of3A_288, %dma_wait3A_315] : memref<1000000x16xf32, #tpu.memory_space<hbm>> -> memref<1488x16xf32, #tpu.memory_space<hbm>>
    %dma_wait3A_317 = arith.constant 0 : i32
    %dma_wait3A_318 = tpu.memref_slice %arg4[%multiple_of3A_288, %dma_wait3A_317] : memref<1000000x16xf32, #tpu.memory_space<hbm>> -> memref<1488x16xf32, #tpu.memory_space<hbm>>
    tpu.wait_dma2 semaphore(%arg16 : memref<!tpu.dma_semaphore, #tpu.memory_space<semaphore_mem>>) src(%dma_wait3A_318 : memref<1488x16xf32, #tpu.memory_space<hbm>>) dst(%arg14 : memref<1488x16xf32, #tpu.memory_space<vmem>>)
    %add3A_319 = arith.constant 11904 : i32
    %add3A_320 = arith.addi %multiple_of3A, %add3A_319 : i32
    %multiple_of3A_321 = tpu.assume_multiple %add3A_320, 8 : i32
    %dma_start3A_322 = arith.constant 0 : i32
    %dma_start3A_323 = tpu.memref_slice %arg5[%multiple_of3A_321, %dma_start3A_322] : memref<1000000x16xf32, #tpu.memory_space<hbm>> -> memref<1488x16xf32, #tpu.memory_space<hbm>>
    %dma_start3A_324 = arith.constant 0 : i32
    %dma_start3A_325 = tpu.memref_slice %arg5[%multiple_of3A_321, %dma_start3A_324] : memref<1000000x16xf32, #tpu.memory_space<hbm>> -> memref<1488x16xf32, #tpu.memory_space<hbm>>
    tpu.enqueue_dma source(%arg14 : memref<1488x16xf32, #tpu.memory_space<vmem>>) target(%dma_start3A_325 : memref<1488x16xf32, #tpu.memory_space<hbm>>) target_semaphore(%arg18 : memref<!tpu.dma_semaphore, #tpu.memory_space<semaphore_mem>>)
    %dma_wait3A_326 = arith.constant 0 : i32
    %dma_wait3A_327 = tpu.memref_slice %arg5[%multiple_of3A_321, %dma_wait3A_326] : memref<1000000x16xf32, #tpu.memory_space<hbm>> -> memref<1488x16xf32, #tpu.memory_space<hbm>>
    %dma_wait3A_328 = arith.constant 0 : i32
    %dma_wait3A_329 = tpu.memref_slice %arg5[%multiple_of3A_321, %dma_wait3A_328] : memref<1000000x16xf32, #tpu.memory_space<hbm>> -> memref<1488x16xf32, #tpu.memory_space<hbm>>
    tpu.wait_dma2 semaphore(%arg18 : memref<!tpu.dma_semaphore, #tpu.memory_space<semaphore_mem>>) src(%arg14 : memref<1488x16xf32, #tpu.memory_space<vmem>>) dst(%dma_wait3A_329 : memref<1488x16xf32, #tpu.memory_space<hbm>>)
    %add3A_330 = arith.constant 14880 : i32
    %add3A_331 = arith.addi %multiple_of3A, %add3A_330 : i32
    %multiple_of3A_332 = tpu.assume_multiple %add3A_331, 8 : i32
    %dma_start3A_333 = arith.constant 0 : i32
    %dma_start3A_334 = tpu.memref_slice %arg4[%multiple_of3A_332, %dma_start3A_333] : memref<1000000x16xf32, #tpu.memory_space<hbm>> -> memref<1488x16xf32, #tpu.memory_space<hbm>>
    %dma_start3A_335 = arith.constant 0 : i32
    %dma_start3A_336 = tpu.memref_slice %arg4[%multiple_of3A_332, %dma_start3A_335] : memref<1000000x16xf32, #tpu.memory_space<hbm>> -> memref<1488x16xf32, #tpu.memory_space<hbm>>
    tpu.enqueue_dma source(%dma_start3A_336 : memref<1488x16xf32, #tpu.memory_space<hbm>>) target(%arg14 : memref<1488x16xf32, #tpu.memory_space<vmem>>) target_semaphore(%arg16 : memref<!tpu.dma_semaphore, #tpu.memory_space<semaphore_mem>>)
    %dma_wait3A_337 = arith.constant 0 : i32
    %dma_wait3A_338 = tpu.memref_slice %arg4[%multiple_of3A_310, %dma_wait3A_337] : memref<1000000x16xf32, #tpu.memory_space<hbm>> -> memref<1488x16xf32, #tpu.memory_space<hbm>>
    %dma_wait3A_339 = arith.constant 0 : i32
    %dma_wait3A_340 = tpu.memref_slice %arg4[%multiple_of3A_310, %dma_wait3A_339] : memref<1000000x16xf32, #tpu.memory_space<hbm>> -> memref<1488x16xf32, #tpu.memory_space<hbm>>
    tpu.wait_dma2 semaphore(%arg17 : memref<!tpu.dma_semaphore, #tpu.memory_space<semaphore_mem>>) src(%dma_wait3A_340 : memref<1488x16xf32, #tpu.memory_space<hbm>>) dst(%arg15 : memref<1488x16xf32, #tpu.memory_space<vmem>>)
    %add3A_341 = arith.constant 13392 : i32
    %add3A_342 = arith.addi %multiple_of3A, %add3A_341 : i32
    %multiple_of3A_343 = tpu.assume_multiple %add3A_342, 8 : i32
    %dma_start3A_344 = arith.constant 0 : i32
    %dma_start3A_345 = tpu.memref_slice %arg5[%multiple_of3A_343, %dma_start3A_344] : memref<1000000x16xf32, #tpu.memory_space<hbm>> -> memref<1488x16xf32, #tpu.memory_space<hbm>>
    %dma_start3A_346 = arith.constant 0 : i32
    %dma_start3A_347 = tpu.memref_slice %arg5[%multiple_of3A_343, %dma_start3A_346] : memref<1000000x16xf32, #tpu.memory_space<hbm>> -> memref<1488x16xf32, #tpu.memory_space<hbm>>
    tpu.enqueue_dma source(%arg15 : memref<1488x16xf32, #tpu.memory_space<vmem>>) target(%dma_start3A_347 : memref<1488x16xf32, #tpu.memory_space<hbm>>) target_semaphore(%arg19 : memref<!tpu.dma_semaphore, #tpu.memory_space<semaphore_mem>>)
    %dma_wait3A_348 = arith.constant 0 : i32
    %dma_wait3A_349 = tpu.memref_slice %arg5[%multiple_of3A_343, %dma_wait3A_348] : memref<1000000x16xf32, #tpu.memory_space<hbm>> -> memref<1488x16xf32, #tpu.memory_space<hbm>>
    %dma_wait3A_350 = arith.constant 0 : i32
    %dma_wait3A_351 = tpu.memref_slice %arg5[%multiple_of3A_343, %dma_wait3A_350] : memref<1000000x16xf32, #tpu.memory_space<hbm>> -> memref<1488x16xf32, #tpu.memory_space<hbm>>
    tpu.wait_dma2 semaphore(%arg19 : memref<!tpu.dma_semaphore, #tpu.memory_space<semaphore_mem>>) src(%arg15 : memref<1488x16xf32, #tpu.memory_space<vmem>>) dst(%dma_wait3A_351 : memref<1488x16xf32, #tpu.memory_space<hbm>>)
    %add3A_352 = arith.constant 16368 : i32
    %add3A_353 = arith.addi %multiple_of3A, %add3A_352 : i32
    %multiple_of3A_354 = tpu.assume_multiple %add3A_353, 8 : i32
    %dma_start3A_355 = arith.constant 0 : i32
    %dma_start3A_356 = tpu.memref_slice %arg4[%multiple_of3A_354, %dma_start3A_355] : memref<1000000x16xf32, #tpu.memory_space<hbm>> -> memref<1488x16xf32, #tpu.memory_space<hbm>>
    %dma_start3A_357 = arith.constant 0 : i32
    %dma_start3A_358 = tpu.memref_slice %arg4[%multiple_of3A_354, %dma_start3A_357] : memref<1000000x16xf32, #tpu.memory_space<hbm>> -> memref<1488x16xf32, #tpu.memory_space<hbm>>
    tpu.enqueue_dma source(%dma_start3A_358 : memref<1488x16xf32, #tpu.memory_space<hbm>>) target(%arg15 : memref<1488x16xf32, #tpu.memory_space<vmem>>) target_semaphore(%arg17 : memref<!tpu.dma_semaphore, #tpu.memory_space<semaphore_mem>>)
    %dma_wait3A_359 = arith.constant 0 : i32
    %dma_wait3A_360 = tpu.memref_slice %arg4[%multiple_of3A_332, %dma_wait3A_359] : memref<1000000x16xf32, #tpu.memory_space<hbm>> -> memref<1488x16xf32, #tpu.memory_space<hbm>>
    %dma_wait3A_361 = arith.constant 0 : i32
    %dma_wait3A_362 = tpu.memref_slice %arg4[%multiple_of3A_332, %dma_wait3A_361] : memref<1000000x16xf32, #tpu.memory_space<hbm>> -> memref<1488x16xf32, #tpu.memory_space<hbm>>
    tpu.wait_dma2 semaphore(%arg16 : memref<!tpu.dma_semaphore, #tpu.memory_space<semaphore_mem>>) src(%dma_wait3A_362 : memref<1488x16xf32, #tpu.memory_space<hbm>>) dst(%arg14 : memref<1488x16xf32, #tpu.memory_space<vmem>>)
    %add3A_363 = arith.constant 14880 : i32
    %add3A_364 = arith.addi %multiple_of3A, %add3A_363 : i32
    %multiple_of3A_365 = tpu.assume_multiple %add3A_364, 8 : i32
    %dma_start3A_366 = arith.constant 0 : i32
    %dma_start3A_367 = tpu.memref_slice %arg5[%multiple_of3A_365, %dma_start3A_366] : memref<1000000x16xf32, #tpu.memory_space<hbm>> -> memref<1488x16xf32, #tpu.memory_space<hbm>>
    %dma_start3A_368 = arith.constant 0 : i32
    %dma_start3A_369 = tpu.memref_slice %arg5[%multiple_of3A_365, %dma_start3A_368] : memref<1000000x16xf32, #tpu.memory_space<hbm>> -> memref<1488x16xf32, #tpu.memory_space<hbm>>
    tpu.enqueue_dma source(%arg14 : memref<1488x16xf32, #tpu.memory_space<vmem>>) target(%dma_start3A_369 : memref<1488x16xf32, #tpu.memory_space<hbm>>) target_semaphore(%arg18 : memref<!tpu.dma_semaphore, #tpu.memory_space<semaphore_mem>>)
    %dma_wait3A_370 = arith.constant 0 : i32
    %dma_wait3A_371 = tpu.memref_slice %arg5[%multiple_of3A_365, %dma_wait3A_370] : memref<1000000x16xf32, #tpu.memory_space<hbm>> -> memref<1488x16xf32, #tpu.memory_space<hbm>>
    %dma_wait3A_372 = arith.constant 0 : i32
    %dma_wait3A_373 = tpu.memref_slice %arg5[%multiple_of3A_365, %dma_wait3A_372] : memref<1000000x16xf32, #tpu.memory_space<hbm>> -> memref<1488x16xf32, #tpu.memory_space<hbm>>
    tpu.wait_dma2 semaphore(%arg18 : memref<!tpu.dma_semaphore, #tpu.memory_space<semaphore_mem>>) src(%arg14 : memref<1488x16xf32, #tpu.memory_space<vmem>>) dst(%dma_wait3A_373 : memref<1488x16xf32, #tpu.memory_space<hbm>>)
    %add3A_374 = arith.constant 17856 : i32
    %add3A_375 = arith.addi %multiple_of3A, %add3A_374 : i32
    %multiple_of3A_376 = tpu.assume_multiple %add3A_375, 8 : i32
    %dma_start3A_377 = arith.constant 0 : i32
    %dma_start3A_378 = tpu.memref_slice %arg4[%multiple_of3A_376, %dma_start3A_377] : memref<1000000x16xf32, #tpu.memory_space<hbm>> -> memref<1488x16xf32, #tpu.memory_space<hbm>>
    %dma_start3A_379 = arith.constant 0 : i32
    %dma_start3A_380 = tpu.memref_slice %arg4[%multiple_of3A_376, %dma_start3A_379] : memref<1000000x16xf32, #tpu.memory_space<hbm>> -> memref<1488x16xf32, #tpu.memory_space<hbm>>
    tpu.enqueue_dma source(%dma_start3A_380 : memref<1488x16xf32, #tpu.memory_space<hbm>>) target(%arg14 : memref<1488x16xf32, #tpu.memory_space<vmem>>) target_semaphore(%arg16 : memref<!tpu.dma_semaphore, #tpu.memory_space<semaphore_mem>>)
    %dma_wait3A_381 = arith.constant 0 : i32
    %dma_wait3A_382 = tpu.memref_slice %arg4[%multiple_of3A_354, %dma_wait3A_381] : memref<1000000x16xf32, #tpu.memory_space<hbm>> -> memref<1488x16xf32, #tpu.memory_space<hbm>>
    %dma_wait3A_383 = arith.constant 0 : i32
    %dma_wait3A_384 = tpu.memref_slice %arg4[%multiple_of3A_354, %dma_wait3A_383] : memref<1000000x16xf32, #tpu.memory_space<hbm>> -> memref<1488x16xf32, #tpu.memory_space<hbm>>
    tpu.wait_dma2 semaphore(%arg17 : memref<!tpu.dma_semaphore, #tpu.memory_space<semaphore_mem>>) src(%dma_wait3A_384 : memref<1488x16xf32, #tpu.memory_space<hbm>>) dst(%arg15 : memref<1488x16xf32, #tpu.memory_space<vmem>>)
    %add3A_385 = arith.constant 16368 : i32
    %add3A_386 = arith.addi %multiple_of3A, %add3A_385 : i32
    %multiple_of3A_387 = tpu.assume_multiple %add3A_386, 8 : i32
    %dma_start3A_388 = arith.constant 0 : i32
    %dma_start3A_389 = tpu.memref_slice %arg5[%multiple_of3A_387, %dma_start3A_388] : memref<1000000x16xf32, #tpu.memory_space<hbm>> -> memref<1488x16xf32, #tpu.memory_space<hbm>>
    %dma_start3A_390 = arith.constant 0 : i32
    %dma_start3A_391 = tpu.memref_slice %arg5[%multiple_of3A_387, %dma_start3A_390] : memref<1000000x16xf32, #tpu.memory_space<hbm>> -> memref<1488x16xf32, #tpu.memory_space<hbm>>
    tpu.enqueue_dma source(%arg15 : memref<1488x16xf32, #tpu.memory_space<vmem>>) target(%dma_start3A_391 : memref<1488x16xf32, #tpu.memory_space<hbm>>) target_semaphore(%arg19 : memref<!tpu.dma_semaphore, #tpu.memory_space<semaphore_mem>>)
    %dma_wait3A_392 = arith.constant 0 : i32
    %dma_wait3A_393 = tpu.memref_slice %arg5[%multiple_of3A_387, %dma_wait3A_392] : memref<1000000x16xf32, #tpu.memory_space<hbm>> -> memref<1488x16xf32, #tpu.memory_space<hbm>>
    %dma_wait3A_394 = arith.constant 0 : i32
    %dma_wait3A_395 = tpu.memref_slice %arg5[%multiple_of3A_387, %dma_wait3A_394] : memref<1000000x16xf32, #tpu.memory_space<hbm>> -> memref<1488x16xf32, #tpu.memory_space<hbm>>
    tpu.wait_dma2 semaphore(%arg19 : memref<!tpu.dma_semaphore, #tpu.memory_space<semaphore_mem>>) src(%arg15 : memref<1488x16xf32, #tpu.memory_space<vmem>>) dst(%dma_wait3A_395 : memref<1488x16xf32, #tpu.memory_space<hbm>>)
    %add3A_396 = arith.constant 19344 : i32
    %add3A_397 = arith.addi %multiple_of3A, %add3A_396 : i32
    %multiple_of3A_398 = tpu.assume_multiple %add3A_397, 8 : i32
    %dma_start3A_399 = arith.constant 0 : i32
    %dma_start3A_400 = tpu.memref_slice %arg4[%multiple_of3A_398, %dma_start3A_399] : memref<1000000x16xf32, #tpu.memory_space<hbm>> -> memref<1488x16xf32, #tpu.memory_space<hbm>>
    %dma_start3A_401 = arith.constant 0 : i32
    %dma_start3A_402 = tpu.memref_slice %arg4[%multiple_of3A_398, %dma_start3A_401] : memref<1000000x16xf32, #tpu.memory_space<hbm>> -> memref<1488x16xf32, #tpu.memory_space<hbm>>
    tpu.enqueue_dma source(%dma_start3A_402 : memref<1488x16xf32, #tpu.memory_space<hbm>>) target(%arg15 : memref<1488x16xf32, #tpu.memory_space<vmem>>) target_semaphore(%arg17 : memref<!tpu.dma_semaphore, #tpu.memory_space<semaphore_mem>>)
    %dma_wait3A_403 = arith.constant 0 : i32
    %dma_wait3A_404 = tpu.memref_slice %arg4[%multiple_of3A_376, %dma_wait3A_403] : memref<1000000x16xf32, #tpu.memory_space<hbm>> -> memref<1488x16xf32, #tpu.memory_space<hbm>>
    %dma_wait3A_405 = arith.constant 0 : i32
    %dma_wait3A_406 = tpu.memref_slice %arg4[%multiple_of3A_376, %dma_wait3A_405] : memref<1000000x16xf32, #tpu.memory_space<hbm>> -> memref<1488x16xf32, #tpu.memory_space<hbm>>
    tpu.wait_dma2 semaphore(%arg16 : memref<!tpu.dma_semaphore, #tpu.memory_space<semaphore_mem>>) src(%dma_wait3A_406 : memref<1488x16xf32, #tpu.memory_space<hbm>>) dst(%arg14 : memref<1488x16xf32, #tpu.memory_space<vmem>>)
    %add3A_407 = arith.constant 17856 : i32
    %add3A_408 = arith.addi %multiple_of3A, %add3A_407 : i32
    %multiple_of3A_409 = tpu.assume_multiple %add3A_408, 8 : i32
    %dma_start3A_410 = arith.constant 0 : i32
    %dma_start3A_411 = tpu.memref_slice %arg5[%multiple_of3A_409, %dma_start3A_410] : memref<1000000x16xf32, #tpu.memory_space<hbm>> -> memref<1488x16xf32, #tpu.memory_space<hbm>>
    %dma_start3A_412 = arith.constant 0 : i32
    %dma_start3A_413 = tpu.memref_slice %arg5[%multiple_of3A_409, %dma_start3A_412] : memref<1000000x16xf32, #tpu.memory_space<hbm>> -> memref<1488x16xf32, #tpu.memory_space<hbm>>
    tpu.enqueue_dma source(%arg14 : memref<1488x16xf32, #tpu.memory_space<vmem>>) target(%dma_start3A_413 : memref<1488x16xf32, #tpu.memory_space<hbm>>) target_semaphore(%arg18 : memref<!tpu.dma_semaphore, #tpu.memory_space<semaphore_mem>>)
    %dma_wait3A_414 = arith.constant 0 : i32
    %dma_wait3A_415 = tpu.memref_slice %arg5[%multiple_of3A_409, %dma_wait3A_414] : memref<1000000x16xf32, #tpu.memory_space<hbm>> -> memref<1488x16xf32, #tpu.memory_space<hbm>>
    %dma_wait3A_416 = arith.constant 0 : i32
    %dma_wait3A_417 = tpu.memref_slice %arg5[%multiple_of3A_409, %dma_wait3A_416] : memref<1000000x16xf32, #tpu.memory_space<hbm>> -> memref<1488x16xf32, #tpu.memory_space<hbm>>
    tpu.wait_dma2 semaphore(%arg18 : memref<!tpu.dma_semaphore, #tpu.memory_space<semaphore_mem>>) src(%arg14 : memref<1488x16xf32, #tpu.memory_space<vmem>>) dst(%dma_wait3A_417 : memref<1488x16xf32, #tpu.memory_space<hbm>>)
    %add3A_418 = arith.constant 20832 : i32
    %add3A_419 = arith.addi %multiple_of3A, %add3A_418 : i32
    %multiple_of3A_420 = tpu.assume_multiple %add3A_419, 8 : i32
    %dma_start3A_421 = arith.constant 0 : i32
    %dma_start3A_422 = tpu.memref_slice %arg4[%multiple_of3A_420, %dma_start3A_421] : memref<1000000x16xf32, #tpu.memory_space<hbm>> -> memref<1488x16xf32, #tpu.memory_space<hbm>>
    %dma_start3A_423 = arith.constant 0 : i32
    %dma_start3A_424 = tpu.memref_slice %arg4[%multiple_of3A_420, %dma_start3A_423] : memref<1000000x16xf32, #tpu.memory_space<hbm>> -> memref<1488x16xf32, #tpu.memory_space<hbm>>
    tpu.enqueue_dma source(%dma_start3A_424 : memref<1488x16xf32, #tpu.memory_space<hbm>>) target(%arg14 : memref<1488x16xf32, #tpu.memory_space<vmem>>) target_semaphore(%arg16 : memref<!tpu.dma_semaphore, #tpu.memory_space<semaphore_mem>>)
    %dma_wait3A_425 = arith.constant 0 : i32
    %dma_wait3A_426 = tpu.memref_slice %arg4[%multiple_of3A_398, %dma_wait3A_425] : memref<1000000x16xf32, #tpu.memory_space<hbm>> -> memref<1488x16xf32, #tpu.memory_space<hbm>>
    %dma_wait3A_427 = arith.constant 0 : i32
    %dma_wait3A_428 = tpu.memref_slice %arg4[%multiple_of3A_398, %dma_wait3A_427] : memref<1000000x16xf32, #tpu.memory_space<hbm>> -> memref<1488x16xf32, #tpu.memory_space<hbm>>
    tpu.wait_dma2 semaphore(%arg17 : memref<!tpu.dma_semaphore, #tpu.memory_space<semaphore_mem>>) src(%dma_wait3A_428 : memref<1488x16xf32, #tpu.memory_space<hbm>>) dst(%arg15 : memref<1488x16xf32, #tpu.memory_space<vmem>>)
    %add3A_429 = arith.constant 19344 : i32
    %add3A_430 = arith.addi %multiple_of3A, %add3A_429 : i32
    %multiple_of3A_431 = tpu.assume_multiple %add3A_430, 8 : i32
    %dma_start3A_432 = arith.constant 0 : i32
    %dma_start3A_433 = tpu.memref_slice %arg5[%multiple_of3A_431, %dma_start3A_432] : memref<1000000x16xf32, #tpu.memory_space<hbm>> -> memref<1488x16xf32, #tpu.memory_space<hbm>>
    %dma_start3A_434 = arith.constant 0 : i32
    %dma_start3A_435 = tpu.memref_slice %arg5[%multiple_of3A_431, %dma_start3A_434] : memref<1000000x16xf32, #tpu.memory_space<hbm>> -> memref<1488x16xf32, #tpu.memory_space<hbm>>
    tpu.enqueue_dma source(%arg15 : memref<1488x16xf32, #tpu.memory_space<vmem>>) target(%dma_start3A_435 : memref<1488x16xf32, #tpu.memory_space<hbm>>) target_semaphore(%arg19 : memref<!tpu.dma_semaphore, #tpu.memory_space<semaphore_mem>>)
    %dma_wait3A_436 = arith.constant 0 : i32
    %dma_wait3A_437 = tpu.memref_slice %arg5[%multiple_of3A_431, %dma_wait3A_436] : memref<1000000x16xf32, #tpu.memory_space<hbm>> -> memref<1488x16xf32, #tpu.memory_space<hbm>>
    %dma_wait3A_438 = arith.constant 0 : i32
    %dma_wait3A_439 = tpu.memref_slice %arg5[%multiple_of3A_431, %dma_wait3A_438] : memref<1000000x16xf32, #tpu.memory_space<hbm>> -> memref<1488x16xf32, #tpu.memory_space<hbm>>
    tpu.wait_dma2 semaphore(%arg19 : memref<!tpu.dma_semaphore, #tpu.memory_space<semaphore_mem>>) src(%arg15 : memref<1488x16xf32, #tpu.memory_space<vmem>>) dst(%dma_wait3A_439 : memref<1488x16xf32, #tpu.memory_space<hbm>>)
    %add3A_440 = arith.constant 22320 : i32
    %add3A_441 = arith.addi %multiple_of3A, %add3A_440 : i32
    %multiple_of3A_442 = tpu.assume_multiple %add3A_441, 8 : i32
    %dma_start3A_443 = arith.constant 0 : i32
    %dma_start3A_444 = tpu.memref_slice %arg4[%multiple_of3A_442, %dma_start3A_443] : memref<1000000x16xf32, #tpu.memory_space<hbm>> -> memref<1488x16xf32, #tpu.memory_space<hbm>>
    %dma_start3A_445 = arith.constant 0 : i32
    %dma_start3A_446 = tpu.memref_slice %arg4[%multiple_of3A_442, %dma_start3A_445] : memref<1000000x16xf32, #tpu.memory_space<hbm>> -> memref<1488x16xf32, #tpu.memory_space<hbm>>
    tpu.enqueue_dma source(%dma_start3A_446 : memref<1488x16xf32, #tpu.memory_space<hbm>>) target(%arg15 : memref<1488x16xf32, #tpu.memory_space<vmem>>) target_semaphore(%arg17 : memref<!tpu.dma_semaphore, #tpu.memory_space<semaphore_mem>>)
    %dma_wait3A_447 = arith.constant 0 : i32
    %dma_wait3A_448 = tpu.memref_slice %arg4[%multiple_of3A_420, %dma_wait3A_447] : memref<1000000x16xf32, #tpu.memory_space<hbm>> -> memref<1488x16xf32, #tpu.memory_space<hbm>>
    %dma_wait3A_449 = arith.constant 0 : i32
    %dma_wait3A_450 = tpu.memref_slice %arg4[%multiple_of3A_420, %dma_wait3A_449] : memref<1000000x16xf32, #tpu.memory_space<hbm>> -> memref<1488x16xf32, #tpu.memory_space<hbm>>
    tpu.wait_dma2 semaphore(%arg16 : memref<!tpu.dma_semaphore, #tpu.memory_space<semaphore_mem>>) src(%dma_wait3A_450 : memref<1488x16xf32, #tpu.memory_space<hbm>>) dst(%arg14 : memref<1488x16xf32, #tpu.memory_space<vmem>>)
    %add3A_451 = arith.constant 20832 : i32
    %add3A_452 = arith.addi %multiple_of3A, %add3A_451 : i32
    %multiple_of3A_453 = tpu.assume_multiple %add3A_452, 8 : i32
    %dma_start3A_454 = arith.constant 0 : i32
    %dma_start3A_455 = tpu.memref_slice %arg5[%multiple_of3A_453, %dma_start3A_454] : memref<1000000x16xf32, #tpu.memory_space<hbm>> -> memref<1488x16xf32, #tpu.memory_space<hbm>>
    %dma_start3A_456 = arith.constant 0 : i32
    %dma_start3A_457 = tpu.memref_slice %arg5[%multiple_of3A_453, %dma_start3A_456] : memref<1000000x16xf32, #tpu.memory_space<hbm>> -> memref<1488x16xf32, #tpu.memory_space<hbm>>
    tpu.enqueue_dma source(%arg14 : memref<1488x16xf32, #tpu.memory_space<vmem>>) target(%dma_start3A_457 : memref<1488x16xf32, #tpu.memory_space<hbm>>) target_semaphore(%arg18 : memref<!tpu.dma_semaphore, #tpu.memory_space<semaphore_mem>>)
    %dma_wait3A_458 = arith.constant 0 : i32
    %dma_wait3A_459 = tpu.memref_slice %arg5[%multiple_of3A_453, %dma_wait3A_458] : memref<1000000x16xf32, #tpu.memory_space<hbm>> -> memref<1488x16xf32, #tpu.memory_space<hbm>>
    %dma_wait3A_460 = arith.constant 0 : i32
    %dma_wait3A_461 = tpu.memref_slice %arg5[%multiple_of3A_453, %dma_wait3A_460] : memref<1000000x16xf32, #tpu.memory_space<hbm>> -> memref<1488x16xf32, #tpu.memory_space<hbm>>
    tpu.wait_dma2 semaphore(%arg18 : memref<!tpu.dma_semaphore, #tpu.memory_space<semaphore_mem>>) src(%arg14 : memref<1488x16xf32, #tpu.memory_space<vmem>>) dst(%dma_wait3A_461 : memref<1488x16xf32, #tpu.memory_space<hbm>>)
    %add3A_462 = arith.constant 23808 : i32
    %add3A_463 = arith.addi %multiple_of3A, %add3A_462 : i32
    %multiple_of3A_464 = tpu.assume_multiple %add3A_463, 8 : i32
    %dma_start3A_465 = arith.constant 0 : i32
    %dma_start3A_466 = tpu.memref_slice %arg4[%multiple_of3A_464, %dma_start3A_465] : memref<1000000x16xf32, #tpu.memory_space<hbm>> -> memref<1488x16xf32, #tpu.memory_space<hbm>>
    %dma_start3A_467 = arith.constant 0 : i32
    %dma_start3A_468 = tpu.memref_slice %arg4[%multiple_of3A_464, %dma_start3A_467] : memref<1000000x16xf32, #tpu.memory_space<hbm>> -> memref<1488x16xf32, #tpu.memory_space<hbm>>
    tpu.enqueue_dma source(%dma_start3A_468 : memref<1488x16xf32, #tpu.memory_space<hbm>>) target(%arg14 : memref<1488x16xf32, #tpu.memory_space<vmem>>) target_semaphore(%arg16 : memref<!tpu.dma_semaphore, #tpu.memory_space<semaphore_mem>>)
    %dma_wait3A_469 = arith.constant 0 : i32
    %dma_wait3A_470 = tpu.memref_slice %arg4[%multiple_of3A_442, %dma_wait3A_469] : memref<1000000x16xf32, #tpu.memory_space<hbm>> -> memref<1488x16xf32, #tpu.memory_space<hbm>>
    %dma_wait3A_471 = arith.constant 0 : i32
    %dma_wait3A_472 = tpu.memref_slice %arg4[%multiple_of3A_442, %dma_wait3A_471] : memref<1000000x16xf32, #tpu.memory_space<hbm>> -> memref<1488x16xf32, #tpu.memory_space<hbm>>
    tpu.wait_dma2 semaphore(%arg17 : memref<!tpu.dma_semaphore, #tpu.memory_space<semaphore_mem>>) src(%dma_wait3A_472 : memref<1488x16xf32, #tpu.memory_space<hbm>>) dst(%arg15 : memref<1488x16xf32, #tpu.memory_space<vmem>>)
    %add3A_473 = arith.constant 22320 : i32
    %add3A_474 = arith.addi %multiple_of3A, %add3A_473 : i32
    %multiple_of3A_475 = tpu.assume_multiple %add3A_474, 8 : i32
    %dma_start3A_476 = arith.constant 0 : i32
    %dma_start3A_477 = tpu.memref_slice %arg5[%multiple_of3A_475, %dma_start3A_476] : memref<1000000x16xf32, #tpu.memory_space<hbm>> -> memref<1488x16xf32, #tpu.memory_space<hbm>>
    %dma_start3A_478 = arith.constant 0 : i32
    %dma_start3A_479 = tpu.memref_slice %arg5[%multiple_of3A_475, %dma_start3A_478] : memref<1000000x16xf32, #tpu.memory_space<hbm>> -> memref<1488x16xf32, #tpu.memory_space<hbm>>
    tpu.enqueue_dma source(%arg15 : memref<1488x16xf32, #tpu.memory_space<vmem>>) target(%dma_start3A_479 : memref<1488x16xf32, #tpu.memory_space<hbm>>) target_semaphore(%arg19 : memref<!tpu.dma_semaphore, #tpu.memory_space<semaphore_mem>>)
    %dma_wait3A_480 = arith.constant 0 : i32
    %dma_wait3A_481 = tpu.memref_slice %arg5[%multiple_of3A_475, %dma_wait3A_480] : memref<1000000x16xf32, #tpu.memory_space<hbm>> -> memref<1488x16xf32, #tpu.memory_space<hbm>>
    %dma_wait3A_482 = arith.constant 0 : i32
    %dma_wait3A_483 = tpu.memref_slice %arg5[%multiple_of3A_475, %dma_wait3A_482] : memref<1000000x16xf32, #tpu.memory_space<hbm>> -> memref<1488x16xf32, #tpu.memory_space<hbm>>
    tpu.wait_dma2 semaphore(%arg19 : memref<!tpu.dma_semaphore, #tpu.memory_space<semaphore_mem>>) src(%arg15 : memref<1488x16xf32, #tpu.memory_space<vmem>>) dst(%dma_wait3A_483 : memref<1488x16xf32, #tpu.memory_space<hbm>>)
    %add3A_484 = arith.constant 25296 : i32
    %add3A_485 = arith.addi %multiple_of3A, %add3A_484 : i32
    %multiple_of3A_486 = tpu.assume_multiple %add3A_485, 8 : i32
    %dma_start3A_487 = arith.constant 0 : i32
    %dma_start3A_488 = tpu.memref_slice %arg4[%multiple_of3A_486, %dma_start3A_487] : memref<1000000x16xf32, #tpu.memory_space<hbm>> -> memref<1488x16xf32, #tpu.memory_space<hbm>>
    %dma_start3A_489 = arith.constant 0 : i32
    %dma_start3A_490 = tpu.memref_slice %arg4[%multiple_of3A_486, %dma_start3A_489] : memref<1000000x16xf32, #tpu.memory_space<hbm>> -> memref<1488x16xf32, #tpu.memory_space<hbm>>
    tpu.enqueue_dma source(%dma_start3A_490 : memref<1488x16xf32, #tpu.memory_space<hbm>>) target(%arg15 : memref<1488x16xf32, #tpu.memory_space<vmem>>) target_semaphore(%arg17 : memref<!tpu.dma_semaphore, #tpu.memory_space<semaphore_mem>>)
    %dma_wait3A_491 = arith.constant 0 : i32
    %dma_wait3A_492 = tpu.memref_slice %arg4[%multiple_of3A_464, %dma_wait3A_491] : memref<1000000x16xf32, #tpu.memory_space<hbm>> -> memref<1488x16xf32, #tpu.memory_space<hbm>>
    %dma_wait3A_493 = arith.constant 0 : i32
    %dma_wait3A_494 = tpu.memref_slice %arg4[%multiple_of3A_464, %dma_wait3A_493] : memref<1000000x16xf32, #tpu.memory_space<hbm>> -> memref<1488x16xf32, #tpu.memory_space<hbm>>
    tpu.wait_dma2 semaphore(%arg16 : memref<!tpu.dma_semaphore, #tpu.memory_space<semaphore_mem>>) src(%dma_wait3A_494 : memref<1488x16xf32, #tpu.memory_space<hbm>>) dst(%arg14 : memref<1488x16xf32, #tpu.memory_space<vmem>>)
    %add3A_495 = arith.constant 23808 : i32
    %add3A_496 = arith.addi %multiple_of3A, %add3A_495 : i32
    %multiple_of3A_497 = tpu.assume_multiple %add3A_496, 8 : i32
    %dma_start3A_498 = arith.constant 0 : i32
    %dma_start3A_499 = tpu.memref_slice %arg5[%multiple_of3A_497, %dma_start3A_498] : memref<1000000x16xf32, #tpu.memory_space<hbm>> -> memref<1488x16xf32, #tpu.memory_space<hbm>>
    %dma_start3A_500 = arith.constant 0 : i32
    %dma_start3A_501 = tpu.memref_slice %arg5[%multiple_of3A_497, %dma_start3A_500] : memref<1000000x16xf32, #tpu.memory_space<hbm>> -> memref<1488x16xf32, #tpu.memory_space<hbm>>
    tpu.enqueue_dma source(%arg14 : memref<1488x16xf32, #tpu.memory_space<vmem>>) target(%dma_start3A_501 : memref<1488x16xf32, #tpu.memory_space<hbm>>) target_semaphore(%arg18 : memref<!tpu.dma_semaphore, #tpu.memory_space<semaphore_mem>>)
    %dma_wait3A_502 = arith.constant 0 : i32
    %dma_wait3A_503 = tpu.memref_slice %arg5[%multiple_of3A_497, %dma_wait3A_502] : memref<1000000x16xf32, #tpu.memory_space<hbm>> -> memref<1488x16xf32, #tpu.memory_space<hbm>>
    %dma_wait3A_504 = arith.constant 0 : i32
    %dma_wait3A_505 = tpu.memref_slice %arg5[%multiple_of3A_497, %dma_wait3A_504] : memref<1000000x16xf32, #tpu.memory_space<hbm>> -> memref<1488x16xf32, #tpu.memory_space<hbm>>
    tpu.wait_dma2 semaphore(%arg18 : memref<!tpu.dma_semaphore, #tpu.memory_space<semaphore_mem>>) src(%arg14 : memref<1488x16xf32, #tpu.memory_space<vmem>>) dst(%dma_wait3A_505 : memref<1488x16xf32, #tpu.memory_space<hbm>>)
    %add3A_506 = arith.constant 26784 : i32
    %add3A_507 = arith.addi %multiple_of3A, %add3A_506 : i32
    %multiple_of3A_508 = tpu.assume_multiple %add3A_507, 8 : i32
    %dma_start3A_509 = arith.constant 0 : i32
    %dma_start3A_510 = tpu.memref_slice %arg4[%multiple_of3A_508, %dma_start3A_509] : memref<1000000x16xf32, #tpu.memory_space<hbm>> -> memref<1488x16xf32, #tpu.memory_space<hbm>>
    %dma_start3A_511 = arith.constant 0 : i32
    %dma_start3A_512 = tpu.memref_slice %arg4[%multiple_of3A_508, %dma_start3A_511] : memref<1000000x16xf32, #tpu.memory_space<hbm>> -> memref<1488x16xf32, #tpu.memory_space<hbm>>
    tpu.enqueue_dma source(%dma_start3A_512 : memref<1488x16xf32, #tpu.memory_space<hbm>>) target(%arg14 : memref<1488x16xf32, #tpu.memory_space<vmem>>) target_semaphore(%arg16 : memref<!tpu.dma_semaphore, #tpu.memory_space<semaphore_mem>>)
    %dma_wait3A_513 = arith.constant 0 : i32
    %dma_wait3A_514 = tpu.memref_slice %arg4[%multiple_of3A_486, %dma_wait3A_513] : memref<1000000x16xf32, #tpu.memory_space<hbm>> -> memref<1488x16xf32, #tpu.memory_space<hbm>>
    %dma_wait3A_515 = arith.constant 0 : i32
    %dma_wait3A_516 = tpu.memref_slice %arg4[%multiple_of3A_486, %dma_wait3A_515] : memref<1000000x16xf32, #tpu.memory_space<hbm>> -> memref<1488x16xf32, #tpu.memory_space<hbm>>
    tpu.wait_dma2 semaphore(%arg17 : memref<!tpu.dma_semaphore, #tpu.memory_space<semaphore_mem>>) src(%dma_wait3A_516 : memref<1488x16xf32, #tpu.memory_space<hbm>>) dst(%arg15 : memref<1488x16xf32, #tpu.memory_space<vmem>>)
    %add3A_517 = arith.constant 25296 : i32
    %add3A_518 = arith.addi %multiple_of3A, %add3A_517 : i32
    %multiple_of3A_519 = tpu.assume_multiple %add3A_518, 8 : i32
    %dma_start3A_520 = arith.constant 0 : i32
    %dma_start3A_521 = tpu.memref_slice %arg5[%multiple_of3A_519, %dma_start3A_520] : memref<1000000x16xf32, #tpu.memory_space<hbm>> -> memref<1488x16xf32, #tpu.memory_space<hbm>>
    %dma_start3A_522 = arith.constant 0 : i32
    %dma_start3A_523 = tpu.memref_slice %arg5[%multiple_of3A_519, %dma_start3A_522] : memref<1000000x16xf32, #tpu.memory_space<hbm>> -> memref<1488x16xf32, #tpu.memory_space<hbm>>
    tpu.enqueue_dma source(%arg15 : memref<1488x16xf32, #tpu.memory_space<vmem>>) target(%dma_start3A_523 : memref<1488x16xf32, #tpu.memory_space<hbm>>) target_semaphore(%arg19 : memref<!tpu.dma_semaphore, #tpu.memory_space<semaphore_mem>>)
    %dma_wait3A_524 = arith.constant 0 : i32
    %dma_wait3A_525 = tpu.memref_slice %arg5[%multiple_of3A_519, %dma_wait3A_524] : memref<1000000x16xf32, #tpu.memory_space<hbm>> -> memref<1488x16xf32, #tpu.memory_space<hbm>>
    %dma_wait3A_526 = arith.constant 0 : i32
    %dma_wait3A_527 = tpu.memref_slice %arg5[%multiple_of3A_519, %dma_wait3A_526] : memref<1000000x16xf32, #tpu.memory_space<hbm>> -> memref<1488x16xf32, #tpu.memory_space<hbm>>
    tpu.wait_dma2 semaphore(%arg19 : memref<!tpu.dma_semaphore, #tpu.memory_space<semaphore_mem>>) src(%arg15 : memref<1488x16xf32, #tpu.memory_space<vmem>>) dst(%dma_wait3A_527 : memref<1488x16xf32, #tpu.memory_space<hbm>>)
    %add3A_528 = arith.constant 28272 : i32
    %add3A_529 = arith.addi %multiple_of3A, %add3A_528 : i32
    %multiple_of3A_530 = tpu.assume_multiple %add3A_529, 8 : i32
    %dma_start3A_531 = arith.constant 0 : i32
    %dma_start3A_532 = tpu.memref_slice %arg4[%multiple_of3A_530, %dma_start3A_531] : memref<1000000x16xf32, #tpu.memory_space<hbm>> -> memref<1488x16xf32, #tpu.memory_space<hbm>>
    %dma_start3A_533 = arith.constant 0 : i32
    %dma_start3A_534 = tpu.memref_slice %arg4[%multiple_of3A_530, %dma_start3A_533] : memref<1000000x16xf32, #tpu.memory_space<hbm>> -> memref<1488x16xf32, #tpu.memory_space<hbm>>
    tpu.enqueue_dma source(%dma_start3A_534 : memref<1488x16xf32, #tpu.memory_space<hbm>>) target(%arg15 : memref<1488x16xf32, #tpu.memory_space<vmem>>) target_semaphore(%arg17 : memref<!tpu.dma_semaphore, #tpu.memory_space<semaphore_mem>>)
    %dma_wait3A_535 = arith.constant 0 : i32
    %dma_wait3A_536 = tpu.memref_slice %arg4[%multiple_of3A_508, %dma_wait3A_535] : memref<1000000x16xf32, #tpu.memory_space<hbm>> -> memref<1488x16xf32, #tpu.memory_space<hbm>>
    %dma_wait3A_537 = arith.constant 0 : i32
    %dma_wait3A_538 = tpu.memref_slice %arg4[%multiple_of3A_508, %dma_wait3A_537] : memref<1000000x16xf32, #tpu.memory_space<hbm>> -> memref<1488x16xf32, #tpu.memory_space<hbm>>
    tpu.wait_dma2 semaphore(%arg16 : memref<!tpu.dma_semaphore, #tpu.memory_space<semaphore_mem>>) src(%dma_wait3A_538 : memref<1488x16xf32, #tpu.memory_space<hbm>>) dst(%arg14 : memref<1488x16xf32, #tpu.memory_space<vmem>>)
    %add3A_539 = arith.constant 26784 : i32
    %add3A_540 = arith.addi %multiple_of3A, %add3A_539 : i32
    %multiple_of3A_541 = tpu.assume_multiple %add3A_540, 8 : i32
    %dma_start3A_542 = arith.constant 0 : i32
    %dma_start3A_543 = tpu.memref_slice %arg5[%multiple_of3A_541, %dma_start3A_542] : memref<1000000x16xf32, #tpu.memory_space<hbm>> -> memref<1488x16xf32, #tpu.memory_space<hbm>>
    %dma_start3A_544 = arith.constant 0 : i32
    %dma_start3A_545 = tpu.memref_slice %arg5[%multiple_of3A_541, %dma_start3A_544] : memref<1000000x16xf32, #tpu.memory_space<hbm>> -> memref<1488x16xf32, #tpu.memory_space<hbm>>
    tpu.enqueue_dma source(%arg14 : memref<1488x16xf32, #tpu.memory_space<vmem>>) target(%dma_start3A_545 : memref<1488x16xf32, #tpu.memory_space<hbm>>) target_semaphore(%arg18 : memref<!tpu.dma_semaphore, #tpu.memory_space<semaphore_mem>>)
    %dma_wait3A_546 = arith.constant 0 : i32
    %dma_wait3A_547 = tpu.memref_slice %arg5[%multiple_of3A_541, %dma_wait3A_546] : memref<1000000x16xf32, #tpu.memory_space<hbm>> -> memref<1488x16xf32, #tpu.memory_space<hbm>>
    %dma_wait3A_548 = arith.constant 0 : i32
    %dma_wait3A_549 = tpu.memref_slice %arg5[%multiple_of3A_541, %dma_wait3A_548] : memref<1000000x16xf32, #tpu.memory_space<hbm>> -> memref<1488x16xf32, #tpu.memory_space<hbm>>
    tpu.wait_dma2 semaphore(%arg18 : memref<!tpu.dma_semaphore, #tpu.memory_space<semaphore_mem>>) src(%arg14 : memref<1488x16xf32, #tpu.memory_space<vmem>>) dst(%dma_wait3A_549 : memref<1488x16xf32, #tpu.memory_space<hbm>>)
    %add3A_550 = arith.constant 29760 : i32
    %add3A_551 = arith.addi %multiple_of3A, %add3A_550 : i32
    %multiple_of3A_552 = tpu.assume_multiple %add3A_551, 8 : i32
    %dma_start3A_553 = arith.constant 0 : i32
    %dma_start3A_554 = tpu.memref_slice %arg4[%multiple_of3A_552, %dma_start3A_553] : memref<1000000x16xf32, #tpu.memory_space<hbm>> -> memref<1488x16xf32, #tpu.memory_space<hbm>>
    %dma_start3A_555 = arith.constant 0 : i32
    %dma_start3A_556 = tpu.memref_slice %arg4[%multiple_of3A_552, %dma_start3A_555] : memref<1000000x16xf32, #tpu.memory_space<hbm>> -> memref<1488x16xf32, #tpu.memory_space<hbm>>
    tpu.enqueue_dma source(%dma_start3A_556 : memref<1488x16xf32, #tpu.memory_space<hbm>>) target(%arg14 : memref<1488x16xf32, #tpu.memory_space<vmem>>) target_semaphore(%arg16 : memref<!tpu.dma_semaphore, #tpu.memory_space<semaphore_mem>>)
    %dma_wait3A_557 = arith.constant 0 : i32
    %dma_wait3A_558 = tpu.memref_slice %arg4[%multiple_of3A_530, %dma_wait3A_557] : memref<1000000x16xf32, #tpu.memory_space<hbm>> -> memref<1488x16xf32, #tpu.memory_space<hbm>>
    %dma_wait3A_559 = arith.constant 0 : i32
    %dma_wait3A_560 = tpu.memref_slice %arg4[%multiple_of3A_530, %dma_wait3A_559] : memref<1000000x16xf32, #tpu.memory_space<hbm>> -> memref<1488x16xf32, #tpu.memory_space<hbm>>
    tpu.wait_dma2 semaphore(%arg17 : memref<!tpu.dma_semaphore, #tpu.memory_space<semaphore_mem>>) src(%dma_wait3A_560 : memref<1488x16xf32, #tpu.memory_space<hbm>>) dst(%arg15 : memref<1488x16xf32, #tpu.memory_space<vmem>>)
    %add3A_561 = arith.constant 28272 : i32
    %add3A_562 = arith.addi %multiple_of3A, %add3A_561 : i32
    %multiple_of3A_563 = tpu.assume_multiple %add3A_562, 8 : i32
    %dma_start3A_564 = arith.constant 0 : i32
    %dma_start3A_565 = tpu.memref_slice %arg5[%multiple_of3A_563, %dma_start3A_564] : memref<1000000x16xf32, #tpu.memory_space<hbm>> -> memref<1488x16xf32, #tpu.memory_space<hbm>>
    %dma_start3A_566 = arith.constant 0 : i32
    %dma_start3A_567 = tpu.memref_slice %arg5[%multiple_of3A_563, %dma_start3A_566] : memref<1000000x16xf32, #tpu.memory_space<hbm>> -> memref<1488x16xf32, #tpu.memory_space<hbm>>
    tpu.enqueue_dma source(%arg15 : memref<1488x16xf32, #tpu.memory_space<vmem>>) target(%dma_start3A_567 : memref<1488x16xf32, #tpu.memory_space<hbm>>) target_semaphore(%arg19 : memref<!tpu.dma_semaphore, #tpu.memory_space<semaphore_mem>>)
    %dma_wait3A_568 = arith.constant 0 : i32
    %dma_wait3A_569 = tpu.memref_slice %arg4[%multiple_of3A_552, %dma_wait3A_568] : memref<1000000x16xf32, #tpu.memory_space<hbm>> -> memref<1488x16xf32, #tpu.memory_space<hbm>>
    %dma_wait3A_570 = arith.constant 0 : i32
    %dma_wait3A_571 = tpu.memref_slice %arg4[%multiple_of3A_552, %dma_wait3A_570] : memref<1000000x16xf32, #tpu.memory_space<hbm>> -> memref<1488x16xf32, #tpu.memory_space<hbm>>
    tpu.wait_dma2 semaphore(%arg16 : memref<!tpu.dma_semaphore, #tpu.memory_space<semaphore_mem>>) src(%dma_wait3A_571 : memref<1488x16xf32, #tpu.memory_space<hbm>>) dst(%arg14 : memref<1488x16xf32, #tpu.memory_space<vmem>>)
    %add3A_572 = arith.constant 29760 : i32
    %add3A_573 = arith.addi %multiple_of3A, %add3A_572 : i32
    %multiple_of3A_574 = tpu.assume_multiple %add3A_573, 8 : i32
    %dma_start3A_575 = arith.constant 0 : i32
    %dma_start3A_576 = tpu.memref_slice %arg5[%multiple_of3A_574, %dma_start3A_575] : memref<1000000x16xf32, #tpu.memory_space<hbm>> -> memref<1488x16xf32, #tpu.memory_space<hbm>>
    %dma_start3A_577 = arith.constant 0 : i32
    %dma_start3A_578 = tpu.memref_slice %arg5[%multiple_of3A_574, %dma_start3A_577] : memref<1000000x16xf32, #tpu.memory_space<hbm>> -> memref<1488x16xf32, #tpu.memory_space<hbm>>
    tpu.enqueue_dma source(%arg14 : memref<1488x16xf32, #tpu.memory_space<vmem>>) target(%dma_start3A_578 : memref<1488x16xf32, #tpu.memory_space<hbm>>) target_semaphore(%arg18 : memref<!tpu.dma_semaphore, #tpu.memory_space<semaphore_mem>>)
    %dma_wait3A_579 = arith.constant 0 : i32
    %dma_wait3A_580 = tpu.memref_slice %arg5[%multiple_of3A_574, %dma_wait3A_579] : memref<1000000x16xf32, #tpu.memory_space<hbm>> -> memref<1488x16xf32, #tpu.memory_space<hbm>>
    %dma_wait3A_581 = arith.constant 0 : i32
    %dma_wait3A_582 = tpu.memref_slice %arg5[%multiple_of3A_574, %dma_wait3A_581] : memref<1000000x16xf32, #tpu.memory_space<hbm>> -> memref<1488x16xf32, #tpu.memory_space<hbm>>
    tpu.wait_dma2 semaphore(%arg18 : memref<!tpu.dma_semaphore, #tpu.memory_space<semaphore_mem>>) src(%arg14 : memref<1488x16xf32, #tpu.memory_space<vmem>>) dst(%dma_wait3A_582 : memref<1488x16xf32, #tpu.memory_space<hbm>>)
    %dma_wait3A_583 = arith.constant 0 : i32
    %dma_wait3A_584 = tpu.memref_slice %arg5[%multiple_of3A_563, %dma_wait3A_583] : memref<1000000x16xf32, #tpu.memory_space<hbm>> -> memref<1488x16xf32, #tpu.memory_space<hbm>>
    %dma_wait3A_585 = arith.constant 0 : i32
    %dma_wait3A_586 = tpu.memref_slice %arg5[%multiple_of3A_563, %dma_wait3A_585] : memref<1000000x16xf32, #tpu.memory_space<hbm>> -> memref<1488x16xf32, #tpu.memory_space<hbm>>
    tpu.wait_dma2 semaphore(%arg19 : memref<!tpu.dma_semaphore, #tpu.memory_space<semaphore_mem>>) src(%arg15 : memref<1488x16xf32, #tpu.memory_space<vmem>>) dst(%dma_wait3A_586 : memref<1488x16xf32, #tpu.memory_space<hbm>>)
    %sub3A_587 = arith.subi %multiple_of3A_51, %multiple_of3A : i32
    %gt3A_588 = arith.constant 31248 : i32
    %gt3A_589 = arith.cmpi sgt, %sub3A_587, %gt3A_588 : i32
    %convert_element_type3A_590 = arith.extui %gt3A_589 : i1 to i32
    %cond3A_591 = arith.constant 0 : i32
    %cond3A_592 = arith.cmpi ne, %convert_element_type3A_590, %cond3A_591 : i32
    scf.if %cond3A_592 {
      %add3A_602 = arith.constant 31248 : i32
      %add3A_603 = arith.addi %multiple_of3A, %add3A_602 : i32
      %multiple_of3A_604 = tpu.assume_multiple %add3A_603, 8 : i32
      "tpu.region"() ({
        %run_scoped3A = tpu.sem_alloc : memref<!tpu.dma_semaphore, #tpu.memory_space<semaphore_mem>>
        %dma_start3A_605 = arith.constant 0 : i32
        %dma_start3A_606 = tpu.memref_slice %arg5[%multiple_of3A_604, %dma_start3A_605] : memref<1000000x16xf32, #tpu.memory_space<hbm>> -> memref<8x16xf32, #tpu.memory_space<hbm>>
        %dma_start3A_607 = arith.constant 0 : i32
        %dma_start3A_608 = tpu.memref_slice %arg4[%multiple_of3A_604, %dma_start3A_607] : memref<1000000x16xf32, #tpu.memory_space<hbm>> -> memref<8x16xf32, #tpu.memory_space<hbm>>
        tpu.enqueue_dma source(%dma_start3A_608 : memref<8x16xf32, #tpu.memory_space<hbm>>) target(%dma_start3A_606 : memref<8x16xf32, #tpu.memory_space<hbm>>) target_semaphore(%run_scoped3A : memref<!tpu.dma_semaphore, #tpu.memory_space<semaphore_mem>>)
        %dma_wait3A_609 = arith.constant 0 : i32
        %dma_wait3A_610 = tpu.memref_slice %arg5[%multiple_of3A_604, %dma_wait3A_609] : memref<1000000x16xf32, #tpu.memory_space<hbm>> -> memref<8x16xf32, #tpu.memory_space<hbm>>
        %dma_wait3A_611 = arith.constant 0 : i32
        %dma_wait3A_612 = tpu.memref_slice %arg4[%multiple_of3A_604, %dma_wait3A_611] : memref<1000000x16xf32, #tpu.memory_space<hbm>> -> memref<8x16xf32, #tpu.memory_space<hbm>>
        tpu.wait_dma2 semaphore(%run_scoped3A : memref<!tpu.dma_semaphore, #tpu.memory_space<semaphore_mem>>) src(%dma_wait3A_612 : memref<8x16xf32, #tpu.memory_space<hbm>>) dst(%dma_wait3A_610 : memref<8x16xf32, #tpu.memory_space<hbm>>)
        tpu.yield
      }) : () -> ()
    } else {
    }
    %while3A = arith.constant 0 : i32
    %while3A_593 = arith.constant 0 : i32
    "tpu.trace_stop"() : () -> ()
    "tpu.trace_start"() <{level = 10 : i32, message = "chunks"}> : () -> ()
    %while3A_594 = arith.subi %select_n3A_122, %while3A_593 : i32
    %while3A_595 = arith.addi %while3A_593, %while3A_594 : i32
    %while3A_596 = arith.constant 1 : i32
    %while3A_597 = arith.divsi %while3A_594, %while3A_596 : i32
    %while3A_598 = arith.muli %while3A_597, %while3A_596 : i32
    %while3A_599 = arith.addi %while3A_593, %while3A_598 : i32
    %while3A_600 = arith.constant 1 : i32
    scf.for %while3A_602 = %while3A_593 to %while3A_599 step %while3A_600  : i32 {
      %scan3A_603 = arith.constant 0 : i32
      %scan3A_604 = arith.constant 0 : i32
      %scan3A_605 = arith.constant 16 : i32
      %scan3A_606 = arith.addi %scan3A_604, %scan3A_605 : i32
      %scan3A_607 = arith.constant 1 : i32
      scf.for %scan3A_637 = %scan3A_604 to %scan3A_606 step %scan3A_607  : i32 {
        %mul3A_638 = arith.constant 256 : i32
        %mul3A_639 = arith.muli %while3A_602, %mul3A_638 : i32
        %mul3A_640 = arith.constant 16 : i32
        %mul3A_641 = arith.muli %scan3A_637, %mul3A_640 : i32
        %add3A_642 = arith.addi %mul3A_639, %mul3A_641 : i32
        %get3A = arith.index_cast %add3A_642 : i32 to index
        %get3A_643 = tpu.vector_load %arg9[%get3A] {strides = array<i32>} : memref<16400xi32, #tpu.memory_space<vmem>>, vector<16xi32>,
        %mul3A_644 = arith.constant 16 : i32
        %mul3A_645 = arith.muli %scan3A_637, %mul3A_644 : i32
        %swap3A = arith.index_cast %mul3A_645 : i32 to index
        %swap3A_646 = tpu.vector_load %arg10[%swap3A] {strides = array<i32>} : memref<256xi32, #tpu.memory_space<vmem>>, vector<16xi32>,
        tpu.vector_store %arg10[%swap3A], %get3A_643 {strides = array<i32>} : memref<256xi32, #tpu.memory_space<vmem>>, vector<16xi32>,
      }
      %scan3A_608 = arith.constant 16 : i32
      %mul3A_609 = arith.constant 256 : i32
      %mul3A_610 = arith.muli %while3A_602, %mul3A_609 : i32
      %dma_start3A_611 = tpu.memref_slice %arg8[%mul3A_610] : memref<16400xi32, #tpu.memory_space<vmem>> -> memref<256xi32, #tpu.memory_space<vmem>>
      %dma_start3A_612 = arith.constant 0 : i32
      %dma_start3A_613 = arith.constant 0 : i32
      %dma_start3A_614 = tpu.memref_slice %arg2[%dma_start3A_612, %dma_start3A_613] : memref<16384x16xf32, #tpu.memory_space<hbm>> -> memref<16384x16xf32, #tpu.memory_space<hbm>>
      tpu.enqueue_indirect_dma source(%dma_start3A_614 : memref<16384x16xf32, #tpu.memory_space<hbm>>) target(%arg11 : memref<256x16xf32, #tpu.memory_space<vmem>>) offsets(%dma_start3A_611 : memref<256xi32, #tpu.memory_space<vmem>>) semaphore(%arg20 : memref<!tpu.dma_semaphore, #tpu.memory_space<semaphore_mem>>)
      %dma_start3A_615 = arith.constant 0 : i32
      %dma_start3A_616 = arith.constant 0 : i32
      %dma_start3A_617 = tpu.memref_slice %arg4[%dma_start3A_615, %dma_start3A_616] : memref<1000000x16xf32, #tpu.memory_space<hbm>> -> memref<1000000x16xf32, #tpu.memory_space<hbm>>
      tpu.enqueue_indirect_dma source(%dma_start3A_617 : memref<1000000x16xf32, #tpu.memory_space<hbm>>) target(%arg12 : memref<256x16xf32, #tpu.memory_space<vmem>>) offsets(%arg10 : memref<256xi32, #tpu.memory_space<vmem>>) semaphore(%arg21 : memref<!tpu.dma_semaphore, #tpu.memory_space<semaphore_mem>>)
      %dma_wait3A_618 = tpu.memref_slice %arg8[%mul3A_610] : memref<16400xi32, #tpu.memory_space<vmem>> -> memref<256xi32, #tpu.memory_space<vmem>>
      %dma_wait3A_619 = arith.constant 0 : i32
      %dma_wait3A_620 = arith.constant 0 : i32
      %dma_wait3A_621 = tpu.memref_slice %arg2[%dma_wait3A_619, %dma_wait3A_620] : memref<16384x16xf32, #tpu.memory_space<hbm>> -> memref<16384x16xf32, #tpu.memory_space<hbm>>
      tpu.wait_indirect_dma semaphore(%arg20 : memref<!tpu.dma_semaphore, #tpu.memory_space<semaphore_mem>>) src(%dma_wait3A_621 : memref<16384x16xf32, #tpu.memory_space<hbm>>) dst(%arg11 : memref<256x16xf32, #tpu.memory_space<vmem>>)
      %dma_wait3A_622 = arith.constant 0 : i32
      %dma_wait3A_623 = arith.constant 0 : i32
      %dma_wait3A_624 = tpu.memref_slice %arg4[%dma_wait3A_622, %dma_wait3A_623] : memref<1000000x16xf32, #tpu.memory_space<hbm>> -> memref<1000000x16xf32, #tpu.memory_space<hbm>>
      tpu.wait_indirect_dma semaphore(%arg21 : memref<!tpu.dma_semaphore, #tpu.memory_space<semaphore_mem>>) src(%dma_wait3A_624 : memref<1000000x16xf32, #tpu.memory_space<hbm>>) dst(%arg12 : memref<256x16xf32, #tpu.memory_space<vmem>>)
      %scan3A_625 = arith.constant 0 : i32
      %scan3A_626 = arith.constant 0 : i32
      %scan3A_627 = arith.constant 256 : i32
      %scan3A_628 = arith.addi %scan3A_626, %scan3A_627 : i32
      %scan3A_629 = arith.constant 1 : i32
      scf.for %scan3A_637 = %scan3A_626 to %scan3A_628 step %scan3A_629  : i32 {
        %get3A = arith.index_cast %scan3A_637 : i32 to index
        %get3A_638 = arith.constant 0 : index
        %get3A_639 = tpu.vector_load %arg11[%get3A, %get3A_638] {strides = array<i32>} : memref<256x16xf32, #tpu.memory_space<vmem>>, vector<16xf32>,
        %mul3A_640 = arith.mulf %get3A_639, %get3A_639 : vector<16xf32>
        %reduce_sum3A = arith.constant true
        %reduce_sum3A_641 = vector.broadcast %reduce_sum3A : i1 to vector<16xi1>
        %reduce_sum3A_642 = tpu.scan <sum>, %mul3A_640 masked %reduce_sum3A_641 : vector<16xf32>, vector<16xi1> -> vector<16xf32>
        %reduce_sum3A_643 = vector.extract %reduce_sum3A_642[15] : f32 from vector<16xf32>
        %broadcast_in_dim3A_644 = vector.broadcast %reduce_sum3A_643 : f32 to vector<16xf32>
        %bitcast3A = vector.bitcast %broadcast_in_dim3A_644 : vector<16xf32> to vector<16xi32>
        %shift_right_arithmetic3A = arith.constant 1 : i32
        %shift_right_arithmetic3A_645 = vector.broadcast %shift_right_arithmetic3A : i32 to vector<16xi32>
        %shift_right_arithmetic3A_646 = arith.shrsi %bitcast3A, %shift_right_arithmetic3A_645 : vector<16xi32>
        %sub3A_647 = arith.constant 1597463007 : i32
        %sub3A_648 = vector.broadcast %sub3A_647 : i32 to vector<16xi32>
        %sub3A_649 = arith.subi %sub3A_648, %shift_right_arithmetic3A_646 : vector<16xi32>
        %bitcast3A_650 = vector.bitcast %sub3A_649 : vector<16xi32> to vector<16xf32>
        %mul3A_651 = arith.constant 5.000000e-01 : f32
        %mul3A_652 = vector.broadcast %mul3A_651 : f32 to vector<16xf32>
        %mul3A_653 = arith.mulf %mul3A_652, %broadcast_in_dim3A_644 : vector<16xf32>
        %mul3A_654 = arith.mulf %mul3A_653, %bitcast3A_650 : vector<16xf32>
        %mul3A_655 = arith.mulf %mul3A_654, %bitcast3A_650 : vector<16xf32>
        %sub3A_656 = arith.constant 1.500000e+00 : f32
        %sub3A_657 = vector.broadcast %sub3A_656 : f32 to vector<16xf32>
        %sub3A_658 = arith.subf %sub3A_657, %mul3A_655 : vector<16xf32>
        %mul3A_659 = arith.mulf %bitcast3A_650, %sub3A_658 : vector<16xf32>
        %mul3A_660 = arith.constant 5.000000e-01 : f32
        %mul3A_661 = vector.broadcast %mul3A_660 : f32 to vector<16xf32>
        %mul3A_662 = arith.mulf %mul3A_661, %broadcast_in_dim3A_644 : vector<16xf32>
        %mul3A_663 = arith.mulf %mul3A_662, %mul3A_659 : vector<16xf32>
        %mul3A_664 = arith.mulf %mul3A_663, %mul3A_659 : vector<16xf32>
        %sub3A_665 = arith.constant 1.500000e+00 : f32
        %sub3A_666 = vector.broadcast %sub3A_665 : f32 to vector<16xf32>
        %sub3A_667 = arith.subf %sub3A_666, %mul3A_664 : vector<16xf32>
        %mul3A_668 = arith.mulf %mul3A_659, %sub3A_667 : vector<16xf32>
        %mul3A_669 = arith.constant 5.000000e-01 : f32
        %mul3A_670 = vector.broadcast %mul3A_669 : f32 to vector<16xf32>
        %mul3A_671 = arith.mulf %mul3A_670, %broadcast_in_dim3A_644 : vector<16xf32>
        %mul3A_672 = arith.mulf %mul3A_671, %mul3A_668 : vector<16xf32>
        %mul3A_673 = arith.mulf %mul3A_672, %mul3A_668 : vector<16xf32>
        %sub3A_674 = arith.constant 1.500000e+00 : f32
        %sub3A_675 = vector.broadcast %sub3A_674 : f32 to vector<16xf32>
        %sub3A_676 = arith.subf %sub3A_675, %mul3A_673 : vector<16xf32>
        %mul3A_677 = arith.mulf %mul3A_668, %sub3A_676 : vector<16xf32>
        %mul3A_678 = arith.mulf %broadcast_in_dim3A_644, %mul3A_677 : vector<16xf32>
        %add3A_679 = arith.constant 1.000000e-10 : f32
        %add3A_680 = vector.broadcast %add3A_679 : f32 to vector<16xf32>
        %add3A_681 = arith.addf %mul3A_678, %add3A_680 : vector<16xf32>
        %div3A_682 = arith.divf %get3A_639, %add3A_681 : vector<16xf32>
        %get3A_683 = arith.index_cast %scan3A_637 : i32 to index
        %get3A_684 = arith.constant 0 : index
        %get3A_685 = tpu.vector_load %arg12[%get3A_683, %get3A_684] {strides = array<i32>} : memref<256x16xf32, #tpu.memory_space<vmem>>, vector<16xf32>,
        %mul3A_686 = arith.constant 5.000000e-01 : f32
        %mul3A_687 = vector.broadcast %mul3A_686 : f32 to vector<16xf32>
        %mul3A_688 = arith.mulf %mul3A_687, %get3A_685 : vector<16xf32>
        %mul3A_689 = arith.constant 5.000000e-01 : f32
        %mul3A_690 = vector.broadcast %mul3A_689 : f32 to vector<16xf32>
        %mul3A_691 = arith.mulf %mul3A_690, %div3A_682 : vector<16xf32>
        %add3A_692 = arith.addf %mul3A_688, %mul3A_691 : vector<16xf32>
        %mul3A_693 = arith.mulf %add3A_692, %add3A_692 : vector<16xf32>
        %reduce_sum3A_694 = arith.constant true
        %reduce_sum3A_695 = vector.broadcast %reduce_sum3A_694 : i1 to vector<16xi1>
        %reduce_sum3A_696 = tpu.scan <sum>, %mul3A_693 masked %reduce_sum3A_695 : vector<16xf32>, vector<16xi1> -> vector<16xf32>
        %reduce_sum3A_697 = vector.extract %reduce_sum3A_696[15] : f32 from vector<16xf32>
        %broadcast_in_dim3A_698 = vector.broadcast %reduce_sum3A_697 : f32 to vector<16xf32>
        %bitcast3A_699 = vector.bitcast %broadcast_in_dim3A_698 : vector<16xf32> to vector<16xi32>
        %shift_right_arithmetic3A_700 = arith.constant 1 : i32
        %shift_right_arithmetic3A_701 = vector.broadcast %shift_right_arithmetic3A_700 : i32 to vector<16xi32>
        %shift_right_arithmetic3A_702 = arith.shrsi %bitcast3A_699, %shift_right_arithmetic3A_701 : vector<16xi32>
        %sub3A_703 = arith.constant 1597463007 : i32
        %sub3A_704 = vector.broadcast %sub3A_703 : i32 to vector<16xi32>
        %sub3A_705 = arith.subi %sub3A_704, %shift_right_arithmetic3A_702 : vector<16xi32>
        %bitcast3A_706 = vector.bitcast %sub3A_705 : vector<16xi32> to vector<16xf32>
        %mul3A_707 = arith.constant 5.000000e-01 : f32
        %mul3A_708 = vector.broadcast %mul3A_707 : f32 to vector<16xf32>
        %mul3A_709 = arith.mulf %mul3A_708, %broadcast_in_dim3A_698 : vector<16xf32>
        %mul3A_710 = arith.mulf %mul3A_709, %bitcast3A_706 : vector<16xf32>
        %mul3A_711 = arith.mulf %mul3A_710, %bitcast3A_706 : vector<16xf32>
        %sub3A_712 = arith.constant 1.500000e+00 : f32
        %sub3A_713 = vector.broadcast %sub3A_712 : f32 to vector<16xf32>
        %sub3A_714 = arith.subf %sub3A_713, %mul3A_711 : vector<16xf32>
        %mul3A_715 = arith.mulf %bitcast3A_706, %sub3A_714 : vector<16xf32>
        %mul3A_716 = arith.constant 5.000000e-01 : f32
        %mul3A_717 = vector.broadcast %mul3A_716 : f32 to vector<16xf32>
        %mul3A_718 = arith.mulf %mul3A_717, %broadcast_in_dim3A_698 : vector<16xf32>
        %mul3A_719 = arith.mulf %mul3A_718, %mul3A_715 : vector<16xf32>
        %mul3A_720 = arith.mulf %mul3A_719, %mul3A_715 : vector<16xf32>
        %sub3A_721 = arith.constant 1.500000e+00 : f32
        %sub3A_722 = vector.broadcast %sub3A_721 : f32 to vector<16xf32>
        %sub3A_723 = arith.subf %sub3A_722, %mul3A_720 : vector<16xf32>
        %mul3A_724 = arith.mulf %mul3A_715, %sub3A_723 : vector<16xf32>
        %mul3A_725 = arith.constant 5.000000e-01 : f32
        %mul3A_726 = vector.broadcast %mul3A_725 : f32 to vector<16xf32>
        %mul3A_727 = arith.mulf %mul3A_726, %broadcast_in_dim3A_698 : vector<16xf32>
        %mul3A_728 = arith.mulf %mul3A_727, %mul3A_724 : vector<16xf32>
        %mul3A_729 = arith.mulf %mul3A_728, %mul3A_724 : vector<16xf32>
        %sub3A_730 = arith.constant 1.500000e+00 : f32
        %sub3A_731 = vector.broadcast %sub3A_730 : f32 to vector<16xf32>
        %sub3A_732 = arith.subf %sub3A_731, %mul3A_729 : vector<16xf32>
        %mul3A_733 = arith.mulf %mul3A_724, %sub3A_732 : vector<16xf32>
        %mul3A_734 = arith.mulf %broadcast_in_dim3A_698, %mul3A_733 : vector<16xf32>
        %add3A_735 = arith.constant 1.000000e-10 : f32
        %add3A_736 = vector.broadcast %add3A_735 : f32 to vector<16xf32>
        %add3A_737 = arith.addf %mul3A_734, %add3A_736 : vector<16xf32>
        %div3A_738 = arith.divf %add3A_692, %add3A_737 : vector<16xf32>
        %swap3A = arith.index_cast %scan3A_637 : i32 to index
        %swap3A_739 = arith.constant 0 : index
        %swap3A_740 = tpu.vector_load %arg13[%swap3A, %swap3A_739] {strides = array<i32>} : memref<256x16xf32, #tpu.memory_space<vmem>>, vector<16xf32>,
        tpu.vector_store %arg13[%swap3A, %swap3A_739], %div3A_738 {strides = array<i32>} : memref<256x16xf32, #tpu.memory_space<vmem>>, vector<16xf32>,
      }
      %scan3A_630 = arith.constant 256 : i32
      %dma_start3A_631 = arith.constant 0 : i32
      %dma_start3A_632 = arith.constant 0 : i32
      %dma_start3A_633 = tpu.memref_slice %arg5[%dma_start3A_631, %dma_start3A_632] : memref<1000000x16xf32, #tpu.memory_space<hbm>> -> memref<1000000x16xf32, #tpu.memory_space<hbm>>
      tpu.enqueue_indirect_dma source(%arg13 : memref<256x16xf32, #tpu.memory_space<vmem>>) target(%dma_start3A_633 : memref<1000000x16xf32, #tpu.memory_space<hbm>>) offsets(%arg10 : memref<256xi32, #tpu.memory_space<vmem>>) semaphore(%arg22 : memref<!tpu.dma_semaphore, #tpu.memory_space<semaphore_mem>>)
      %dma_wait3A_634 = arith.constant 0 : i32
      %dma_wait3A_635 = arith.constant 0 : i32
      %dma_wait3A_636 = tpu.memref_slice %arg5[%dma_wait3A_634, %dma_wait3A_635] : memref<1000000x16xf32, #tpu.memory_space<hbm>> -> memref<1000000x16xf32, #tpu.memory_space<hbm>>
      tpu.wait_indirect_dma semaphore(%arg22 : memref<!tpu.dma_semaphore, #tpu.memory_space<semaphore_mem>>) src(%arg13 : memref<256x16xf32, #tpu.memory_space<vmem>>) dst(%dma_wait3A_636 : memref<1000000x16xf32, #tpu.memory_space<hbm>>)
    }
    %while3A_601 = arith.constant 1 : i32
    scf.for %while3A_602 = %while3A_599 to %while3A_595 step %while3A_601  : i32 {
      %scan3A_603 = arith.constant 0 : i32
      %scan3A_604 = arith.constant 0 : i32
      %scan3A_605 = arith.constant 16 : i32
      %scan3A_606 = arith.addi %scan3A_604, %scan3A_605 : i32
      %scan3A_607 = arith.constant 1 : i32
      scf.for %scan3A_637 = %scan3A_604 to %scan3A_606 step %scan3A_607  : i32 {
        %mul3A_638 = arith.constant 256 : i32
        %mul3A_639 = arith.muli %while3A_602, %mul3A_638 : i32
        %mul3A_640 = arith.constant 16 : i32
        %mul3A_641 = arith.muli %scan3A_637, %mul3A_640 : i32
        %add3A_642 = arith.addi %mul3A_639, %mul3A_641 : i32
        %get3A = arith.index_cast %add3A_642 : i32 to index
        %get3A_643 = tpu.vector_load %arg9[%get3A] {strides = array<i32>} : memref<16400xi32, #tpu.memory_space<vmem>>, vector<16xi32>,
        %mul3A_644 = arith.constant 16 : i32
        %mul3A_645 = arith.muli %scan3A_637, %mul3A_644 : i32
        %swap3A = arith.index_cast %mul3A_645 : i32 to index
        %swap3A_646 = tpu.vector_load %arg10[%swap3A] {strides = array<i32>} : memref<256xi32, #tpu.memory_space<vmem>>, vector<16xi32>,
        tpu.vector_store %arg10[%swap3A], %get3A_643 {strides = array<i32>} : memref<256xi32, #tpu.memory_space<vmem>>, vector<16xi32>,
      }
      %scan3A_608 = arith.constant 16 : i32
      %mul3A_609 = arith.constant 256 : i32
      %mul3A_610 = arith.muli %while3A_602, %mul3A_609 : i32
      %dma_start3A_611 = tpu.memref_slice %arg8[%mul3A_610] : memref<16400xi32, #tpu.memory_space<vmem>> -> memref<256xi32, #tpu.memory_space<vmem>>
      %dma_start3A_612 = arith.constant 0 : i32
      %dma_start3A_613 = arith.constant 0 : i32
      %dma_start3A_614 = tpu.memref_slice %arg2[%dma_start3A_612, %dma_start3A_613] : memref<16384x16xf32, #tpu.memory_space<hbm>> -> memref<16384x16xf32, #tpu.memory_space<hbm>>
      tpu.enqueue_indirect_dma source(%dma_start3A_614 : memref<16384x16xf32, #tpu.memory_space<hbm>>) target(%arg11 : memref<256x16xf32, #tpu.memory_space<vmem>>) offsets(%dma_start3A_611 : memref<256xi32, #tpu.memory_space<vmem>>) semaphore(%arg20 : memref<!tpu.dma_semaphore, #tpu.memory_space<semaphore_mem>>)
      %dma_start3A_615 = arith.constant 0 : i32
      %dma_start3A_616 = arith.constant 0 : i32
      %dma_start3A_617 = tpu.memref_slice %arg4[%dma_start3A_615, %dma_start3A_616] : memref<1000000x16xf32, #tpu.memory_space<hbm>> -> memref<1000000x16xf32, #tpu.memory_space<hbm>>
      tpu.enqueue_indirect_dma source(%dma_start3A_617 : memref<1000000x16xf32, #tpu.memory_space<hbm>>) target(%arg12 : memref<256x16xf32, #tpu.memory_space<vmem>>) offsets(%arg10 : memref<256xi32, #tpu.memory_space<vmem>>) semaphore(%arg21 : memref<!tpu.dma_semaphore, #tpu.memory_space<semaphore_mem>>)
      %dma_wait3A_618 = tpu.memref_slice %arg8[%mul3A_610] : memref<16400xi32, #tpu.memory_space<vmem>> -> memref<256xi32, #tpu.memory_space<vmem>>
      %dma_wait3A_619 = arith.constant 0 : i32
      %dma_wait3A_620 = arith.constant 0 : i32
      %dma_wait3A_621 = tpu.memref_slice %arg2[%dma_wait3A_619, %dma_wait3A_620] : memref<16384x16xf32, #tpu.memory_space<hbm>> -> memref<16384x16xf32, #tpu.memory_space<hbm>>
      tpu.wait_indirect_dma semaphore(%arg20 : memref<!tpu.dma_semaphore, #tpu.memory_space<semaphore_mem>>) src(%dma_wait3A_621 : memref<16384x16xf32, #tpu.memory_space<hbm>>) dst(%arg11 : memref<256x16xf32, #tpu.memory_space<vmem>>)
      %dma_wait3A_622 = arith.constant 0 : i32
      %dma_wait3A_623 = arith.constant 0 : i32
      %dma_wait3A_624 = tpu.memref_slice %arg4[%dma_wait3A_622, %dma_wait3A_623] : memref<1000000x16xf32, #tpu.memory_space<hbm>> -> memref<1000000x16xf32, #tpu.memory_space<hbm>>
      tpu.wait_indirect_dma semaphore(%arg21 : memref<!tpu.dma_semaphore, #tpu.memory_space<semaphore_mem>>) src(%dma_wait3A_624 : memref<1000000x16xf32, #tpu.memory_space<hbm>>) dst(%arg12 : memref<256x16xf32, #tpu.memory_space<vmem>>)
      %scan3A_625 = arith.constant 0 : i32
      %scan3A_626 = arith.constant 0 : i32
      %scan3A_627 = arith.constant 256 : i32
      %scan3A_628 = arith.addi %scan3A_626, %scan3A_627 : i32
      %scan3A_629 = arith.constant 1 : i32
      scf.for %scan3A_637 = %scan3A_626 to %scan3A_628 step %scan3A_629  : i32 {
        %get3A = arith.index_cast %scan3A_637 : i32 to index
        %get3A_638 = arith.constant 0 : index
        %get3A_639 = tpu.vector_load %arg11[%get3A, %get3A_638] {strides = array<i32>} : memref<256x16xf32, #tpu.memory_space<vmem>>, vector<16xf32>,
        %mul3A_640 = arith.mulf %get3A_639, %get3A_639 : vector<16xf32>
        %reduce_sum3A = arith.constant true
        %reduce_sum3A_641 = vector.broadcast %reduce_sum3A : i1 to vector<16xi1>
        %reduce_sum3A_642 = tpu.scan <sum>, %mul3A_640 masked %reduce_sum3A_641 : vector<16xf32>, vector<16xi1> -> vector<16xf32>
        %reduce_sum3A_643 = vector.extract %reduce_sum3A_642[15] : f32 from vector<16xf32>
        %broadcast_in_dim3A_644 = vector.broadcast %reduce_sum3A_643 : f32 to vector<16xf32>
        %bitcast3A = vector.bitcast %broadcast_in_dim3A_644 : vector<16xf32> to vector<16xi32>
        %shift_right_arithmetic3A = arith.constant 1 : i32
        %shift_right_arithmetic3A_645 = vector.broadcast %shift_right_arithmetic3A : i32 to vector<16xi32>
        %shift_right_arithmetic3A_646 = arith.shrsi %bitcast3A, %shift_right_arithmetic3A_645 : vector<16xi32>
        %sub3A_647 = arith.constant 1597463007 : i32
        %sub3A_648 = vector.broadcast %sub3A_647 : i32 to vector<16xi32>
        %sub3A_649 = arith.subi %sub3A_648, %shift_right_arithmetic3A_646 : vector<16xi32>
        %bitcast3A_650 = vector.bitcast %sub3A_649 : vector<16xi32> to vector<16xf32>
        %mul3A_651 = arith.constant 5.000000e-01 : f32
        %mul3A_652 = vector.broadcast %mul3A_651 : f32 to vector<16xf32>
        %mul3A_653 = arith.mulf %mul3A_652, %broadcast_in_dim3A_644 : vector<16xf32>
        %mul3A_654 = arith.mulf %mul3A_653, %bitcast3A_650 : vector<16xf32>
        %mul3A_655 = arith.mulf %mul3A_654, %bitcast3A_650 : vector<16xf32>
        %sub3A_656 = arith.constant 1.500000e+00 : f32
        %sub3A_657 = vector.broadcast %sub3A_656 : f32 to vector<16xf32>
        %sub3A_658 = arith.subf %sub3A_657, %mul3A_655 : vector<16xf32>
        %mul3A_659 = arith.mulf %bitcast3A_650, %sub3A_658 : vector<16xf32>
        %mul3A_660 = arith.constant 5.000000e-01 : f32
        %mul3A_661 = vector.broadcast %mul3A_660 : f32 to vector<16xf32>
        %mul3A_662 = arith.mulf %mul3A_661, %broadcast_in_dim3A_644 : vector<16xf32>
        %mul3A_663 = arith.mulf %mul3A_662, %mul3A_659 : vector<16xf32>
        %mul3A_664 = arith.mulf %mul3A_663, %mul3A_659 : vector<16xf32>
        %sub3A_665 = arith.constant 1.500000e+00 : f32
        %sub3A_666 = vector.broadcast %sub3A_665 : f32 to vector<16xf32>
        %sub3A_667 = arith.subf %sub3A_666, %mul3A_664 : vector<16xf32>
        %mul3A_668 = arith.mulf %mul3A_659, %sub3A_667 : vector<16xf32>
        %mul3A_669 = arith.constant 5.000000e-01 : f32
        %mul3A_670 = vector.broadcast %mul3A_669 : f32 to vector<16xf32>
        %mul3A_671 = arith.mulf %mul3A_670, %broadcast_in_dim3A_644 : vector<16xf32>
        %mul3A_672 = arith.mulf %mul3A_671, %mul3A_668 : vector<16xf32>
        %mul3A_673 = arith.mulf %mul3A_672, %mul3A_668 : vector<16xf32>
        %sub3A_674 = arith.constant 1.500000e+00 : f32
        %sub3A_675 = vector.broadcast %sub3A_674 : f32 to vector<16xf32>
        %sub3A_676 = arith.subf %sub3A_675, %mul3A_673 : vector<16xf32>
        %mul3A_677 = arith.mulf %mul3A_668, %sub3A_676 : vector<16xf32>
        %mul3A_678 = arith.mulf %broadcast_in_dim3A_644, %mul3A_677 : vector<16xf32>
        %add3A_679 = arith.constant 1.000000e-10 : f32
        %add3A_680 = vector.broadcast %add3A_679 : f32 to vector<16xf32>
        %add3A_681 = arith.addf %mul3A_678, %add3A_680 : vector<16xf32>
        %div3A_682 = arith.divf %get3A_639, %add3A_681 : vector<16xf32>
        %get3A_683 = arith.index_cast %scan3A_637 : i32 to index
        %get3A_684 = arith.constant 0 : index
        %get3A_685 = tpu.vector_load %arg12[%get3A_683, %get3A_684] {strides = array<i32>} : memref<256x16xf32, #tpu.memory_space<vmem>>, vector<16xf32>,
        %mul3A_686 = arith.constant 5.000000e-01 : f32
        %mul3A_687 = vector.broadcast %mul3A_686 : f32 to vector<16xf32>
        %mul3A_688 = arith.mulf %mul3A_687, %get3A_685 : vector<16xf32>
        %mul3A_689 = arith.constant 5.000000e-01 : f32
        %mul3A_690 = vector.broadcast %mul3A_689 : f32 to vector<16xf32>
        %mul3A_691 = arith.mulf %mul3A_690, %div3A_682 : vector<16xf32>
        %add3A_692 = arith.addf %mul3A_688, %mul3A_691 : vector<16xf32>
        %mul3A_693 = arith.mulf %add3A_692, %add3A_692 : vector<16xf32>
        %reduce_sum3A_694 = arith.constant true
        %reduce_sum3A_695 = vector.broadcast %reduce_sum3A_694 : i1 to vector<16xi1>
        %reduce_sum3A_696 = tpu.scan <sum>, %mul3A_693 masked %reduce_sum3A_695 : vector<16xf32>, vector<16xi1> -> vector<16xf32>
        %reduce_sum3A_697 = vector.extract %reduce_sum3A_696[15] : f32 from vector<16xf32>
        %broadcast_in_dim3A_698 = vector.broadcast %reduce_sum3A_697 : f32 to vector<16xf32>
        %bitcast3A_699 = vector.bitcast %broadcast_in_dim3A_698 : vector<16xf32> to vector<16xi32>
        %shift_right_arithmetic3A_700 = arith.constant 1 : i32
        %shift_right_arithmetic3A_701 = vector.broadcast %shift_right_arithmetic3A_700 : i32 to vector<16xi32>
        %shift_right_arithmetic3A_702 = arith.shrsi %bitcast3A_699, %shift_right_arithmetic3A_701 : vector<16xi32>
        %sub3A_703 = arith.constant 1597463007 : i32
        %sub3A_704 = vector.broadcast %sub3A_703 : i32 to vector<16xi32>
        %sub3A_705 = arith.subi %sub3A_704, %shift_right_arithmetic3A_702 : vector<16xi32>
        %bitcast3A_706 = vector.bitcast %sub3A_705 : vector<16xi32> to vector<16xf32>
        %mul3A_707 = arith.constant 5.000000e-01 : f32
        %mul3A_708 = vector.broadcast %mul3A_707 : f32 to vector<16xf32>
        %mul3A_709 = arith.mulf %mul3A_708, %broadcast_in_dim3A_698 : vector<16xf32>
        %mul3A_710 = arith.mulf %mul3A_709, %bitcast3A_706 : vector<16xf32>
        %mul3A_711 = arith.mulf %mul3A_710, %bitcast3A_706 : vector<16xf32>
        %sub3A_712 = arith.constant 1.500000e+00 : f32
        %sub3A_713 = vector.broadcast %sub3A_712 : f32 to vector<16xf32>
        %sub3A_714 = arith.subf %sub3A_713, %mul3A_711 : vector<16xf32>
        %mul3A_715 = arith.mulf %bitcast3A_706, %sub3A_714 : vector<16xf32>
        %mul3A_716 = arith.constant 5.000000e-01 : f32
        %mul3A_717 = vector.broadcast %mul3A_716 : f32 to vector<16xf32>
        %mul3A_718 = arith.mulf %mul3A_717, %broadcast_in_dim3A_698 : vector<16xf32>
        %mul3A_719 = arith.mulf %mul3A_718, %mul3A_715 : vector<16xf32>
        %mul3A_720 = arith.mulf %mul3A_719, %mul3A_715 : vector<16xf32>
        %sub3A_721 = arith.constant 1.500000e+00 : f32
        %sub3A_722 = vector.broadcast %sub3A_721 : f32 to vector<16xf32>
        %sub3A_723 = arith.subf %sub3A_722, %mul3A_720 : vector<16xf32>
        %mul3A_724 = arith.mulf %mul3A_715, %sub3A_723 : vector<16xf32>
        %mul3A_725 = arith.constant 5.000000e-01 : f32
        %mul3A_726 = vector.broadcast %mul3A_725 : f32 to vector<16xf32>
        %mul3A_727 = arith.mulf %mul3A_726, %broadcast_in_dim3A_698 : vector<16xf32>
        %mul3A_728 = arith.mulf %mul3A_727, %mul3A_724 : vector<16xf32>
        %mul3A_729 = arith.mulf %mul3A_728, %mul3A_724 : vector<16xf32>
        %sub3A_730 = arith.constant 1.500000e+00 : f32
        %sub3A_731 = vector.broadcast %sub3A_730 : f32 to vector<16xf32>
        %sub3A_732 = arith.subf %sub3A_731, %mul3A_729 : vector<16xf32>
        %mul3A_733 = arith.mulf %mul3A_724, %sub3A_732 : vector<16xf32>
        %mul3A_734 = arith.mulf %broadcast_in_dim3A_698, %mul3A_733 : vector<16xf32>
        %add3A_735 = arith.constant 1.000000e-10 : f32
        %add3A_736 = vector.broadcast %add3A_735 : f32 to vector<16xf32>
        %add3A_737 = arith.addf %mul3A_734, %add3A_736 : vector<16xf32>
        %div3A_738 = arith.divf %add3A_692, %add3A_737 : vector<16xf32>
        %swap3A = arith.index_cast %scan3A_637 : i32 to index
        %swap3A_739 = arith.constant 0 : index
        %swap3A_740 = tpu.vector_load %arg13[%swap3A, %swap3A_739] {strides = array<i32>} : memref<256x16xf32, #tpu.memory_space<vmem>>, vector<16xf32>,
        tpu.vector_store %arg13[%swap3A, %swap3A_739], %div3A_738 {strides = array<i32>} : memref<256x16xf32, #tpu.memory_space<vmem>>, vector<16xf32>,
      }
      %scan3A_630 = arith.constant 256 : i32
      %dma_start3A_631 = arith.constant 0 : i32
      %dma_start3A_632 = arith.constant 0 : i32
      %dma_start3A_633 = tpu.memref_slice %arg5[%dma_start3A_631, %dma_start3A_632] : memref<1000000x16xf32, #tpu.memory_space<hbm>> -> memref<1000000x16xf32, #tpu.memory_space<hbm>>
      tpu.enqueue_indirect_dma source(%arg13 : memref<256x16xf32, #tpu.memory_space<vmem>>) target(%dma_start3A_633 : memref<1000000x16xf32, #tpu.memory_space<hbm>>) offsets(%arg10 : memref<256xi32, #tpu.memory_space<vmem>>) semaphore(%arg22 : memref<!tpu.dma_semaphore, #tpu.memory_space<semaphore_mem>>)
      %dma_wait3A_634 = arith.constant 0 : i32
      %dma_wait3A_635 = arith.constant 0 : i32
      %dma_wait3A_636 = tpu.memref_slice %arg5[%dma_wait3A_634, %dma_wait3A_635] : memref<1000000x16xf32, #tpu.memory_space<hbm>> -> memref<1000000x16xf32, #tpu.memory_space<hbm>>
      tpu.wait_indirect_dma semaphore(%arg22 : memref<!tpu.dma_semaphore, #tpu.memory_space<semaphore_mem>>) src(%arg13 : memref<256x16xf32, #tpu.memory_space<vmem>>) dst(%dma_wait3A_636 : memref<1000000x16xf32, #tpu.memory_space<hbm>>)
    }
    "tpu.trace_stop"() : () -> ()
    return
  }
}

</mosaic_0001>

<sc_bundles>
// kernel: kernel.3.cloned.1.call-start
scs
__scs_entry_jumppad:
0x0: {  	(pc) =	sbr.rel $0x88, $3  }
0x1: {  	(tag) =	ssettag $0x0;
	lr =	simm.s32 $0x1  }
0x2: {  	[smem:$0x3F9E] =	sst lr;
	_ =	strace $0xD0000000  }
0x3: {  	_ = 	snop  }
0x4: {  	_ = 	snop  }
0x5: {  	_ = 	snop  }
0x6: {  	_ = 	snop  }
0x7: {  	_ = 	snop  }
__scs_overlays_trampoline_lowered:
0x8: {  	[smem:$0x3FAD] =	sst s0  }
0x9: {  	[smem:$0x3FAE] =	sst s1  }
0xa: {  	[smem:$0x3FAF] =	sst s2  }
0xb: {  	[smem:$0x3FB0] =	sst s3  }
0xc: {  	[smem:$0x3FB1] =	sst s4  }
0xd: {  	[smem:$0x3FB2] =	sst s5  }
0xe: {  	[smem:$0x3FB3] =	sst s6  }
0xf: {  	[smem:$0x3FB4] =	sst s7  }
0x10: {  	[smem:$0x3FB5] =	sst s8  }
0x11: {  	[smem:$0x3FB6] =	sst s9;
	s0 =	simm.s32 @!p0 $0x0  }
0x12: {  	s1 =	sld [smem:$0x3F9C];
	s0 =	simm.s32 @p0 $0x1  }
0x13: {  	[smem:$0x3FB7] =	sst s0;
	s0 =	simm.s32 @!p1 $0x0  }
0x14: {  	s2 =	sld [smem:$0x3F9B];
	s0 =	simm.s32 @p1 $0x1  }
0x15: {  	[smem:$0x3FB8] =	sst s0;
	s0 =	simm.s32 @!p2 $0x0  }
0x16: {  	s3 =	sld [smem:$0x3FDB];
	s0 =	simm.s32 @p2 $0x1  }
0x17: {  	s4 =	simm.s32 $0x1BF5;
	[smem:$0x3FBA] =	sst s0  }
0x18: {  	s0 =	sld [smem:$0x3F9D];
	_ =	swait.ge [sflag:s4], $0x0  }
0x19: {  	s7 =	sld [smem:$0x3F9E]  }
0x1a: {  	s8 =	sadd.s32 $0xFFFFE003, lr  }
0x1b: {  	s9 =	sadd.s32 $0xFFFFFEF7, lr;
	s5 =	simm.s32 $0xFFFFFFFF;
	p2 =	slt.u32 s8, $0xFFFFF086  }
0x1c: {  	p1 =	slt.u32 s9, $0xF7A;
	s5 =	simm.s32 @!p2 $0x0  }
0x1d: {  	s5 =	simm.s32 @p1 $0x1;
	p0 =	seq.s32 s7, s2  }
0x1e: {  	s7 =	smul.u32 @!p0 $0xF7A, s2;
	p2 =	seq.s32 @!p0 s5, $0x0  }
0x1f: {  	s9 =	smul.u32 $0xF7A, s1;
	s8 =	simm.s32 @!p0 $0x1BF5;
	p2 =	por !p2, p0  }
0x20: {  	[sflag:s8] =	ssyncset.s32 @!p0 $0xFFFFF086;
	s6 =	sadd.s32 @!p0 s3, s7;
	s7 =	simm.s32 @!p0 $0x108  }
0x21: {  	s3 =	sadd.s32 s3, s9;
	s6 =	sadd.s32 @!p0 $0x88, s6;
	s7 =	simm.s32 @p2 $0x1082  }
0x22: {  	[simem:s7], [sflag:s8] =	dma.local @!p0 [hbm:s6], $0xF7A  }
0x23: {  	s9 =	sor.u32 $0xD0000000, s2;
	s6 =	simm.s32 $0x108;
	_ =	swait.ge @!p0 [sflag:s8], $0x0  }
0x24: {  	s3 =	sadd.s32 $0x88, s3;
	s6 =	simm.s32 @!p1 $0x1082;
	[sflag:s4] =	ssyncset.s32 $0xFFFFF086  }
0x25: {  	[simem:s6], [sflag:s4] =	dma.local [hbm:s3], $0xF7A  }
0x26: {  	[smem:$0x3F9E] =	sst s1;
	(tag) =	ssettag s2;
	_ =	strace s9  }
0x27: {  	s1 =	sld [smem:$0x3FAE]  }
0x28: {  	s2 =	sld [smem:$0x3FAF]  }
0x29: {  	s4 =	sld [smem:$0x3FB1]  }
0x2a: {  	p0 =	seq.s32 s5, $0x0;
	s5 =	sld [smem:$0x3FB2]  }
0x2b: {  	s6 =	sld [smem:$0x3FB3]  }
0x2c: {  	s7 =	sld [smem:$0x3FB4]  }
0x2d: {  	s3 =	simm.s32 $0x108;
	s8 =	sld [smem:$0x3FB5]  }
0x2e: {  	s3 =	simm.s32 @!p0 $0x1082;
	s9 =	sld [smem:$0x3FB6]  }
0x2f: {  	lr =	sadd.s32 s0, s3;
	s0 =	sld [smem:$0x3FAD]  }
0x30: {  	s3 =	sld [smem:$0x3FB0]  }
0x31: {  	[smem:$0x3FB9] =	sst s10  }
0x32: {  	s10 =	sld [smem:$0x3FB7];
	_ =	sdelay $0x3  }
0x33: {  	p0 =	seq.s32 s10, $0x1;
	s10 =	sld [smem:$0x3FB9];
	_ =	sdelay $0x3  }
0x34: {  	[smem:$0x3FB9] =	sst s10  }
0x35: {  	s10 =	sld [smem:$0x3FB8];
	_ =	sdelay $0x3  }
0x36: {  	p1 =	seq.s32 s10, $0x1;
	s10 =	sld [smem:$0x3FB9];
	_ =	sdelay $0x3  }
0x37: {  	[smem:$0x3FB9] =	sst s10  }
0x38: {  	s10 =	sld [smem:$0x3FBA]  }
0x39: {  	_ = 	snop;
	(pc) =	sbr.ind lr, $3  }
0x3a: {  	_ = 	snop  }
0x3b: {  	_ = 	snop  }
0x3c: {  	p2 =	seq.s32 s10, $0x1;
	s10 =	sld [smem:$0x3FB9]  }
0x3d: {  	_ =	shalt  }
0x3e: {  	_ =	shalt  }
0x3f: {  	_ =	shalt  }
0x40: {  	_ =	shalt  }
0x41: {  	_ =	shalt  }
0x42: {  	_ =	shalt  }
0x43: {  	_ =	shalt  }
0x44: {  	_ =	shalt  }
0x45: {  	_ =	shalt  }
0x46: {  	_ =	shalt  }
0x47: {  	_ =	shalt  }
0x48: {  	_ =	shalt  }
0x49: {  	_ =	shalt  }
0x4a: {  	_ =	shalt  }
0x4b: {  	_ =	shalt  }
0x4c: {  	_ =	shalt  }
0x4d: {  	_ =	shalt  }
0x4e: {  	_ =	shalt  }
0x4f: {  	_ =	shalt  }
0x50: {  	_ =	shalt  }
0x51: {  	_ =	shalt  }
0x52: {  	_ =	shalt  }
0x53: {  	_ =	shalt  }
0x54: {  	_ =	shalt  }
0x55: {  	_ =	shalt  }
0x56: {  	_ =	shalt  }
0x57: {  	_ =	shalt  }
0x58: {  	_ =	shalt  }
0x59: {  	_ =	shalt  }
0x5a: {  	_ =	shalt  }
0x5b: {  	_ =	shalt  }
0x5c: {  	_ =	shalt  }
0x5d: {  	_ =	shalt  }
0x5e: {  	_ =	shalt  }
0x5f: {  	_ =	shalt  }
0x60: {  	_ =	shalt  }
0x61: {  	_ =	shalt  }
0x62: {  	_ =	shalt  }
0x63: {  	_ =	shalt  }
0x64: {  	_ =	shalt  }
0x65: {  	_ =	shalt  }
0x66: {  	_ =	shalt  }
0x67: {  	_ =	shalt  }
0x68: {  	_ =	shalt  }
0x69: {  	_ =	shalt  }
0x6a: {  	_ =	shalt  }
0x6b: {  	_ =	shalt  }
0x6c: {  	_ =	shalt  }
0x6d: {  	_ =	shalt  }
0x6e: {  	_ =	shalt  }
0x6f: {  	_ =	shalt  }
0x70: {  	_ =	shalt  }
0x71: {  	_ =	shalt  }
0x72: {  	_ =	shalt  }
0x73: {  	_ =	shalt  }
0x74: {  	_ =	shalt  }
0x75: {  	_ =	shalt  }
0x76: {  	_ =	shalt  }
0x77: {  	_ =	shalt  }
0x78: {  	_ =	shalt  }
0x79: {  	_ =	shalt  }
0x7a: {  	_ =	shalt  }
0x7b: {  	_ =	shalt  }
0x7c: {  	_ =	shalt  }
0x7d: {  	_ =	shalt  }
0x7e: {  	_ =	shalt  }
0x7f: {  	_ =	shalt  }
0x80: {  	_ =	shalt  }
0x81: {  	_ =	shalt  }
0x82: {  	_ =	shalt  }
0x83: {  	_ =	shalt  }
0x84: {  	_ =	shalt  }
0x85: {  	_ =	shalt  }
0x86: {  	_ =	shalt  }
0x87: {  	_ =	shalt  }
.Lfunc_end0:
.L_simem_size_0:
called_computation.1_lowered:
.L_overlay_start_0:
0x88: {  	s2 =	sld [smem:$0x3FD9]  }
0x89: {  	s3 =	sld [smem:$0x3FFE];
	_ =	sdelay $0x1  }
0x8a: {  	s1 =	srdreg.scid  }
0x8b: {  	s0 =	sand.u32 $0x1, s1  }
0x8c: {  	s17 =	sshll.u32 s0, $0xA;
	s2 =	sadd.s32 s3, s2  }
0x8d: {  	s2 =	sadd.s32 s2, s17  }
0x8e: {  	[smem:$0x3FC5] =	sst s2  }
0x8f: {  	_ = 	snop  }
0x90: {  	s2 =	sld [smem:$0x3FC8]  }
0x91: {  	s18 =	sld [smem:$0x3FD0];
	(tm) =	ssettm $0x1  }
0x92: {  	s4 =	sld [smem:$0x3FFB];
	_ =	sdelay $0x3  }
0x93: {  	_ =	strace s4  }
0x94: {  	s4 =	sld [smem:$0x3FFC];
	_ =	sdelay $0x3  }
0x95: {  	_ =	strace s4  }
0x96: {  	s4 =	sld [smem:$0x3FFD];
	_ =	sdelay $0x3  }
0x97: {  	_ =	strace s4  }
0x98: {  	_ =	strace $0x8FFFFFFF  }
0x99: {  	s19 =	sld [smem:$0x3FDB];
	_ =	sdelay $0x1  }
0x9a: {  	s5 =	simm.s32 $_scs_section_size  }
0x9b: {  	s6 =	simm.s32 $_size__tile_overlayer_lowered;
	s7 =	simm.s32 $_tile_overlayer_lowered  }
0x9c: {  	s22 =	simm.s32 $0x1BFF;
	s21 =	sshll.u32 s7, $0x1;
	s4 =	sadd.s32 s5, s19  }
0x9d: {  	s8 =	simm.s32 $0x0;
	s20 =	sshll.u32 s6, $0x1;
	s6 =	sadd.s32 s21, s4  }
0x9e: {  	[timem:s8], [sflag:s22] =	dma.local [hbm:s6], s20  }
0x9f: {  	_ =	swait.ge [sflag:s22], s20  }
0xa0: {  	s5 =	ssub.s32 $0x0, s20;
	[sflag:s22] =	ssyncset.done $0x0  }
0xa1: {  	[sflag:s22] =	ssyncadd.s32 s5;
	_ =	sdelay $0x1  }
0xa2: {  	s23 =	simm.s32 $0x1B8B  }
0xa3: {  	_ =	swait.ge [sflag:s23], $0x1  }
0xa4: {  	[sflag:s23] =	ssyncset.done $0x0  }
0xa5: {  	s25 =	simm.s32 $0x1B8E;
	s24 =	sld [smem:$0x3FFE];
	[sflag:s23] =	ssyncadd.s32 $0xFFFFFFFF  }
0xa6: {  	s26 =	simm.s32 $execute0_lowered;
	[smem:$0x3FD2] =	sst s25  }
0xa7: {  	s6 =	sshll.u32 s26, $0x1;
	_ =	strace $0x80000046;
	[dreg:$0x1] =	wrdreg $0xFFFFFFFF  }
0xa8: {  	s28 =	simm.s32 $_size_execute0_lowered;
	s4 =	sadd.s32 s4, s6;
	[dreg:$0x0] =	wrdreg $0x0  }
0xa9: {  	s6 =	sshll.u32 s28, $0x1;
	[dreg:$0x2] =	wrdreg s4  }
0xaa: {  	[dreg:$0x3] =	wrdreg s6  }
0xab: {  	[dreg:$0x4] =	wrdreg $0xC0  }
0xac: {  	_ =	task [dreg:s8], $0x5FFFF  }
0xad: {  	[dreg:$0x1] =	wrdreg $0xFFFFFFFF  }
0xae: {  	[dreg:$0x0] =	wrdreg $0x60  }
0xaf: {  	[dreg:$0x2] =	wrdreg s24  }
0xb0: {  	[dreg:$0x3] =	wrdreg s2  }
0xb1: {  	[dreg:$0x4] =	wrdreg s18  }
0xb2: {  	[dreg:$0x5] =	wrdreg $0x9  }
0xb3: {  	_ =	task.clear_ibuf [dreg:s8], $0x6FFFF;
	_ =	strace $0x90000046  }
0xb4: {  	s29 =	simm.s32 $0x9;
	_ =	strace $0x8000004D  }
0xb5: {  	_ =	swait.ge [sflag:s29], $0x1  }
0xb6: {  	[sflag:s29] =	ssyncadd.s32 $0xFFFFFFFF  }
0xb7: {  	_ =	strace $0x9000004D  }
0xb8: {  	_ =	sfence  }
0xb9: {  	s30 =	sld [smem:$0x0];
	_ =	sdelay $0x2  }
0xba: {  	s31 =	sshll.u32 s1, $0xD;
	s1 =	sshrl.u32 s1, $0x2  }
0xbb: {  	s3 =	sand.u32 $0x4000, s31;
	s1 =	sadd.s32 s1, s30  }
0xbc: {  	s0 =	sor.u32 s3, s0;
	s1 =	sshll.u32 s1, $0x11  }
0xbd: {  	s0 =	sor.u32 s1, s0  }
0xbe: {  	s0 =	sadd.s32 $0x8F2B, s0  }
0xbf: {  	[sflag:s0] =	ssyncadd.remote.s32 $0x1  }
0xc0: {  	_ =	sfence.sel $0xFFFF  }
0xc1: {  	[dreg:$0x0] =	wrdreg $0xFFFFFFFF;
	(pc) =	sbr.abs _section_cstart, $3  }
0xc2: {  	[dreg:$0x1] =	wrdreg $0xFFFFFFFF  }
0xc3: {  	_ =	task.clear_ibuf [dreg:s8], $0x2FFFF;
	_ =	strace $0x9FFFFFFF  }
0xc4: {  	(tm) =	ssettm $0x7FFFFFFF  }
0xc5: {  	_ =	shalt  }
tec
execute0_lowered:
.L_overlay_start_1:
0x0: {  	(tag) =	ssettag $0x1  }
0x1: {  	s1 =	srdreg.scid  }
0x2: {  	s8 =	sand.u32 $0x1, s1  }
0x3: {  	s12 =	stileid.u32;
	s1 =	sshll.u32 s8, $0x4  }
0x4: {  	s0 =	rddreg [dreg:$0x0];
	s1 =	sor.u32 s12, s1  }
0x5: {  	s3 =	rddreg [dreg:$0x2];
	s4 =	simm.s32 $0x0;
	s2 =	smul.u32 $0x7A12, s1  }
0x6: {  	[smem:$0x7FF] =	sst s4;
	s23 =	ssub.s32 $0x2, s8  }
0x7: {  	s5 =	sadd.s32 $0xA00, s0;
	s24 =	sshrl.u32 s23, $0x1;
	s7 =	sshll.u32 s2, $0x1  }
0x8: {  	s6 =	sadd.s32 $0x8A00, s0;
	s0 =	ssub.s32 s23, s24;
	s7 =	sand.u32 $0x1FFFF0, s7  }
0x9: {  	_ =	strace $0x80000047;
	s0 =	smax.u32 s0, $0x1;
	s9 =	sadd.s32 $0xBA0, s7  }
0xa: {  	[smem:$0x7FB] =	sst s0;
	s10 =	sadd.s32 $0x1740, s7;
	s11 =	sadd.s32 s3, s9  }
0xb: {  	s8 =	smul.u32 $0x7A120, s8;
	s25 =	sadd.s32 s3, s10;
	[dreg:$0x4] =	wrdreg s11  }
0xc: {  	s26 =	sadd.s32 $0x22E0, s7;
	s9 =	sadd.s32 s6, s9;
	[dreg:$0x5] =	wrdreg s25  }
0xd: {  	s12 =	smul.u32 $0x7A12, s12;
	s13 =	sadd.s32 s3, s26;
	[dreg:$0x6] =	wrdreg s9  }
0xe: {  	s14 =	sadd.s32 $0x3A20, s7;
	s10 =	sadd.s32 s6, s10;
	[dreg:$0x7] =	wrdreg s13  }
0xf: {  	s16 =	sadd.s32 $0x45C0, s7;
	s15 =	sadd.s32 s3, s14;
	[dreg:$0x8] =	wrdreg s10  }
0x10: {  	s18 =	sadd.s32 $0x5160, s7;
	s17 =	sadd.s32 s3, s16;
	[dreg:$0xb] =	wrdreg s15  }
0x11: {  	s21 =	sadd.s32 $0x5D00, s7;
	s20 =	sadd.s32 s3, s18;
	[dreg:$0xd] =	wrdreg s17  }
0x12: {  	s22 =	sadd.s32 $0x68A0, s7;
	s23 =	sadd.s32 s3, s21;
	[dreg:$0xf] =	wrdreg s20  }
0x13: {  	s28 =	sadd.s32 $0x2E80, s7;
	s24 =	sadd.s32 s3, s22;
	[dreg:$0x12] =	wrdreg s23  }
0x14: {  	s8 =	sadd.s32 s12, s8;
	s13 =	sadd.s32 s3, s28;
	[dreg:$0x14] =	wrdreg s24  }
0x15: {  	s1 =	sand.u32 $0xFFFF8, s2;
	s9 =	sadd.s32 s6, s26;
	[dreg:$0x9] =	wrdreg s13  }
0x16: {  	s2 =	sadd.s32 $0x7A12, s2;
	s11 =	sadd.s32 s6, s28;
	[dreg:$0xa] =	wrdreg s9  }
0x17: {  	s2 =	sand.u32 $0x1FFFF8, s2;
	s10 =	sadd.s32 s6, s16;
	[dreg:$0xc] =	wrdreg s11  }
0x18: {  	s19 =	ssub.s32 s2, s1;
	s25 =	sadd.s32 s6, s22;
	[dreg:$0x10] =	wrdreg s10  }
0x19: {  	s26 =	sadd.s32 $0x7440, s7;
	s9 =	sadd.s32 s6, s14;
	[dreg:$0x15] =	wrdreg s25  }
0x1a: {  	s28 =	sadd.s32 $0x7FE0, s7;
	s12 =	sadd.s32 s3, s26;
	[dreg:$0xe] =	wrdreg s9  }
0x1b: {  	p0 =	slt.s32 s19, $0x7A11;
	s13 =	sadd.s32 s3, s28;
	[dreg:$0x16] =	wrdreg s12  }
0x1c: {  	s15 =	sadd.s32 $0x8B80, s7;
	s14 =	sadd.s32 s6, s28;
	[dreg:$0x18] =	wrdreg s13  }
0x1d: {  	s16 =	sadd.s32 $0x9720, s7;
	s17 =	sadd.s32 s3, s15;
	[dreg:$0x19] =	wrdreg s14  }
0x1e: {  	s20 =	sadd.s32 $0xA2C0, s7;
	s19 =	sadd.s32 s6, s16;
	[dreg:$0x1a] =	wrdreg s17  }
0x1f: {  	s22 =	sadd.s32 s3, s20;
	[dreg:$0x1d] =	wrdreg s19  }
0x20: {  	s9 =	sadd.s32 s6, s18;
	[dreg:$0x1e] =	wrdreg s22  }
0x21: {  	s25 =	sadd.s32 $0xBA00, s7;
	s18 =	sadd.s32 s3, s16;
	[dreg:$0x11] =	wrdreg s9  }
0x22: {  	s29 =	simm.s32 $0x4000;
	s28 =	sadd.s32 s3, s25;
	[dreg:$0x1c] =	wrdreg s18  }
0x23: {  	s30 =	simm.s32 $0x1;
	s19 =	sadd.s32 s3, s7;
	[smem:$0x7ED] =	sst s28  }
0x24: {  	s14 =	sadd.s32 $0xD140, s7;
	s9 =	sadd.s32 s6, s21;
	[smem:$0x7F5] =	sst s19  }
0x25: {  	s31 =	simm.s32 $0x13120;
	s16 =	sadd.s32 s3, s14;
	[dreg:$0x13] =	wrdreg s9  }
0x26: {  	v2 =	vmov s2;
	s2 =	simm.s32 $0x3;
	s28 =	sand.u32 $0xFFFF8, s8;
	[smem:$0x7F1] =	sst s16  }
0x27: {  	s21 =	sadd.s32 $0xAE60, s7;
	s9 =	sadd.s32 s6, s26;
	[smem:$0x7FC] =	sst s28  }
0x28: {  	s10 =	simm.s32 $0x10020;
	s23 =	sadd.s32 s3, s21;
	[dreg:$0x17] =	wrdreg s9  }
0x29: {  	s11 =	simm.s32 $0x11120;
	s24 =	sadd.s32 s6, s21;
	[smem:$0x7EB] =	sst s23  }
0x2a: {  	s22 =	sadd.s32 $0x4000, s1;
	s0 =	sadd.s32 $0x4000, s28;
	[smem:$0x7EC] =	sst s24  }
0x2b: {  	s26 =	sadd.s32 $0xC5A0, s7;
	s9 =	sadd.s32 s6, s15;
	[smem:$0x7FD] =	sst s0  }
0x2c: {  	v0 =	vmov s1;
	s1 =	simm.s32 $0x2;
	s12 =	sadd.s32 s3, s26;
	[dreg:$0x1b] =	wrdreg s9  }
0x2d: {  	s21 =	sadd.s32 $0xE880, s7;
	s13 =	sadd.s32 s6, s26;
	[smem:$0x7EF] =	sst s12  }
0x2e: {  	s8 =	simm.s32 $0x100;
	s23 =	sadd.s32 s3, s21;
	[smem:$0x7F0] =	sst s13  }
0x2f: {  	s16 =	simm.s32 $0x0;
	s24 =	sadd.s32 s6, s21;
	[smem:$0x7F7] =	sst s23  }
0x30: {  	s15 =	sadd.s32 $0xDCE0, s7;
	s9 =	sadd.s32 s6, s20;
	[smem:$0x7F8] =	sst s24  }
0x31: {  	s0 =	simm.s32 $0x18E20;
	s17 =	sadd.s32 s3, s15;
	[dreg:$0x1f] =	wrdreg s9  }
0x32: {  	s18 =	sadd.s32 s6, s15;
	s20 =	sadd.s32 s6, s7;
	[smem:$0x7F3] =	sst s17  }
0x33: {  	s7 =	sadd.s32 $0xF420, s7;
	s12 =	simm.s32 $0x5;
	[smem:$0x7F4] =	sst s18  }
.Ltmp0:
0x34: {  	v3 =	vimm.s32 $0xFFFFFFFF;
	s9 =	sadd.s32 s6, s25;
	[smem:$0x7F6] =	sst s20;
	(pc) =	sbr.rel .LBB2_1-.Ltmp0, $4  }
0x35: {  	v4 =	vlaneseq.u32;
	v5 =	vimm.s32 $0x0;
	vm0 =	vmmov $0x1;
	s13 =	simm.s32 $0x6;
	s25 =	sadd.s32 s6, s7;
	[smem:$0x7EE] =	sst s9  }
0x36: {  	vm8 =	vcmask $0x2320;
	vm9 =	vcmask $0x2724;
	vm10 =	vcmask $0x2B28;
	s15 =	simm.s32 $0x7;
	s26 =	sadd.s32 s3, s7;
	[smem:$0x7F9] =	sst s25  }
0x37: {  	vm11 =	vcmask $0x2F2C;
	vm12 =	vcmask $0x3330;
	vm13 =	vcmask $0x3734;
	s7 =	simm.s32 $0x4;
	s9 =	sadd.s32 s6, s14;
	[smem:$0x7FA] =	sst s26  }
0x38: {  	vm14 =	vcmask $0x3B38;
	vm15 =	vcmask $0x3F3C;
	v1 =	vmov s22;
	s14 =	simm.s32 $0x12120;
	[smem:$0x7F2] =	sst s9;
	s9 =	simm.s32 $0x10120  }
.LBB2_32:
0x39: {  	s17 =	sld [smem:$0x7FB];
	_ =	sdelay $0x1  }
0x3a: {  	s16 =	sadd.s32 $0x1, s16  }
0x3b: {  	p1 =	sne.s32 s16, s17  }
.Ltmp1:
0x3c: {  	_ = 	snop;
	(pc) =	sbr.rel @!p1 .LBB2_33-.Ltmp1, $2  }
0x3d: {  	_ =	sdelay $0x2  }
0x3e: {  	_ =	strace $0x9000004C  }
.LBB2_1:
0x3f: {  	s17 =	rddreg [dreg:$0x1];
	s28 =	simm.s32 $0x8  }
0x40: {  	[tilespmem:s4], [sflag:$0x8] =	stream.linear.gather [hbm4b:s17+s4], $0x4000, $0x38;
	[tilespmem:$0x1EB20] =	vst v63  }
0x41: {  	_ =	swait.ge [sflag:s28], $0x4000  }
0x42: {  	[sflag:s28] =	ssyncset.done $0x0  }
0x43: {  	[sflag:s28] =	ssyncadd.s32 $0xFFFFC000  }
0x44: {  	s17 =	simm.s32 $0x0;
	_ =	strace $0x80000048  }
.LBB2_2:
0x45: {  	p1 =	sne.s32 s17, $0xFFC0  }
.Ltmp2:
0x46: {  	_ = 	snop;
	(pc) =	sbr.rel @p1 .LBB2_2-.Ltmp2, $3  }
0x47: {  	_ =	sdelay $0x1  }
0x48: {  	s18 =	sshra.s32 s17, $0x2  }
0x49: {  	s17 =	sadd.s32 $0x40, s17;
	[tilespmem:s18+$0x4000] =	vst v3  }
.Ltmp3:
0x4a: {  	(pc) =	sbr.rel .LBB2_4-.Ltmp3, $2  }
0x4b: {  	_ =	sdelay $0x2  }
0x4c: {  	s17 =	simm.s32 $0x0;
	s18 =	simm.s32 $0x0  }
.LBB2_5:
0x4d: {  	vm2 =	vmand vm1, vm0;
	vm3 =	vcmask $0x704  }
0x4e: {  	vm3 =	vmand vm1, vm3  }
0x4f: {  	vm4 =	vcmask $0xB08  }
0x50: {  	vm5 =	vcmask $0xF0C;
	vm4 =	vmand vm1, vm4  }
0x51: {  	vm6 =	vcmask $0x1310;
	vm5 =	vmand vm1, vm5  }
0x52: {  	vm7 =	vcmask $0x1714;
	vm6 =	vmand vm1, vm6  }
0x53: {  	vm7 =	vmand vm1, vm7;
	[tilespmem:v6+s29+$0x0] =	vst.idx.msk vm2, v7;
	vm2 =	vcmask $0x1B18  }
0x54: {  	vm2 =	vmand vm1, vm2;
	[tilespmem:v6+s29+$0x0] =	vst.idx.msk vm3, v7;
	vm3 =	vcmask $0x1F1C  }
0x55: {  	vm3 =	vmand vm1, vm3  }
0x56: {  	[tilespmem:v6+s29+$0x0] =	vst.idx.msk vm4, v7;
	vm4 =	vmand vm1, vm8  }
0x57: {  	[tilespmem:v6+s29+$0x0] =	vst.idx.msk vm5, v7;
	vm5 =	vmand vm1, vm9  }
0x58: {  	[tilespmem:v6+s29+$0x0] =	vst.idx.msk vm6, v7;
	vm6 =	vmand vm1, vm10  }
0x59: {  	[tilespmem:v6+s29+$0x0] =	vst.idx.msk vm7, v7;
	vm7 =	vmand vm1, vm11  }
0x5a: {  	[tilespmem:v6+s29+$0x0] =	vst.idx.msk vm2, v7;
	vm2 =	vmand vm1, vm12  }
0x5b: {  	[tilespmem:v6+s29+$0x0] =	vst.idx.msk vm3, v7;
	vm3 =	vmand vm1, vm13  }
0x5c: {  	[tilespmem:v6+s29+$0x0] =	vst.idx.msk vm4, v7;
	vm4 =	vmand vm1, vm14  }
0x5d: {  	[tilespmem:v6+s29+$0x0] =	vst.idx.msk vm5, v7  }
0x5e: {  	[tilespmem:v6+s29+$0x0] =	vst.idx.msk vm6, v7  }
0x5f: {  	[tilespmem:v6+s29+$0x0] =	vst.idx.msk vm7, v7  }
0x60: {  	[tilespmem:v6+s29+$0x0] =	vst.idx.msk vm2, v7  }
0x61: {  	[tilespmem:v6+s29+$0x0] =	vst.idx.msk vm3, v7  }
0x62: {  	vm1 =	vmand vm1, vm15;
	[tilespmem:v6+s29+$0x0] =	vst.idx.msk vm4, v7  }
.LBB2_7:
0x63: {  	_ =	sdelay $0x4  }
0x64: {  	[tilespmem:v6+s29+$0x0] =	vst.idx.msk vm1, v7  }
.LBB2_8:
0x65: {  	s18 =	sadd.s32 $0x10, s18  }
0x66: {  	p1 =	sne.s32 s18, $0x4000  }
.Ltmp4:
0x67: {  	_ = 	snop;
	(pc) =	sbr.rel @!p1 .LBB2_9-.Ltmp4, $2  }
0x68: {  	_ =	sdelay $0x2  }
0x69: {  	s17 =	sadd.s32 $0x10, s17  }
.LBB2_4:
0x6a: {  	v6 =	vld [tilespmem:s17+$0x0];
	_ =	sdelay $0x4  }
0x6b: {  	vm1 =	vge.s32 v6, v0;
	vm2 =	vlt.s32 v6, v1  }
0x6c: {  	vm1 =	vmand vm1, vm2  }
0x6d: {  	v7 =	vsel vm1, $0x1, v5  }
0x6e: {  	(xrf0) =	vadd.scan.msk.s32 $0xffff, v7;
	_ =	sdelay $0x5  }
0x6f: {  	v7, _, _ =	vpop (xrf0)  }
0x70: {  	(v2sf) =	vpush v7, $0xF;
	_ =	sdelay $0xe  }
0x71: {  	s19 =	spop (v2sf)  }
0x72: {  	p1 =	slt.s32 s19, $0x2  }
.Ltmp5:
0x73: {  	_ = 	snop;
	(pc) =	sbr.rel @!p1 .LBB2_5-.Ltmp5, $3  }
0x74: {  	_ =	sdelay $0x1  }
0x75: {  	v6 =	vsub.s32 v6, v0  }
0x76: {  	v6 =	vnsel vm1, $0x0, v6;
	v7 =	vor.u32 s18, v4  }
0x77: {  	p1 =	sne.s32 s19, $0x1  }
.Ltmp6:
0x78: {  	_ = 	snop;
	(pc) =	sbr.rel @p1 .LBB2_8-.Ltmp6, $4  }
.Ltmp7:
0x79: {  	_ = 	snop;
	(pc) =	sbr.rel @!p1 .LBB2_7-.Ltmp7, $4  }
0x7a: {  	_ = 	snop  }
0x7b: {  	_ = 	snop  }
0x7c: {  	_ = 	snop  }
0x7d: {  	_ = 	snop  }
.LBB2_9:
0x7e: {  	s17 =	simm.s32 $0x0  }
0x7f: {  	v7 =	vld [tilespmem:s17+$0x4000];
	_ =	sdelay $0x4  }
0x80: {  	vm1 =	vgt.s32 v7, $0xFFFFFFFF  }
0x81: {  	v6 =	vsel vm1, $0x1, v5  }
0x82: {  	(xrf0) =	vadd.scan.msk.s32 $0xffff, v6;
	_ =	sdelay $0x5  }
0x83: {  	v6, _, _ =	vpop (xrf0)  }
0x84: {  	(v2sf) =	vpush v6, $0xF;
	_ =	sdelay $0xe  }
0x85: {  	s17 =	spop (v2sf)  }
0x86: {  	p2 =	slt.s32 s17, $0x1  }
0x87: {  	s21 =	sadd.s32 @!p2 $0x0, s17;
	s17 =	sld [smem:$0x7FC];
	_ =	sdelay $0x1  }
0x88: {  	s18 =	simm.s32 $0x0;
	vm1 =	vgt.s32 @!p2 v7, $0xFFFFFFFF;
	v6 =	vlaneseq.u32 @!p2  }
0x89: {  	s20 =	simm.s32 $0x40;
	s19 =	simm.s32 $0x80;
	[tilespmem:s18+$0x8000] =	vst.msk @!p2 vm1, v7;
	s21 =	smov.u32 @p2 s18;
	v6 =	vadd.s32 @!p2 s17, v6  }
.LBB2_10:
0x8a: {  	s22 =	smov.u32 s21;
	s21 =	sshra.s32 s20, $0x2;
	s17 =	sadd.s32 $0x10, s17  }
0x8b: {  	s20 =	smov.u32 s19;
	s19 =	sadd.s32 $0x40, s19;
	[tilespmem:s18+$0xC010] =	vst.msk @!p2 vm1, v6;
	s18 =	smov.u32 s22  }
0x8c: {  	p1 =	sne.s32 s19, $0x10000;
	v7 =	vld [tilespmem:s21+$0x4000];
	_ =	sdelay $0x4  }
0x8d: {  	vm1 =	vgt.s32 v7, $0xFFFFFFFF  }
0x8e: {  	v6 =	vsel vm1, $0x1, v5  }
0x8f: {  	(xrf0) =	vadd.scan.msk.s32 $0xffff, v6;
	_ =	sdelay $0x5  }
0x90: {  	v6, _, _ =	vpop (xrf0)  }
0x91: {  	(v2sf) =	vpush v6, $0xF;
	_ =	sdelay $0xd  }
.Ltmp8:
0x92: {  	(pc) =	sbr.rel @p1 .LBB2_10-.Ltmp8, $4  }
0x93: {  	s21 =	spop (v2sf)  }
0x94: {  	p2 =	slt.s32 s21, $0x1  }
0x95: {  	vm1 =	vgt.s32 @!p2 v7, $0xFFFFFFFF;
	v6 =	vlaneseq.u32 @!p2;
	s21 =	sadd.s32 @!p2 s22, s21  }
0x96: {  	v6 =	vadd.s32 @!p2 s17, v6;
	[tilespmem:s18+$0x8000] =	vst.msk @!p2 vm1, v7;
	s21 =	smov.u32 @p2 s22  }
0x97: {  	s19 =	sshra.s32 s20, $0x2;
	[tilespmem:s18+$0xC010] =	vst.msk @!p2 vm1, v6  }
0x98: {  	v6 =	vld [tilespmem:s19+$0x4000];
	_ =	sdelay $0x4  }
0x99: {  	vm1 =	vgt.s32 v6, $0xFFFFFFFF  }
0x9a: {  	v7 =	vsel vm1, $0x1, v5  }
0x9b: {  	(xrf0) =	vadd.scan.msk.s32 $0xffff, v7;
	_ =	sdelay $0x5  }
0x9c: {  	v7, _, _ =	vpop (xrf0)  }
0x9d: {  	(v2sf) =	vpush v7, $0xF;
	_ =	sdelay $0xe  }
0x9e: {  	s18 =	spop (v2sf)  }
0x9f: {  	p1 =	slt.s32 s18, $0x1  }
0xa0: {  	s17 =	sadd.s32 $0x10, s17;
	vm1 =	vgt.s32 @!p1 v6, $0xFFFFFFFF;
	v7 =	vlaneseq.u32 @!p1  }
0xa1: {  	v7 =	vadd.s32 @!p1 s17, v7;
	[tilespmem:s21+$0x8000] =	vst.msk @!p1 vm1, v6  }
0xa2: {  	s20 =	simm.s32 $0x0;
	[tilespmem:s21+$0xC010] =	vst.msk @!p1 vm1, v7  }
0xa3: {  	s19 =	simm.s32 $0x40;
	s17 =	sadd.s32 @!p1 s21, s18;
	_ =	strace $0x90000048  }
0xa4: {  	s18 =	simm.s32 $0x0;
	s17 =	smov.u32 @p1 s21;
	_ =	strace $0x80000049  }
.LBB2_12:
0xa5: {  	p1 =	sne.s32 s19, $0xFFC0;
	[tilespmem:s20+$0x4000] =	vst v3;
	s20 =	smov.u32 s19;
	s19 =	sadd.s32 $0x40, s19  }
.Ltmp9:
0xa6: {  	(pc) =	sbr.rel @p1 .LBB2_12-.Ltmp9, $2  }
0xa7: {  	_ =	sdelay $0x2  }
0xa8: {  	s20 =	sshra.s32 s20, $0x2  }
.Ltmp10:
0xa9: {  	(pc) =	sbr.rel .LBB2_14-.Ltmp10, $2  }
0xaa: {  	_ =	sdelay $0x2  }
0xab: {  	[tilespmem:s20+$0x4000] =	vst v3;
	s19 =	simm.s32 $0x0  }
.LBB2_15:
0xac: {  	vm2 =	vmand vm1, vm0;
	vm3 =	vcmask $0x704  }
0xad: {  	vm3 =	vmand vm1, vm3  }
0xae: {  	vm4 =	vcmask $0xB08  }
0xaf: {  	vm5 =	vcmask $0xF0C;
	vm4 =	vmand vm1, vm4  }
0xb0: {  	vm6 =	vcmask $0x1310;
	vm5 =	vmand vm1, vm5  }
0xb1: {  	vm7 =	vcmask $0x1714;
	vm6 =	vmand vm1, vm6  }
0xb2: {  	vm7 =	vmand vm1, vm7;
	[tilespmem:v6+s29+$0x0] =	vst.idx.msk vm2, v7;
	vm2 =	vcmask $0x1B18  }
0xb3: {  	vm2 =	vmand vm1, vm2;
	[tilespmem:v6+s29+$0x0] =	vst.idx.msk vm3, v7;
	vm3 =	vcmask $0x1F1C  }
0xb4: {  	vm3 =	vmand vm1, vm3  }
0xb5: {  	[tilespmem:v6+s29+$0x0] =	vst.idx.msk vm4, v7;
	vm4 =	vmand vm1, vm8  }
0xb6: {  	[tilespmem:v6+s29+$0x0] =	vst.idx.msk vm5, v7;
	vm5 =	vmand vm1, vm9  }
0xb7: {  	[tilespmem:v6+s29+$0x0] =	vst.idx.msk vm6, v7;
	vm6 =	vmand vm1, vm10  }
0xb8: {  	[tilespmem:v6+s29+$0x0] =	vst.idx.msk vm7, v7;
	vm7 =	vmand vm1, vm11  }
0xb9: {  	[tilespmem:v6+s29+$0x0] =	vst.idx.msk vm2, v7;
	vm2 =	vmand vm1, vm12  }
0xba: {  	[tilespmem:v6+s29+$0x0] =	vst.idx.msk vm3, v7;
	vm3 =	vmand vm1, vm13  }
0xbb: {  	[tilespmem:v6+s29+$0x0] =	vst.idx.msk vm4, v7;
	vm4 =	vmand vm1, vm14  }
0xbc: {  	[tilespmem:v6+s29+$0x0] =	vst.idx.msk vm5, v7  }
0xbd: {  	[tilespmem:v6+s29+$0x0] =	vst.idx.msk vm6, v7  }
0xbe: {  	[tilespmem:v6+s29+$0x0] =	vst.idx.msk vm7, v7  }
0xbf: {  	[tilespmem:v6+s29+$0x0] =	vst.idx.msk vm2, v7  }
0xc0: {  	[tilespmem:v6+s29+$0x0] =	vst.idx.msk vm3, v7  }
0xc1: {  	vm1 =	vmand vm1, vm15;
	[tilespmem:v6+s29+$0x0] =	vst.idx.msk vm4, v7  }
.LBB2_17:
0xc2: {  	_ =	sdelay $0x4  }
0xc3: {  	[tilespmem:v6+s29+$0x0] =	vst.idx.msk vm1, v7  }
.LBB2_18:
0xc4: {  	s19 =	sadd.s32 $0x10, s19  }
0xc5: {  	p1 =	sne.s32 s19, $0x4000  }
.Ltmp11:
0xc6: {  	_ = 	snop;
	(pc) =	sbr.rel @!p1 .LBB2_19-.Ltmp11, $2  }
0xc7: {  	_ =	sdelay $0x2  }
0xc8: {  	s18 =	sadd.s32 $0x10, s18  }
.LBB2_14:
0xc9: {  	v6 =	vld [tilespmem:s18+$0x0];
	_ =	sdelay $0x4  }
0xca: {  	vm1 =	vge.s32 v6, v1;
	vm2 =	vlt.s32 v6, v2  }
0xcb: {  	vm1 =	vmand vm1, vm2  }
0xcc: {  	v7 =	vsel vm1, $0x1, v5  }
0xcd: {  	(xrf0) =	vadd.scan.msk.s32 $0xffff, v7;
	_ =	sdelay $0x5  }
0xce: {  	v7, _, _ =	vpop (xrf0)  }
0xcf: {  	(v2sf) =	vpush v7, $0xF;
	_ =	sdelay $0xe  }
0xd0: {  	s20 =	spop (v2sf)  }
0xd1: {  	p1 =	slt.s32 s20, $0x2  }
.Ltmp12:
0xd2: {  	_ = 	snop;
	(pc) =	sbr.rel @!p1 .LBB2_15-.Ltmp12, $3  }
0xd3: {  	_ =	sdelay $0x1  }
0xd4: {  	v6 =	vsub.s32 v6, v1  }
0xd5: {  	v6 =	vnsel vm1, $0x0, v6;
	v7 =	vor.u32 s19, v4  }
0xd6: {  	p1 =	sne.s32 s20, $0x1  }
.Ltmp13:
0xd7: {  	_ = 	snop;
	(pc) =	sbr.rel @p1 .LBB2_18-.Ltmp13, $4  }
.Ltmp14:
0xd8: {  	_ = 	snop;
	(pc) =	sbr.rel @!p1 .LBB2_17-.Ltmp14, $4  }
0xd9: {  	_ = 	snop  }
0xda: {  	_ = 	snop  }
0xdb: {  	_ = 	snop  }
0xdc: {  	_ = 	snop  }
.LBB2_19:
0xdd: {  	s18 =	simm.s32 $0x0  }
0xde: {  	v7 =	vld [tilespmem:s18+$0x4000];
	_ =	sdelay $0x4  }
0xdf: {  	vm1 =	vgt.s32 v7, $0xFFFFFFFF  }
0xe0: {  	v6 =	vsel vm1, $0x1, v5  }
0xe1: {  	(xrf0) =	vadd.scan.msk.s32 $0xffff, v6;
	_ =	sdelay $0x5  }
0xe2: {  	v6, _, _ =	vpop (xrf0)  }
0xe3: {  	(v2sf) =	vpush v6, $0xF;
	_ =	sdelay $0xe  }
0xe4: {  	s18 =	spop (v2sf)  }
0xe5: {  	p2 =	slt.s32 s18, $0x1  }
0xe6: {  	s21 =	sadd.s32 @!p2 s17, s18;
	s18 =	sld [smem:$0x7FD];
	_ =	sdelay $0x1  }
0xe7: {  	vm1 =	vgt.s32 @!p2 v7, $0xFFFFFFFF;
	v6 =	vlaneseq.u32 @!p2  }
0xe8: {  	s20 =	simm.s32 $0x40;
	s19 =	simm.s32 $0x80;
	[tilespmem:s17+$0x8000] =	vst.msk @!p2 vm1, v7;
	s21 =	smov.u32 @p2 s17;
	v6 =	vadd.s32 @!p2 s18, v6  }
.LBB2_20:
0xe9: {  	s22 =	smov.u32 s21;
	s21 =	sshra.s32 s20, $0x2;
	s18 =	sadd.s32 $0x10, s18  }
0xea: {  	s20 =	smov.u32 s19;
	s19 =	sadd.s32 $0x40, s19;
	[tilespmem:s17+$0xC010] =	vst.msk @!p2 vm1, v6;
	s17 =	smov.u32 s22  }
0xeb: {  	p1 =	sne.s32 s19, $0xE880;
	v7 =	vld [tilespmem:s21+$0x4000];
	_ =	sdelay $0x4  }
0xec: {  	vm1 =	vgt.s32 v7, $0xFFFFFFFF  }
0xed: {  	v6 =	vsel vm1, $0x1, v5  }
0xee: {  	(xrf0) =	vadd.scan.msk.s32 $0xffff, v6;
	_ =	sdelay $0x5  }
0xef: {  	v6, _, _ =	vpop (xrf0)  }
0xf0: {  	(v2sf) =	vpush v6, $0xF;
	_ =	sdelay $0xd  }
.Ltmp15:
0xf1: {  	(pc) =	sbr.rel @p1 .LBB2_20-.Ltmp15, $4  }
0xf2: {  	s21 =	spop (v2sf)  }
0xf3: {  	p2 =	slt.s32 s21, $0x1  }
0xf4: {  	vm1 =	vgt.s32 @!p2 v7, $0xFFFFFFFF;
	v6 =	vlaneseq.u32 @!p2;
	s21 =	sadd.s32 @!p2 s22, s21  }
0xf5: {  	v6 =	vadd.s32 @!p2 s18, v6;
	[tilespmem:s17+$0x8000] =	vst.msk @!p2 vm1, v7;
	s21 =	smov.u32 @p2 s22  }
0xf6: {  	s19 =	sshra.s32 s20, $0x2;
	[tilespmem:s17+$0xC010] =	vst.msk @!p2 vm1, v6  }
0xf7: {  	v6 =	vld [tilespmem:s19+$0x4000];
	_ =	sdelay $0x4  }
0xf8: {  	vm1 =	vgt.s32 v6, $0xFFFFFFFF  }
0xf9: {  	v7 =	vsel vm1, $0x1, v5  }
0xfa: {  	(xrf0) =	vadd.scan.msk.s32 $0xffff, v7;
	_ =	sdelay $0x5  }
0xfb: {  	v7, _, _ =	vpop (xrf0)  }
0xfc: {  	(v2sf) =	vpush v7, $0xF;
	_ =	sdelay $0xe  }
0xfd: {  	s17 =	spop (v2sf)  }
0xfe: {  	p1 =	slt.s32 s17, $0x1  }
0xff: {  	s18 =	sadd.s32 $0x10, s18;
	vm1 =	vgt.s32 @!p1 v6, $0xFFFFFFFF;
	v7 =	vlaneseq.u32 @!p1  }
0x100: {  	v7 =	vadd.s32 @!p1 s18, v7;
	[tilespmem:s21+$0x8000] =	vst.msk @!p1 vm1, v6  }
0x101: {  	s20 =	sadd.s32 @!p1 s21, s17;
	[tilespmem:s21+$0xC010] =	vst.msk @!p1 vm1, v7  }
0x102: {  	s20 =	smov.u32 @p1 s21;
	_ =	strace $0x90000049  }
0x103: {  	p1 =	slt.s32 s20, $0x1;
	s24 =	sadd.s32 $0xFF, s20;
	_ =	strace $0x8000004A  }
0x104: {  	s25 =	sand.u32 $0xFF, s24;
	v6 =	vld @!p1 [tilespmem:$0x8000]  }
0x105: {  	s26 =	sshra.s32 s24, $0x1F;
	p6 =	slt.s32 s24, $0x1;
	p3 =	sne.s32 s25, $0x0;
	v7 =	vld @!p1 [tilespmem:$0xC010]  }
0x106: {  	s28 =	sshrl.u32 s26, $0x18;
	p2 =	por !p6, !p3  }
0x107: {  	s18 =	simm.s32 $0x1;
	s17 =	sadd.s32 s28, s24;
	p2 =	por !p2, !p2  }
0x108: {  	vm1 =	vmmov @!p1 $0x1;
	s17 =	sshra.s32 s17, $0x8;
	s18 =	simm.s32 @!p2 $0x0  }
0x109: {  	s17 =	ssub.s32 s17, s18;
	v6 =	vnsel @!p1 vm1, $0x0, v6  }
0x10a: {  	s21 =	sshrl.u32 @!p1 s20, $0x4;
	s18 =	sshll.u32 @!p1 s17, $0x4;
	(xrf0) =	vadd.scan.msk.s32 @!p1 $0xffff, v6;
	v6 =	vnsel @!p1 vm1, $0x0, v7  }
0x10b: {  	p2 =	sle.s32 @!p1 s18, s21;
	(xrf0) =	vadd.scan.msk.s32 @!p1 $0xffff, v6  }
0x10c: {  	p2 =	por p1, p2  }
.Ltmp16:
0x10d: {  	_ = 	snop;
	(pc) =	sbr.rel @p2 .LBB2_28-.Ltmp16, $3  }
0x10e: {  	_ =	sdelay $0x1  }
0x10f: {  	v6, _, _ =	vpop @!p1 (xrf0)  }
0x110: {  	v8, _, _ =	vpop @!p1 (xrf0)  }
0x111: {  	s23 =	ssub.s32 s18, s21  }
0x112: {  	p2 =	sne.s32 s23, $0x1  }
.Ltmp17:
0x113: {  	s19 =	sshll.u32 s21, $0x6;
	(pc) =	sbr.rel @!p2 .LBB2_23-.Ltmp17, $4  }
0x114: {  	s22 =	sshra.s32 s19, $0x2  }
0x115: {  	s19 =	sadd.s32 $0x8000, s22  }
0x116: {  	s18 =	sadd.s32 $0xC010, s22;
	v9 =	vld [tilespmem:s19+$0x0]  }
0x117: {  	v7 =	vbroadcast @!p1 v6, $0xF;
	v6 =	vbroadcast @!p1 v8, $0xF;
	v8 =	vmov s20;
	s20 =	sshll.u32 s21, $0x4;
	p1 =	por $0x0, $0x0;
	s21 =	sadd.s32 $0xFFFFFFFF, s23;
	v10 =	vld [tilespmem:s18+$0x0]  }
0x118: {  	_ = 	snop  }
0x119: {  	v11 =	vor.u32 s20, v4  }
0x11a: {  	p2 =	sne.s32 s21, $0x1;
	vm1 =	vlt.s32 v11, v8  }
.Ltmp18:
0x11b: {  	v9 =	vsel vm1, v9, v7;
	(pc) =	sbr.rel @!p2 .LBB2_25-.Ltmp18, $4  }
0x11c: {  	[tilespmem:s19+$0x0] =	vst v9;
	v9 =	vsel vm1, v10, v6  }
0x11d: {  	s19 =	sadd.s32 $0x10, s19;
	[tilespmem:s18+$0x0] =	vst v9  }
0x11e: {  	s18 =	sadd.s32 $0x10, s18;
	v9 =	vld [tilespmem:s19+$0x0]  }
0x11f: {  	s22 =	sadd.s32 $0xFFFFFFFF, s21;
	p1 =	por $0x1, $0x1;
	s21 =	smov.u32 s20;
	v10 =	vld [tilespmem:s18+$0x0]  }
.LBB2_26:
0x120: {  	p2 =	sne.s32 s22, $0x1;
	s21 =	sadd.s32 $0x10, s21  }
0x121: {  	v11 =	vor.u32 s21, v4  }
0x122: {  	vm1 =	vlt.s32 v11, v8  }
.Ltmp19:
0x123: {  	v9 =	vsel vm1, v9, v7;
	(pc) =	sbr.rel @p2 .LBB2_26-.Ltmp19, $4  }
0x124: {  	[tilespmem:s19+$0x0] =	vst v9;
	v9 =	vsel vm1, v10, v6  }
0x125: {  	s19 =	sadd.s32 $0x10, s19;
	[tilespmem:s18+$0x0] =	vst v9  }
0x126: {  	s18 =	sadd.s32 $0x10, s18;
	v9 =	vld [tilespmem:s19+$0x0]  }
0x127: {  	s22 =	sadd.s32 $0xFFFFFFFF, s22;
	v10 =	vld [tilespmem:s18+$0x0]  }
.LBB2_27:
0x128: {  	s21 =	sadd.s32 @p1 $0x10, s21  }
0x129: {  	s20 =	smov.u32 @p1 s21  }
0x12a: {  	v11 =	vor.u32 s20, v4  }
0x12b: {  	vm1 =	vlt.s32 v11, v8  }
0x12c: {  	v7 =	vsel vm1, v9, v7  }
0x12d: {  	v6 =	vsel vm1, v10, v6;
	[tilespmem:s19+$0x0] =	vst v7  }
0x12e: {  	[tilespmem:s18+$0x0] =	vst v6  }
.LBB2_28:
0x12f: {  	_ =	strace $0x9000004A  }
0x130: {  	_ =	strace $0x8000004B  }
0x131: {  	s18 =	sld [smem:$0x7F5];
	_ =	sdelay $0x2  }
0x132: {  	[tilespmem:s31], [sflag:$0x1] =	stream.linear.gather [hbm4b:s18+s4], $0x5D00, $0x200038;
	[tilespmem:$0x1EB20] =	vst v63  }
0x133: {  	s23 =	rddreg [dreg:$0x4]  }
0x134: {  	[tilespmem:s0], [sflag:$0x2] =	stream.linear.gather [hbm4b:s23+s4], $0x5D00, $0x200038;
	[tilespmem:$0x1EB20] =	vst v63  }
0x135: {  	_ =	swait.ge [sflag:s30], $0x5D00  }
0x136: {  	s24 =	sld [smem:$0x7F6]  }
0x137: {  	[sflag:s30] =	ssyncset.done $0x0  }
0x138: {  	[sflag:s30] =	ssyncadd.s32 $0xFFFFA300  }
0x139: {  	[hbm4b:s24+s4] =	stream.linear.scatter [tilespmem:s31], [sflag:$0x3], $0x5D00, $0x200038;
	[tilespmem:$0x1EB20] =	vst v63  }
0x13a: {  	_ =	swait.ge [sflag:s2], $0x5D00  }
0x13b: {  	[sflag:s2] =	ssyncset.done $0x0  }
0x13c: {  	s25 =	rddreg [dreg:$0x5];
	[sflag:s2] =	ssyncadd.s32 $0xFFFFA300  }
0x13d: {  	[tilespmem:s31], [sflag:$0x1] =	stream.linear.gather [hbm4b:s25+s4], $0x5D00, $0x200038;
	[tilespmem:$0x1EB20] =	vst v63  }
0x13e: {  	_ =	swait.ge [sflag:s1], $0x5D00  }
0x13f: {  	[sflag:s1] =	ssyncset.done $0x0  }
0x140: {  	s26 =	rddreg [dreg:$0x6];
	[sflag:s1] =	ssyncadd.s32 $0xFFFFA300  }
0x141: {  	[hbm4b:s26+s4] =	stream.linear.scatter [tilespmem:s0], [sflag:$0x4], $0x5D00, $0x200038;
	[tilespmem:$0x1EB20] =	vst v63  }
0x142: {  	_ =	swait.ge [sflag:s7], $0x5D00  }
0x143: {  	[sflag:s7] =	ssyncset.done $0x0  }
0x144: {  	s28 =	rddreg [dreg:$0x7];
	[sflag:s7] =	ssyncadd.s32 $0xFFFFA300  }
0x145: {  	[tilespmem:s0], [sflag:$0x2] =	stream.linear.gather [hbm4b:s28+s4], $0x5D00, $0x200038;
	[tilespmem:$0x1EB20] =	vst v63  }
0x146: {  	_ =	swait.ge [sflag:s30], $0x5D00  }
0x147: {  	[sflag:s30] =	ssyncset.done $0x0  }
0x148: {  	s19 =	rddreg [dreg:$0x8];
	[sflag:s30] =	ssyncadd.s32 $0xFFFFA300  }
0x149: {  	[hbm4b:s19+s4] =	stream.linear.scatter [tilespmem:s31], [sflag:$0x3], $0x5D00, $0x200038;
	[tilespmem:$0x1EB20] =	vst v63  }
0x14a: {  	_ =	swait.ge [sflag:s2], $0x5D00  }
0x14b: {  	[sflag:s2] =	ssyncset.done $0x0  }
0x14c: {  	s20 =	rddreg [dreg:$0x9];
	[sflag:s2] =	ssyncadd.s32 $0xFFFFA300  }
0x14d: {  	[tilespmem:s31], [sflag:$0x1] =	stream.linear.gather [hbm4b:s20+s4], $0x5D00, $0x200038;
	[tilespmem:$0x1EB20] =	vst v63  }
0x14e: {  	_ =	swait.ge [sflag:s1], $0x5D00  }
0x14f: {  	[sflag:s1] =	ssyncset.done $0x0  }
0x150: {  	s21 =	rddreg [dreg:$0xa];
	[sflag:s1] =	ssyncadd.s32 $0xFFFFA300  }
0x151: {  	[hbm4b:s21+s4] =	stream.linear.scatter [tilespmem:s0], [sflag:$0x4], $0x5D00, $0x200038;
	[tilespmem:$0x1EB20] =	vst v63  }
0x152: {  	_ =	swait.ge [sflag:s7], $0x5D00  }
0x153: {  	[sflag:s7] =	ssyncset.done $0x0  }
0x154: {  	s22 =	rddreg [dreg:$0xb];
	[sflag:s7] =	ssyncadd.s32 $0xFFFFA300  }
0x155: {  	[tilespmem:s0], [sflag:$0x2] =	stream.linear.gather [hbm4b:s22+s4], $0x5D00, $0x200038;
	[tilespmem:$0x1EB20] =	vst v63  }
0x156: {  	_ =	swait.ge [sflag:s30], $0x5D00  }
0x157: {  	[sflag:s30] =	ssyncset.done $0x0  }
0x158: {  	s23 =	rddreg [dreg:$0xc];
	[sflag:s30] =	ssyncadd.s32 $0xFFFFA300  }
0x159: {  	[hbm4b:s23+s4] =	stream.linear.scatter [tilespmem:s31], [sflag:$0x3], $0x5D00, $0x200038;
	[tilespmem:$0x1EB20] =	vst v63  }
0x15a: {  	_ =	swait.ge [sflag:s2], $0x5D00  }
0x15b: {  	[sflag:s2] =	ssyncset.done $0x0  }
0x15c: {  	s24 =	rddreg [dreg:$0xd];
	[sflag:s2] =	ssyncadd.s32 $0xFFFFA300  }
0x15d: {  	[tilespmem:s31], [sflag:$0x1] =	stream.linear.gather [hbm4b:s24+s4], $0x5D00, $0x200038;
	[tilespmem:$0x1EB20] =	vst v63  }
0x15e: {  	_ =	swait.ge [sflag:s1], $0x5D00  }
0x15f: {  	[sflag:s1] =	ssyncset.done $0x0  }
0x160: {  	s25 =	rddreg [dreg:$0xe];
	[sflag:s1] =	ssyncadd.s32 $0xFFFFA300  }
0x161: {  	[hbm4b:s25+s4] =	stream.linear.scatter [tilespmem:s0], [sflag:$0x4], $0x5D00, $0x200038;
	[tilespmem:$0x1EB20] =	vst v63  }
0x162: {  	_ =	swait.ge [sflag:s7], $0x5D00  }
0x163: {  	[sflag:s7] =	ssyncset.done $0x0  }
0x164: {  	s26 =	rddreg [dreg:$0xf];
	[sflag:s7] =	ssyncadd.s32 $0xFFFFA300  }
0x165: {  	[tilespmem:s0], [sflag:$0x2] =	stream.linear.gather [hbm4b:s26+s4], $0x5D00, $0x200038;
	[tilespmem:$0x1EB20] =	vst v63  }
0x166: {  	_ =	swait.ge [sflag:s30], $0x5D00  }
0x167: {  	[sflag:s30] =	ssyncset.done $0x0  }
0x168: {  	s28 =	rddreg [dreg:$0x10];
	[sflag:s30] =	ssyncadd.s32 $0xFFFFA300  }
0x169: {  	[hbm4b:s28+s4] =	stream.linear.scatter [tilespmem:s31], [sflag:$0x3], $0x5D00, $0x200038;
	[tilespmem:$0x1EB20] =	vst v63  }
0x16a: {  	_ =	swait.ge [sflag:s2], $0x5D00  }
0x16b: {  	[sflag:s2] =	ssyncset.done $0x0  }
0x16c: {  	s19 =	rddreg [dreg:$0x12];
	[sflag:s2] =	ssyncadd.s32 $0xFFFFA300  }
0x16d: {  	[tilespmem:s31], [sflag:$0x1] =	stream.linear.gather [hbm4b:s19+s4], $0x5D00, $0x200038;
	[tilespmem:$0x1EB20] =	vst v63  }
0x16e: {  	_ =	swait.ge [sflag:s1], $0x5D00  }
0x16f: {  	[sflag:s1] =	ssyncset.done $0x0  }
0x170: {  	s20 =	rddreg [dreg:$0x11];
	[sflag:s1] =	ssyncadd.s32 $0xFFFFA300  }
0x171: {  	[hbm4b:s20+s4] =	stream.linear.scatter [tilespmem:s0], [sflag:$0x4], $0x5D00, $0x200038;
	[tilespmem:$0x1EB20] =	vst v63  }
0x172: {  	_ =	swait.ge [sflag:s7], $0x5D00  }
0x173: {  	[sflag:s7] =	ssyncset.done $0x0  }
0x174: {  	s21 =	rddreg [dreg:$0x14];
	[sflag:s7] =	ssyncadd.s32 $0xFFFFA300  }
0x175: {  	[tilespmem:s0], [sflag:$0x2] =	stream.linear.gather [hbm4b:s21+s4], $0x5D00, $0x200038;
	[tilespmem:$0x1EB20] =	vst v63  }
0x176: {  	_ =	swait.ge [sflag:s30], $0x5D00  }
0x177: {  	[sflag:s30] =	ssyncset.done $0x0  }
0x178: {  	s22 =	rddreg [dreg:$0x13];
	[sflag:s30] =	ssyncadd.s32 $0xFFFFA300  }
0x179: {  	[hbm4b:s22+s4] =	stream.linear.scatter [tilespmem:s31], [sflag:$0x3], $0x5D00, $0x200038;
	[tilespmem:$0x1EB20] =	vst v63  }
0x17a: {  	_ =	swait.ge [sflag:s2], $0x5D00  }
0x17b: {  	[sflag:s2] =	ssyncset.done $0x0  }
0x17c: {  	s23 =	rddreg [dreg:$0x16];
	[sflag:s2] =	ssyncadd.s32 $0xFFFFA300  }
0x17d: {  	[tilespmem:s31], [sflag:$0x1] =	stream.linear.gather [hbm4b:s23+s4], $0x5D00, $0x200038;
	[tilespmem:$0x1EB20] =	vst v63  }
0x17e: {  	_ =	swait.ge [sflag:s1], $0x5D00  }
0x17f: {  	[sflag:s1] =	ssyncset.done $0x0  }
0x180: {  	s24 =	rddreg [dreg:$0x15];
	[sflag:s1] =	ssyncadd.s32 $0xFFFFA300  }
0x181: {  	[hbm4b:s24+s4] =	stream.linear.scatter [tilespmem:s0], [sflag:$0x4], $0x5D00, $0x200038;
	[tilespmem:$0x1EB20] =	vst v63  }
0x182: {  	_ =	swait.ge [sflag:s7], $0x5D00  }
0x183: {  	[sflag:s7] =	ssyncset.done $0x0  }
0x184: {  	s25 =	rddreg [dreg:$0x18];
	[sflag:s7] =	ssyncadd.s32 $0xFFFFA300  }
0x185: {  	[tilespmem:s0], [sflag:$0x2] =	stream.linear.gather [hbm4b:s25+s4], $0x5D00, $0x200038;
	[tilespmem:$0x1EB20] =	vst v63  }
0x186: {  	_ =	swait.ge [sflag:s30], $0x5D00  }
0x187: {  	[sflag:s30] =	ssyncset.done $0x0  }
0x188: {  	s26 =	rddreg [dreg:$0x17];
	[sflag:s30] =	ssyncadd.s32 $0xFFFFA300  }
0x189: {  	[hbm4b:s26+s4] =	stream.linear.scatter [tilespmem:s31], [sflag:$0x3], $0x5D00, $0x200038;
	[tilespmem:$0x1EB20] =	vst v63  }
0x18a: {  	_ =	swait.ge [sflag:s2], $0x5D00  }
0x18b: {  	[sflag:s2] =	ssyncset.done $0x0  }
0x18c: {  	s28 =	rddreg [dreg:$0x1a];
	[sflag:s2] =	ssyncadd.s32 $0xFFFFA300  }
0x18d: {  	[tilespmem:s31], [sflag:$0x1] =	stream.linear.gather [hbm4b:s28+s4], $0x5D00, $0x200038;
	[tilespmem:$0x1EB20] =	vst v63  }
0x18e: {  	_ =	swait.ge [sflag:s1], $0x5D00  }
0x18f: {  	[sflag:s1] =	ssyncset.done $0x0  }
0x190: {  	s19 =	rddreg [dreg:$0x19];
	[sflag:s1] =	ssyncadd.s32 $0xFFFFA300  }
0x191: {  	[hbm4b:s19+s4] =	stream.linear.scatter [tilespmem:s0], [sflag:$0x4], $0x5D00, $0x200038;
	[tilespmem:$0x1EB20] =	vst v63  }
0x192: {  	_ =	swait.ge [sflag:s7], $0x5D00  }
0x193: {  	[sflag:s7] =	ssyncset.done $0x0  }
0x194: {  	s20 =	rddreg [dreg:$0x1c];
	[sflag:s7] =	ssyncadd.s32 $0xFFFFA300  }
0x195: {  	[tilespmem:s0], [sflag:$0x2] =	stream.linear.gather [hbm4b:s20+s4], $0x5D00, $0x200038;
	[tilespmem:$0x1EB20] =	vst v63  }
0x196: {  	_ =	swait.ge [sflag:s30], $0x5D00  }
0x197: {  	[sflag:s30] =	ssyncset.done $0x0  }
0x198: {  	s21 =	rddreg [dreg:$0x1b];
	[sflag:s30] =	ssyncadd.s32 $0xFFFFA300  }
0x199: {  	[hbm4b:s21+s4] =	stream.linear.scatter [tilespmem:s31], [sflag:$0x3], $0x5D00, $0x200038;
	[tilespmem:$0x1EB20] =	vst v63  }
0x19a: {  	_ =	swait.ge [sflag:s2], $0x5D00  }
0x19b: {  	[sflag:s2] =	ssyncset.done $0x0  }
0x19c: {  	s22 =	rddreg [dreg:$0x1e];
	[sflag:s2] =	ssyncadd.s32 $0xFFFFA300  }
0x19d: {  	[tilespmem:s31], [sflag:$0x1] =	stream.linear.gather [hbm4b:s22+s4], $0x5D00, $0x200038;
	[tilespmem:$0x1EB20] =	vst v63  }
0x19e: {  	_ =	swait.ge [sflag:s1], $0x5D00  }
0x19f: {  	[sflag:s1] =	ssyncset.done $0x0  }
0x1a0: {  	s23 =	rddreg [dreg:$0x1d];
	[sflag:s1] =	ssyncadd.s32 $0xFFFFA300  }
0x1a1: {  	[hbm4b:s23+s4] =	stream.linear.scatter [tilespmem:s0], [sflag:$0x4], $0x5D00, $0x200038;
	[tilespmem:$0x1EB20] =	vst v63  }
0x1a2: {  	_ =	swait.ge [sflag:s7], $0x5D00  }
0x1a3: {  	s24 =	sld [smem:$0x7EB]  }
0x1a4: {  	[sflag:s7] =	ssyncset.done $0x0  }
0x1a5: {  	[sflag:s7] =	ssyncadd.s32 $0xFFFFA300  }
0x1a6: {  	[tilespmem:s0], [sflag:$0x2] =	stream.linear.gather [hbm4b:s24+s4], $0x5D00, $0x200038;
	[tilespmem:$0x1EB20] =	vst v63  }
0x1a7: {  	_ =	swait.ge [sflag:s30], $0x5D00  }
0x1a8: {  	[sflag:s30] =	ssyncset.done $0x0  }
0x1a9: {  	s25 =	rddreg [dreg:$0x1f];
	[sflag:s30] =	ssyncadd.s32 $0xFFFFA300  }
0x1aa: {  	[hbm4b:s25+s4] =	stream.linear.scatter [tilespmem:s31], [sflag:$0x3], $0x5D00, $0x200038;
	[tilespmem:$0x1EB20] =	vst v63  }
0x1ab: {  	_ =	swait.ge [sflag:s2], $0x5D00  }
0x1ac: {  	s26 =	sld [smem:$0x7ED]  }
0x1ad: {  	[sflag:s2] =	ssyncset.done $0x0  }
0x1ae: {  	[sflag:s2] =	ssyncadd.s32 $0xFFFFA300  }
0x1af: {  	[tilespmem:s31], [sflag:$0x1] =	stream.linear.gather [hbm4b:s26+s4], $0x5D00, $0x200038;
	[tilespmem:$0x1EB20] =	vst v63  }
0x1b0: {  	_ =	swait.ge [sflag:s1], $0x5D00  }
0x1b1: {  	s28 =	sld [smem:$0x7EC]  }
0x1b2: {  	[sflag:s1] =	ssyncset.done $0x0  }
0x1b3: {  	[sflag:s1] =	ssyncadd.s32 $0xFFFFA300  }
0x1b4: {  	[hbm4b:s28+s4] =	stream.linear.scatter [tilespmem:s0], [sflag:$0x4], $0x5D00, $0x200038;
	[tilespmem:$0x1EB20] =	vst v63  }
0x1b5: {  	_ =	swait.ge [sflag:s7], $0x5D00  }
0x1b6: {  	s19 =	sld [smem:$0x7EF]  }
0x1b7: {  	[sflag:s7] =	ssyncset.done $0x0  }
0x1b8: {  	[sflag:s7] =	ssyncadd.s32 $0xFFFFA300  }
0x1b9: {  	[tilespmem:s0], [sflag:$0x2] =	stream.linear.gather [hbm4b:s19+s4], $0x5D00, $0x200038;
	[tilespmem:$0x1EB20] =	vst v63  }
0x1ba: {  	_ =	swait.ge [sflag:s30], $0x5D00  }
0x1bb: {  	s20 =	sld [smem:$0x7EE]  }
0x1bc: {  	[sflag:s30] =	ssyncset.done $0x0  }
0x1bd: {  	[sflag:s30] =	ssyncadd.s32 $0xFFFFA300  }
0x1be: {  	[hbm4b:s20+s4] =	stream.linear.scatter [tilespmem:s31], [sflag:$0x3], $0x5D00, $0x200038;
	[tilespmem:$0x1EB20] =	vst v63  }
0x1bf: {  	_ =	swait.ge [sflag:s2], $0x5D00  }
0x1c0: {  	s21 =	sld [smem:$0x7F1]  }
0x1c1: {  	[sflag:s2] =	ssyncset.done $0x0  }
0x1c2: {  	[sflag:s2] =	ssyncadd.s32 $0xFFFFA300  }
0x1c3: {  	[tilespmem:s31], [sflag:$0x1] =	stream.linear.gather [hbm4b:s21+s4], $0x5D00, $0x200038;
	[tilespmem:$0x1EB20] =	vst v63  }
0x1c4: {  	_ =	swait.ge [sflag:s1], $0x5D00  }
0x1c5: {  	s22 =	sld [smem:$0x7F0]  }
0x1c6: {  	[sflag:s1] =	ssyncset.done $0x0  }
0x1c7: {  	[sflag:s1] =	ssyncadd.s32 $0xFFFFA300  }
0x1c8: {  	[hbm4b:s22+s4] =	stream.linear.scatter [tilespmem:s0], [sflag:$0x4], $0x5D00, $0x200038;
	[tilespmem:$0x1EB20] =	vst v63  }
0x1c9: {  	_ =	swait.ge [sflag:s7], $0x5D00  }
0x1ca: {  	s23 =	sld [smem:$0x7F3]  }
0x1cb: {  	[sflag:s7] =	ssyncset.done $0x0  }
0x1cc: {  	[sflag:s7] =	ssyncadd.s32 $0xFFFFA300  }
0x1cd: {  	[tilespmem:s0], [sflag:$0x2] =	stream.linear.gather [hbm4b:s23+s4], $0x5D00, $0x200038;
	[tilespmem:$0x1EB20] =	vst v63  }
0x1ce: {  	_ =	swait.ge [sflag:s30], $0x5D00  }
0x1cf: {  	s24 =	sld [smem:$0x7F2]  }
0x1d0: {  	[sflag:s30] =	ssyncset.done $0x0  }
0x1d1: {  	[sflag:s30] =	ssyncadd.s32 $0xFFFFA300  }
0x1d2: {  	[hbm4b:s24+s4] =	stream.linear.scatter [tilespmem:s31], [sflag:$0x3], $0x5D00, $0x200038;
	[tilespmem:$0x1EB20] =	vst v63  }
0x1d3: {  	_ =	swait.ge [sflag:s2], $0x5D00  }
0x1d4: {  	s25 =	sld [smem:$0x7F7]  }
0x1d5: {  	[sflag:s2] =	ssyncset.done $0x0  }
0x1d6: {  	[sflag:s2] =	ssyncadd.s32 $0xFFFFA300  }
0x1d7: {  	[tilespmem:s31], [sflag:$0x1] =	stream.linear.gather [hbm4b:s25+s4], $0x5D00, $0x200038;
	[tilespmem:$0x1EB20] =	vst v63  }
0x1d8: {  	_ =	swait.ge [sflag:s1], $0x5D00  }
0x1d9: {  	s26 =	sld [smem:$0x7F4]  }
0x1da: {  	[sflag:s1] =	ssyncset.done $0x0  }
0x1db: {  	[sflag:s1] =	ssyncadd.s32 $0xFFFFA300  }
0x1dc: {  	[hbm4b:s26+s4] =	stream.linear.scatter [tilespmem:s0], [sflag:$0x4], $0x5D00, $0x200038;
	[tilespmem:$0x1EB20] =	vst v63  }
0x1dd: {  	_ =	swait.ge [sflag:s30], $0x5D00  }
0x1de: {  	s28 =	sld [smem:$0x7F8]  }
0x1df: {  	[sflag:s30] =	ssyncset.done $0x0  }
0x1e0: {  	[sflag:s30] =	ssyncadd.s32 $0xFFFFA300  }
0x1e1: {  	[hbm4b:s28+s4] =	stream.linear.scatter [tilespmem:s31], [sflag:$0x3], $0x5D00, $0x200038;
	[tilespmem:$0x1EB20] =	vst v63  }
0x1e2: {  	_ =	swait.ge [sflag:s2], $0x5D00  }
0x1e3: {  	[sflag:s2] =	ssyncset.done $0x0  }
0x1e4: {  	[sflag:s2] =	ssyncadd.s32 $0xFFFFA300  }
0x1e5: {  	_ =	swait.ge [sflag:s7], $0x5D00  }
0x1e6: {  	s19 =	sld [smem:$0x7F9]  }
0x1e7: {  	s18 =	stileid.u32;
	s20 =	sld [smem:$0x7FA]  }
0x1e8: {  	s18 =	sshll.u32 @!p0 s18, $0x6;
	[sflag:s7] =	ssyncset.done $0x0  }
0x1e9: {  	s18 =	sor.u32 @!p0 $0x1C08, s18;
	[sflag:s7] =	ssyncadd.s32 $0xFFFFA300  }
0x1ea: {  	[hbm:s19], [sflag:s18] =	dma.local @!p0 [hbm:s20], $0x10  }
0x1eb: {  	p1 =	slt.s32 s17, $0x1;
	s18 =	simm.s32 @!p0 $0x8  }
.Ltmp20:
0x1ec: {  	_ =	swait.ge @!p0 [sflag:s18], $0x10;
	(pc) =	sbr.rel @p1 .LBB2_32-.Ltmp20, $4  }
0x1ed: {  	[sflag:s18] =	ssyncset.done @!p0 $0x0  }
0x1ee: {  	[sflag:s18] =	ssyncadd.s32 @!p0 $0xFFFFFFF0  }
0x1ef: {  	_ =	strace $0x9000004B  }
0x1f0: {  	s18 =	simm.s32 $0x0;
	_ =	strace $0x8000004C  }
.LBB2_29:
0x1f1: {  	s19 =	sshll.u32 s18, $0xA  }
0x1f2: {  	s19 =	sshra.s32 s19, $0x2  }
0x1f3: {  	v6 =	vld [tilespmem:s19+$0xC010];
	_ =	sdelay $0x4  }
0x1f4: {  	[tilespmem:$0x10020] =	vst v6  }
0x1f5: {  	v6 =	vld [tilespmem:s19+$0xC020];
	_ =	sdelay $0x4  }
0x1f6: {  	[tilespmem:$0x10030] =	vst v6  }
0x1f7: {  	v6 =	vld [tilespmem:s19+$0xC030];
	_ =	sdelay $0x4  }
0x1f8: {  	[tilespmem:$0x10040] =	vst v6  }
0x1f9: {  	v6 =	vld [tilespmem:s19+$0xC040];
	_ =	sdelay $0x4  }
0x1fa: {  	[tilespmem:$0x10050] =	vst v6  }
0x1fb: {  	v6 =	vld [tilespmem:s19+$0xC050];
	_ =	sdelay $0x4  }
0x1fc: {  	[tilespmem:$0x10060] =	vst v6  }
0x1fd: {  	v6 =	vld [tilespmem:s19+$0xC060];
	_ =	sdelay $0x4  }
0x1fe: {  	[tilespmem:$0x10070] =	vst v6  }
0x1ff: {  	v6 =	vld [tilespmem:s19+$0xC070];
	_ =	sdelay $0x4  }
0x200: {  	[tilespmem:$0x10080] =	vst v6  }
0x201: {  	v6 =	vld [tilespmem:s19+$0xC080];
	_ =	sdelay $0x4  }
0x202: {  	[tilespmem:$0x10090] =	vst v6  }
0x203: {  	v6 =	vld [tilespmem:s19+$0xC090];
	_ =	sdelay $0x4  }
0x204: {  	[tilespmem:$0x100A0] =	vst v6  }
0x205: {  	v6 =	vld [tilespmem:s19+$0xC0A0];
	_ =	sdelay $0x4  }
0x206: {  	[tilespmem:$0x100B0] =	vst v6  }
0x207: {  	v6 =	vld [tilespmem:s19+$0xC0B0];
	_ =	sdelay $0x4  }
0x208: {  	[tilespmem:$0x100C0] =	vst v6  }
0x209: {  	v6 =	vld [tilespmem:s19+$0xC0C0];
	_ =	sdelay $0x4  }
0x20a: {  	[tilespmem:$0x100D0] =	vst v6  }
0x20b: {  	v6 =	vld [tilespmem:s19+$0xC0D0];
	_ =	sdelay $0x4  }
0x20c: {  	[tilespmem:$0x100E0] =	vst v6  }
0x20d: {  	v6 =	vld [tilespmem:s19+$0xC0E0];
	_ =	sdelay $0x4  }
0x20e: {  	[tilespmem:$0x100F0] =	vst v6  }
0x20f: {  	v6 =	vld [tilespmem:s19+$0xC0F0];
	_ =	sdelay $0x4  }
0x210: {  	[tilespmem:$0x10100] =	vst v6  }
0x211: {  	v6 =	vld [tilespmem:s19+$0xC100];
	_ =	sdelay $0x4  }
0x212: {  	s19 =	sadd.s32 $0x8000, s19;
	[tilespmem:$0x10110] =	vst v6  }
0x213: {  	[tilespmem:s9], [sflag:$0x5] =	stream.indirect.gather [hbm4b:s5+s8], $0x10, s19, s8, $0x2000b8;
	[tilespmem:$0x1EB20] =	vst v63  }
0x214: {  	_ = 	snop  }
0x215: {  	[tilespmem:s11], [sflag:$0x6] =	stream.indirect.gather [hbm4b:s3+s8], $0x10, s10, s8, $0x2000b8;
	[tilespmem:$0x1EB20] =	vst v63  }
0x216: {  	_ =	swait.ge [sflag:s12], $0x1000  }
0x217: {  	[sflag:s12] =	ssyncset.done $0x0  }
0x218: {  	[sflag:s12] =	ssyncadd.s32 $0xFFFFF000  }
0x219: {  	_ =	swait.ge [sflag:s13], $0x1000  }
0x21a: {  	[sflag:s13] =	ssyncset.done $0x0  }
0x21b: {  	s20 =	simm.s32 $0x0;
	[sflag:s13] =	ssyncadd.s32 $0xFFFFF000  }
0x21c: {  	v6 =	vld [tilespmem:s20+$0x10120];
	_ =	sdelay $0x4  }
0x21d: {  	v7 =	vmul.f32 v6, v6;
	_ =	sdelay $0x1  }
0x21e: {  	(xrf2) =	vadd.scan.msk.f32 $0xffff, v7;
	_ =	sdelay $0x8  }
0x21f: {  	s19 =	simm.s32 $0x10  }
0x220: {  	v7 =	vld [tilespmem:s19+$0x10120];
	v8, _, _ =	vpop (xrf2)  }
0x221: {  	v8 =	vbroadcast v8, $0xF;
	_ =	sdelay $0x1  }
0x222: {  	v9 =	vshra.s32 v8, $0x1;
	v10 =	vmul.f32 $5.000000000e-01, v8  }
0x223: {  	v9 =	vsub.s32 $0x5F3759DF, v9  }
0x224: {  	v11 =	vmul.f32 v7, v7;
	v12 =	vmul.f32 v9, v10;
	_ =	sdelay $0x1  }
0x225: {  	(xrf2) =	vadd.scan.msk.f32 $0xffff, v11;
	v11 =	vmul.f32 v9, v12;
	_ =	sdelay $0x1  }
0x226: {  	v11 =	vsub.f32 $1.500000000e+00, v11;
	_ =	sdelay $0x1  }
0x227: {  	v9 =	vmul.f32 v9, v11;
	_ =	sdelay $0x1  }
0x228: {  	v11 =	vmul.f32 v9, v10;
	_ =	sdelay $0x1  }
0x229: {  	v11 =	vmul.f32 v11, v9  }
0x22a: {  	s21 =	simm.s32 $0x20  }
0x22b: {  	v13 =	vld [tilespmem:s21+$0x10120];
	v11 =	vsub.f32 $1.500000000e+00, v11  }
0x22c: {  	v12, _, _ =	vpop (xrf2)  }
0x22d: {  	v12 =	vbroadcast v12, $0xF;
	v9 =	vmul.f32 v11, v9;
	_ =	sdelay $0x1  }
0x22e: {  	v14 =	vshra.s32 v12, $0x1;
	v15 =	vmul.f32 $5.000000000e-01, v12;
	v10 =	vmul.f32 v9, v10  }
0x22f: {  	v16 =	vmul.f32 v13, v13;
	v11 =	vsub.s32 $0x5F3759DF, v14  }
0x230: {  	v14 =	vmul.f32 v11, v15;
	v10 =	vmul.f32 v10, v9;
	_ =	sdelay $0x1  }
0x231: {  	(xrf2) =	vadd.scan.msk.f32 $0xffff, v16;
	v14 =	vmul.f32 v11, v14;
	v10 =	vsub.f32 $1.500000000e+00, v10;
	_ =	sdelay $0x1  }
0x232: {  	v14 =	vsub.f32 $1.500000000e+00, v14;
	v9 =	vmul.f32 v10, v9;
	_ =	sdelay $0x1  }
0x233: {  	v14 =	vmul.f32 v11, v14;
	v8 =	vmul.f32 v9, v8;
	_ =	sdelay $0x1  }
0x234: {  	v10 =	vmul.f32 v14, v15;
	v8 =	vadd.f32 $1.000000010e-10, v8;
	_ =	sdelay $0x1  }
0x235: {  	v9 =	vmul.f32 v10, v14;
	_ =	sdelay $0x1  }
0x236: {  	s22 =	simm.s32 $0x30;
	v9 =	vsub.f32 $1.500000000e+00, v9;
	(erf) = vrcp.f32 v8;
	v8, _, _ =	vpop (xrf2)  }
0x237: {  	v11 =	vld [tilespmem:s22+$0x10120];
	v8 =	vbroadcast v8, $0xF  }
0x238: {  	v9 =	vmul.f32 v9, v14  }
0x239: {  	v10 =	vshra.s32 v8, $0x1;
	v14 =	vmul.f32 $5.000000000e-01, v8  }
0x23a: {  	v15 =	vmul.f32 v9, v15;
	v10 =	vsub.s32 $0x5F3759DF, v10  }
0x23b: {  	v16 =	vmul.f32 v10, v14  }
0x23c: {  	v17 =	vmul.f32 v11, v11;
	v15 =	vmul.f32 v15, v9  }
0x23d: {  	v18 =	vld [tilespmem:s20+$0x11120];
	v16 =	vmul.f32 v10, v16  }
0x23e: {  	(xrf2) =	vadd.scan.msk.f32 $0xffff, v17;
	v15 =	vsub.f32 $1.500000000e+00, v15  }
0x23f: {  	v16 =	vsub.f32 $1.500000000e+00, v16  }
0x240: {  	v17 =	vpop (erf);
	v9 =	vmul.f32 v15, v9  }
0x241: {  	v6 =	vmul.f32 v17, v6;
	v10 =	vmul.f32 v10, v16  }
0x242: {  	v9 =	vmul.f32 v9, v12;
	v12 =	vmul.f32 $5.000000000e-01, v18  }
0x243: {  	v6 =	vmul.f32 $5.000000000e-01, v6;
	v15 =	vmul.f32 v10, v14;
	_ =	sdelay $0x1  }
0x244: {  	v9 =	vadd.f32 $1.000000010e-10, v9;
	v6 =	vadd.f32 v6, v12;
	v12 =	vmul.f32 v15, v10;
	_ =	sdelay $0x1  }
0x245: {  	(erf) = vrcp.f32 v9;
	v9 =	vmul.f32 v6, v6;
	v12 =	vsub.f32 $1.500000000e+00, v12  }
0x246: {  	s23 =	simm.s32 $0x40;
	v15, _, _ =	vpop (xrf2)  }
0x247: {  	(xrf2) =	vadd.scan.msk.f32 $0xffff, v9;
	v9 =	vld [tilespmem:s23+$0x10120];
	v15 =	vbroadcast v15, $0xF;
	v10 =	vmul.f32 v12, v10;
	_ =	sdelay $0x1  }
0x248: {  	v16 =	vshra.s32 v15, $0x1;
	v17 =	vmul.f32 $5.000000000e-01, v15;
	v14 =	vmul.f32 v10, v14  }
0x249: {  	v16 =	vsub.s32 $0x5F3759DF, v16  }
0x24a: {  	v12 =	vld [tilespmem:s19+$0x11120];
	v18 =	vmul.f32 v16, v17;
	v14 =	vmul.f32 v14, v10  }
0x24b: {  	v19 =	vmul.f32 v9, v9  }
0x24c: {  	v18 =	vmul.f32 v16, v18;
	v14 =	vsub.f32 $1.500000000e+00, v14  }
0x24d: {  	v20 =	vpop (erf);
	(xrf2) =	vadd.scan.msk.f32 $0xffff, v19  }
0x24e: {  	v7 =	vmul.f32 v20, v7;
	v18 =	vsub.f32 $1.500000000e+00, v18  }
0x24f: {  	v12 =	vmul.f32 $5.000000000e-01, v12;
	v10 =	vmul.f32 v14, v10  }
0x250: {  	v7 =	vmul.f32 $5.000000000e-01, v7;
	v16 =	vmul.f32 v16, v18;
	v14, _, _ =	vpop (xrf2)  }
0x251: {  	v8 =	vmul.f32 v10, v8;
	v18 =	vbroadcast v14, $0xF  }
0x252: {  	v7 =	vadd.f32 v7, v12;
	v10 =	vmul.f32 v16, v17  }
0x253: {  	v8 =	vadd.f32 $1.000000010e-10, v8;
	v14 =	vshra.s32 v18, $0x1;
	v19 =	vmul.f32 $5.000000000e-01, v18  }
0x254: {  	v12 =	vmul.f32 v7, v7;
	v10 =	vmul.f32 v10, v16;
	v14 =	vsub.s32 $0x5F3759DF, v14  }
0x255: {  	(erf) = vrcp.f32 v8;
	v8 =	vmul.f32 v14, v19  }
0x256: {  	(xrf2) =	vadd.scan.msk.f32 $0xffff, v12;
	v12 =	vld [tilespmem:s21+$0x11120];
	v20 =	vsub.f32 $1.500000000e+00, v10  }
0x257: {  	v21, _, _ =	vpop (xrf2);
	v8 =	vmul.f32 v14, v8  }
0x258: {  	s24 =	simm.s32 $0x50;
	v23 =	vbroadcast v21, $0xF;
	v16 =	vmul.f32 v20, v16  }
0x259: {  	v10 =	vld [tilespmem:s24+$0x10120];
	v8 =	vsub.f32 $1.500000000e+00, v8  }
0x25a: {  	v20 =	vshra.s32 v23, $0x1;
	v21 =	vmul.f32 $5.000000000e-01, v23;
	v17 =	vmul.f32 v16, v17  }
0x25b: {  	v22 =	vmul.f32 $5.000000000e-01, v12;
	v14 =	vmul.f32 v14, v8;
	v8 =	vsub.s32 $0x5F3759DF, v20  }
0x25c: {  	v17 =	vmul.f32 v17, v16;
	v12 =	vmul.f32 v8, v21;
	_ =	sdelay $0x1  }
0x25d: {  	v24 =	vmul.f32 v10, v10;
	v20 =	vmul.f32 v14, v19;
	v25 =	vpop (erf);
	v17 =	vsub.f32 $1.500000000e+00, v17  }
0x25e: {  	v26 =	vmul.f32 v8, v12;
	v13 =	vmul.f32 v25, v13  }
0x25f: {  	v20 =	vmul.f32 v20, v14;
	v16 =	vmul.f32 v17, v16;
	v12, _, _ =	vpop (xrf2)  }
0x260: {  	(xrf2) =	vadd.scan.msk.f32 $0xffff, v24;
	v24 =	vsub.f32 $1.500000000e+00, v26;
	v13 =	vmul.f32 $5.000000000e-01, v13;
	v12 =	vbroadcast v12, $0xF  }
0x261: {  	v17 =	vsub.f32 $1.500000000e+00, v20;
	v15 =	vmul.f32 v16, v15  }
0x262: {  	v24 =	vmul.f32 v8, v24;
	v8 =	vadd.f32 v13, v22;
	v20 =	vshra.s32 v12, $0x1  }
0x263: {  	v25 =	vmul.f32 $5.000000000e-01, v12;
	v13 =	vmul.f32 v17, v14;
	v15 =	vadd.f32 $1.000000010e-10, v15  }
0x264: {  	v16 =	vsub.s32 $0x5F3759DF, v20;
	v14 =	vmul.f32 v24, v21;
	v17 =	vmul.f32 v8, v8  }
0x265: {  	v19 =	vmul.f32 v13, v19;
	v20 =	vmul.f32 v16, v25  }
0x266: {  	(erf) = vrcp.f32 v15;
	v14 =	vmul.f32 v14, v24  }
0x267: {  	(xrf2) =	vadd.scan.msk.f32 $0xffff, v17  }
0x268: {  	v15 =	vmul.f32 v19, v13;
	v17 =	vmul.f32 v16, v20;
	v20 =	vld [tilespmem:s22+$0x11120]  }
0x269: {  	v19 =	vsub.f32 $1.500000000e+00, v14  }
0x26a: {  	v15 =	vsub.f32 $1.500000000e+00, v15;
	v17 =	vsub.f32 $1.500000000e+00, v17;
	v14, _, _ =	vpop (xrf2)  }
0x26b: {  	s28 =	simm.s32 $0x60;
	v19 =	vmul.f32 v19, v24;
	v14 =	vbroadcast v14, $0xF  }
0x26c: {  	v15 =	vmul.f32 v15, v13;
	v17 =	vmul.f32 v16, v17;
	v13 =	vld [tilespmem:s28+$0x10120]  }
0x26d: {  	v21 =	vmul.f32 v19, v21;
	v26 =	vmul.f32 $5.000000000e-01, v20  }
0x26e: {  	v22 =	vshra.s32 v14, $0x1;
	v16 =	vmul.f32 $5.000000000e-01, v14;
	v15 =	vmul.f32 v15, v18  }
0x26f: {  	v18 =	vsub.s32 $0x5F3759DF, v22;
	v22 =	vmul.f32 v17, v25;
	v21 =	vmul.f32 v21, v19;
	v20 =	vpop (erf)  }
0x270: {  	v24 =	vmul.f32 v18, v16;
	v11 =	vmul.f32 v20, v11  }
0x271: {  	v15 =	vadd.f32 $1.000000010e-10, v15;
	v22 =	vmul.f32 v22, v17;
	v20, _, _ =	vpop (xrf2);
	v27 =	vmul.f32 v13, v13  }
0x272: {  	v21 =	vsub.f32 $1.500000000e+00, v21;
	v24 =	vmul.f32 v18, v24;
	v20 =	vbroadcast v20, $0xF  }
0x273: {  	v11 =	vmul.f32 $5.000000000e-01, v11;
	(erf) = vrcp.f32 v15;
	v22 =	vsub.f32 $1.500000000e+00, v22;
	(xrf2) =	vadd.scan.msk.f32 $0xffff, v27  }
0x274: {  	v19 =	vmul.f32 v21, v19;
	v24 =	vsub.f32 $1.500000000e+00, v24  }
0x275: {  	v15 =	vshra.s32 v20, $0x1;
	v11 =	vadd.f32 v11, v26;
	v21 =	vmul.f32 v22, v17  }
0x276: {  	v17 =	vmul.f32 v19, v23;
	v23 =	vsub.s32 $0x5F3759DF, v15;
	v15 =	vld [tilespmem:s23+$0x11120];
	v22 =	vmul.f32 v18, v24  }
0x277: {  	v19 =	vmul.f32 $5.000000000e-01, v20;
	v18 =	vld [tilespmem:s24+$0x11120];
	v24 =	vmul.f32 v21, v25  }
0x278: {  	v29 =	vmul.f32 v11, v11;
	v28 =	vadd.f32 $1.000000010e-10, v17;
	v25 =	vmul.f32 v22, v16  }
0x279: {  	v26 =	vmul.f32 v23, v19;
	v17 =	vld [tilespmem:s28+$0x11120];
	v24 =	vmul.f32 v24, v21  }
0x27a: {  	s26 =	simm.s32 $0x1C0;
	(xrf2) =	vadd.scan.msk.f32 $0xffff, v29;
	(erf) = vrcp.f32 v28;
	v25 =	vmul.f32 v25, v22  }
.LBB2_30:
0x27b: {  	p1 =	sne.s32 s26, $0x3FC0;
	v26 =	vmul.f32 v23, v26;
	v24 =	vsub.f32 $1.500000000e+00, v24;
	s25 =	smov.u32 s26;
	s26 =	sadd.s32 $0x40, s26  }
0x27c: {  	v27 =	vmul.f32 $5.000000000e-01, v15;
	v15 =	vmov v18;
	v25 =	vsub.f32 $1.500000000e+00, v25;
	v28 =	vpop (erf)  }
0x27d: {  	s25 =	sshra.s32 s25, $0x2;
	v18, _, _ =	vpop (xrf2);
	v26 =	vsub.f32 $1.500000000e+00, v26;
	v21 =	vmul.f32 v24, v21;
	v24 =	vmul.f32 v28, v6  }
0x27e: {  	v6 =	vmovc v7;
	v7 =	vmovc v8;
	v28 =	vld [tilespmem:s25+$0x10120];
	v29 =	vbroadcast v18, $0xF;
	v22 =	vmul.f32 v25, v22;
	v18 =	vmov v17  }
0x27f: {  	v8 =	vmovc v11;
	v17 =	vld [tilespmem:s25+$0x11120];
	v23 =	vmul.f32 v23, v26;
	v21 =	vmul.f32 v21, v12;
	[tilespmem:s20+$0x12120] =	vst v24;
	v12 =	vmov v20;
	s20 =	smov.u32 s19;
	s19 =	smov.u32 s21;
	s21 =	smov.u32 s22  }
0x280: {  	s22 =	smov.u32 s23;
	s23 =	smov.u32 s24;
	s24 =	smov.u32 s28;
	v11 =	vshra.s32 v29, $0x1;
	v20 =	vmul.f32 v22, v16;
	v16 =	vmul.f32 $5.000000000e-01, v29  }
0x281: {  	s28 =	smov.u32 s25;
	v11 =	vsub.s32 $0x5F3759DF, v11;
	v24 =	vmul.f32 v23, v19;
	v21 =	vadd.f32 $1.000000010e-10, v21  }
0x282: {  	v25 =	vmul.f32 v11, v16;
	v20 =	vmul.f32 v20, v22  }
0x283: {  	v26 =	vmul.f32 v28, v28;
	v30 =	vpop (erf);
	v24 =	vmul.f32 v24, v23  }
0x284: {  	v25 =	vmul.f32 v11, v25;
	v31 =	vsub.f32 $1.500000000e+00, v20;
	v30 =	vmul.f32 v30, v9;
	v9, _, _ =	vpop (xrf2)  }
0x285: {  	(xrf2) =	vadd.scan.msk.f32 $0xffff, v26;
	v20 =	vbroadcast v9, $0xF;
	v24 =	vsub.f32 $1.500000000e+00, v24;
	(erf) = vrcp.f32 v21;
	v9 =	vmovc v10  }
0x286: {  	v10 =	vmovc v13;
	v13 =	vmovc v28;
	v25 =	vsub.f32 $1.500000000e+00, v25;
	v26 =	vmul.f32 v31, v22;
	v30 =	vmul.f32 $5.000000000e-01, v30  }
0x287: {  	v28 =	vshra.s32 v20, $0x1;
	v31 =	vmul.f32 $5.000000000e-01, v20;
	v21 =	vmul.f32 v24, v23  }
.Ltmp21:
0x288: {  	v22 =	vmul.f32 v11, v25;
	v24 =	vmul.f32 v26, v14;
	v11 =	vadd.f32 v30, v27;
	v14 =	vmovc v29;
	(pc) =	sbr.rel @p1 .LBB2_30-.Ltmp21, $4  }
0x289: {  	v23 =	vsub.s32 $0x5F3759DF, v28;
	v25 =	vmul.f32 v21, v19;
	v19 =	vmov v31  }
0x28a: {  	v27 =	vmul.f32 v22, v16;
	v28 =	vadd.f32 $1.000000010e-10, v24;
	v29 =	vmul.f32 v11, v11  }
0x28b: {  	v26 =	vmul.f32 v23, v19;
	v24 =	vmul.f32 v25, v21  }
0x28c: {  	v25 =	vmul.f32 v27, v22;
	(erf) = vrcp.f32 v28;
	(xrf2) =	vadd.scan.msk.f32 $0xffff, v29  }
0x28d: {  	_ =	sdelay $0x1  }
0x28e: {  	v27, _, _ =	vpop (xrf2)  }
0x28f: {  	v27 =	vbroadcast v27, $0xF;
	_ =	sdelay $0x1  }
0x290: {  	v28 =	vshra.s32 v27, $0x1;
	v29 =	vmul.f32 $5.000000000e-01, v27  }
0x291: {  	v28 =	vsub.s32 $0x5F3759DF, v28  }
0x292: {  	v30 =	vmul.f32 v28, v29  }
0x293: {  	v26 =	vmul.f32 v23, v26  }
0x294: {  	v30 =	vmul.f32 v28, v30  }
0x295: {  	v26 =	vsub.f32 $1.500000000e+00, v26  }
0x296: {  	v30 =	vsub.f32 $1.500000000e+00, v30  }
0x297: {  	v45 =	vmul.f32 v23, v26  }
0x298: {  	v46 =	vmul.f32 v28, v30  }
0x299: {  	v47 =	vmul.f32 v45, v19  }
0x29a: {  	v30 =	vmul.f32 v46, v29  }
0x29b: {  	v28 =	vmul.f32 v47, v45  }
0x29c: {  	v25 =	vsub.f32 $1.500000000e+00, v25;
	v30 =	vmul.f32 v30, v46  }
0x29d: {  	v28 =	vsub.f32 $1.500000000e+00, v28  }
0x29e: {  	v22 =	vmul.f32 v25, v22;
	v48 =	vsub.f32 $1.500000000e+00, v30  }
0x29f: {  	v23 =	vmul.f32 v28, v45  }
0x2a0: {  	v16 =	vmul.f32 v22, v16;
	v25 =	vmul.f32 v48, v46  }
0x2a1: {  	v49 =	vmul.f32 v23, v19  }
0x2a2: {  	v16 =	vmul.f32 v16, v22;
	v26 =	vmul.f32 v25, v29  }
0x2a3: {  	v24 =	vsub.f32 $1.500000000e+00, v24;
	v19 =	vmul.f32 v49, v23  }
0x2a4: {  	v16 =	vsub.f32 $1.500000000e+00, v16;
	v26 =	vmul.f32 v26, v25  }
0x2a5: {  	v21 =	vmul.f32 v24, v21;
	v19 =	vsub.f32 $1.500000000e+00, v19  }
0x2a6: {  	v16 =	vmul.f32 v16, v22;
	v50 =	vsub.f32 $1.500000000e+00, v26  }
0x2a7: {  	v12 =	vmul.f32 v21, v12;
	v19 =	vmul.f32 v19, v23  }
0x2a8: {  	v14 =	vmul.f32 v16, v14;
	v51 =	vmul.f32 v50, v25  }
0x2a9: {  	v12 =	vadd.f32 $1.000000010e-10, v12;
	v19 =	vmul.f32 v19, v20  }
0x2aa: {  	v14 =	vadd.f32 $1.000000010e-10, v14;
	v16 =	vmul.f32 v51, v27  }
0x2ab: {  	(erf) = vrcp.f32 v12;
	v52 =	vadd.f32 $1.000000010e-10, v19  }
0x2ac: {  	(erf) = vrcp.f32 v14;
	v53 =	vadd.f32 $1.000000010e-10, v16  }
0x2ad: {  	(erf) = vrcp.f32 v52  }
0x2ae: {  	(erf) = vrcp.f32 v53;
	_ =	sdelay $0x3  }
0x2af: {  	v12 =	vpop (erf)  }
0x2b0: {  	v54 =	vpop (erf)  }
0x2b1: {  	v16 =	vpop (erf)  }
0x2b2: {  	v9 =	vmul.f32 v54, v9;
	v55 =	vpop (erf)  }
0x2b3: {  	v15 =	vmul.f32 $5.000000000e-01, v15;
	v19 =	vpop (erf)  }
0x2b4: {  	v9 =	vmul.f32 $5.000000000e-01, v9;
	v10 =	vmul.f32 v55, v10;
	v56 =	vpop (erf)  }
0x2b5: {  	v13 =	vmul.f32 v56, v13  }
0x2b6: {  	v57 =	vmul.f32 $5.000000000e-01, v18;
	v9 =	vadd.f32 v9, v15;
	v10 =	vmul.f32 $5.000000000e-01, v10  }
0x2b7: {  	v58 =	vmul.f32 $5.000000000e-01, v17;
	v13 =	vmul.f32 $5.000000000e-01, v13  }
0x2b8: {  	v59 =	vmul.f32 v9, v9;
	v10 =	vadd.f32 v10, v57  }
0x2b9: {  	v13 =	vadd.f32 v13, v58  }
0x2ba: {  	(xrf2) =	vadd.scan.msk.f32 $0xffff, v59;
	v14 =	vmul.f32 v10, v10  }
0x2bb: {  	v15 =	vmul.f32 v13, v13  }
0x2bc: {  	(xrf2) =	vadd.scan.msk.f32 $0xffff, v14  }
0x2bd: {  	(xrf2) =	vadd.scan.msk.f32 $0xffff, v15;
	_ =	sdelay $0x4  }
0x2be: {  	v60, _, _ =	vpop (xrf2)  }
0x2bf: {  	v14 =	vbroadcast v60, $0xF  }
0x2c0: {  	v61, _, _ =	vpop (xrf2)  }
0x2c1: {  	v62 =	vshra.s32 v14, $0x1;
	v15 =	vbroadcast v61, $0xF  }
0x2c2: {  	v63 =	vmul.f32 $5.000000000e-01, v14;
	v17 =	vsub.s32 $0x5F3759DF, v62;
	v32, _, _ =	vpop (xrf2)  }
0x2c3: {  	v33 =	vshra.s32 v15, $0x1;
	v34 =	vmul.f32 $5.000000000e-01, v15;
	v20 =	vbroadcast v32, $0xF;
	v35, _, _ =	vpop (xrf2)  }
0x2c4: {  	v36 =	vmul.f32 v17, v63;
	v21 =	vsub.s32 $0x5F3759DF, v33;
	v23 =	vbroadcast v35, $0xF  }
0x2c5: {  	v37 =	vmul.f32 v21, v34;
	v38 =	vshra.s32 v20, $0x1;
	v39 =	vmul.f32 $5.000000000e-01, v20  }
0x2c6: {  	v26 =	vsub.s32 $0x5F3759DF, v38;
	v40 =	vshra.s32 v23, $0x1;
	v41 =	vmul.f32 $5.000000000e-01, v23  }
0x2c7: {  	v24 =	vmul.f32 v17, v36;
	v42 =	vmul.f32 v26, v39;
	v28 =	vsub.s32 $0x5F3759DF, v40  }
0x2c8: {  	v25 =	vmul.f32 v21, v37;
	v31 =	vmul.f32 v28, v41  }
0x2c9: {  	v24 =	vsub.f32 $1.500000000e+00, v24;
	v30 =	vmul.f32 v26, v42  }
0x2ca: {  	v25 =	vsub.f32 $1.500000000e+00, v25;
	v31 =	vmul.f32 v28, v31  }
0x2cb: {  	v17 =	vmul.f32 v17, v24;
	v43 =	vsub.f32 $1.500000000e+00, v30  }
0x2cc: {  	v21 =	vmul.f32 v21, v25;
	v44 =	vsub.f32 $1.500000000e+00, v31  }
0x2cd: {  	v45 =	vmul.f32 v17, v63;
	v24 =	vmul.f32 v26, v43  }
0x2ce: {  	v46 =	vmul.f32 v21, v34;
	v25 =	vmul.f32 v28, v44  }
0x2cf: {  	v47 =	vmul.f32 v45, v17;
	v48 =	vmul.f32 v24, v39  }
0x2d0: {  	v26 =	vmul.f32 v46, v21;
	v49 =	vmul.f32 v25, v41  }
0x2d1: {  	v30 =	vmul.f32 v48, v24;
	v28 =	vsub.f32 $1.500000000e+00, v47  }
0x2d2: {  	v26 =	vsub.f32 $1.500000000e+00, v26;
	v31 =	vmul.f32 v49, v25  }
0x2d3: {  	v50 =	vsub.f32 $1.500000000e+00, v30;
	v17 =	vmul.f32 v28, v17  }
0x2d4: {  	v21 =	vmul.f32 v26, v21;
	v51 =	vsub.f32 $1.500000000e+00, v31  }
0x2d5: {  	v24 =	vmul.f32 v50, v24;
	v18 =	vmul.f32 v17, v63  }
0x2d6: {  	v22 =	vmul.f32 v21, v34;
	v25 =	vmul.f32 v51, v25  }
0x2d7: {  	v52 =	vmul.f32 v24, v39;
	v18 =	vmul.f32 v18, v17  }
0x2d8: {  	v22 =	vmul.f32 v22, v21;
	v53 =	vmul.f32 v25, v41  }
0x2d9: {  	v26 =	vmul.f32 v52, v24;
	v18 =	vsub.f32 $1.500000000e+00, v18  }
0x2da: {  	v22 =	vsub.f32 $1.500000000e+00, v22;
	v27 =	vmul.f32 v53, v25  }
0x2db: {  	v54 =	vsub.f32 $1.500000000e+00, v26;
	v17 =	vmul.f32 v18, v17  }
0x2dc: {  	v21 =	vmul.f32 v22, v21;
	v55 =	vsub.f32 $1.500000000e+00, v27  }
0x2dd: {  	v56 =	vmul.f32 v54, v24;
	v14 =	vmul.f32 v17, v14  }
0x2de: {  	v15 =	vmul.f32 v21, v15;
	v57 =	vmul.f32 v55, v25  }
0x2df: {  	v17 =	vmul.f32 v56, v20;
	v14 =	vadd.f32 $1.000000010e-10, v14  }
0x2e0: {  	v15 =	vadd.f32 $1.000000010e-10, v15;
	v18 =	vmul.f32 v57, v23  }
0x2e1: {  	v58 =	vadd.f32 $1.000000010e-10, v17;
	(erf) = vrcp.f32 v14  }
0x2e2: {  	(erf) = vrcp.f32 v15;
	v59 =	vadd.f32 $1.000000010e-10, v18  }
0x2e3: {  	(erf) = vrcp.f32 v58  }
0x2e4: {  	(erf) = vrcp.f32 v59;
	_ =	sdelay $0x3  }
0x2e5: {  	v6 =	vmul.f32 v12, v6  }
0x2e6: {  	v7 =	vmul.f32 v16, v7  }
0x2e7: {  	[tilespmem:s20+$0x12120] =	vst v6;
	v6 =	vmul.f32 v19, v8;
	v60 =	vpop (erf)  }
0x2e8: {  	[tilespmem:s19+$0x12120] =	vst v7;
	v61 =	vpop (erf);
	v7 =	vmul.f32 v60, v11  }
0x2e9: {  	[tilespmem:s21+$0x12120] =	vst v6;
	v6 =	vmul.f32 v61, v9;
	v62 =	vpop (erf)  }
0x2ea: {  	[tilespmem:s22+$0x12120] =	vst v7;
	v7 =	vmul.f32 v62, v10;
	v63 =	vpop (erf)  }
0x2eb: {  	[tilespmem:s23+$0x12120] =	vst v6;
	v6 =	vmul.f32 v63, v13  }
0x2ec: {  	s18 =	sadd.s32 $0x1, s18;
	[tilespmem:s24+$0x12120] =	vst v7  }
0x2ed: {  	p1 =	sne.s32 s18, s17;
	[tilespmem:s28+$0x12120] =	vst v6  }
0x2ee: {  	[hbm4b:s6+s8] =	stream.indirect.scatter [tilespmem:s14], [sflag:$0x7], $0x10, s10, s8, $0x2000b8;
	[tilespmem:$0x1EB20] =	vst v63  }
.Ltmp22:
0x2ef: {  	_ = 	snop;
	(pc) =	sbr.rel @p1 .LBB2_29-.Ltmp22, $4  }
.Ltmp23:
0x2f0: {  	_ = 	snop;
	(pc) =	sbr.rel @!p1 .LBB2_32-.Ltmp23, $4  }
0x2f1: {  	_ =	swait.ge [sflag:s15], $0x1000  }
0x2f2: {  	[sflag:s15] =	ssyncset.done $0x0  }
0x2f3: {  	[sflag:s15] =	ssyncadd.s32 $0xFFFFF000  }
0x2f4: {  	_ = 	snop  }
.LBB2_23:
.Ltmp24:
0x2f5: {  	(pc) =	sbr.rel .LBB2_27-.Ltmp24, $2  }
0x2f6: {  	_ =	sdelay $0x2  }
0x2f7: {  	s21 =	smov.u32 s20  }
.LBB2_25:
.Ltmp25:
0x2f8: {  	(pc) =	sbr.rel .LBB2_27-.Ltmp25, $2  }
0x2f9: {  	_ =	sdelay $0x2  }
0x2fa: {  	s21 =	smov.u32 s20  }
.LBB2_33:
0x2fb: {  	_ =	sfence.sel $0x180000  }
0x2fc: {  	[bflag:$0x0] =	sbarrier.arrive $0xFFFF  }
0x2fd: {  	_ =	strace $0x90000047  }
0x2fe: {  	s0 =	stileid.u32;
	[bflag:$0x2] =	sbarrier.arrive $0xFFFF  }
0x2ff: {  	p0 =	sne.s32 s0, $0x0;
	s0 =	rddreg [dreg:$0x3]  }
0x300: {  	s0 =	sadd.s32 @!p0 $0x100000, s0  }
0x301: {  	[sflag:s0] =	ssyncadd.tile.s32 @!p0 $0x1;
	_ =	shalt  }
.Lfunc_end2:
_tile_overlayer_lowered:
.L_overlay_start_2:
0x302: {  	(tag) =	ssettag $0x2  }
0x303: {  	s0 =	rddreg [dreg:$0x0];
	s2 =	stileid.u32  }
0x304: {  	s1 =	rddreg [dreg:$0x1];
	p0 =	sne.s32 s2, $0x0  }
0x305: {  	s3 =	rddreg [dreg:$0x2];
	[bflag:$0x3] =	sbarrier.arrive $0xFFFF;
	s2 =	simm.s32 @!p0 $0x1C08  }
0x306: {  	[timem:s3], [sflag:s2] =	dma.local @!p0 [hbm:s0], s1  }
0x307: {  	s0 =	simm.s32 @!p0 $0x8  }
0x308: {  	_ =	swait.ge @!p0 [sflag:s0], s1  }
0x309: {  	s1 =	ssub.s32 @!p0 $0x0, s1;
	[sflag:s0] =	ssyncset.done @!p0 $0x0  }
0x30a: {  	[sflag:s0] =	ssyncadd.s32 @!p0 s1  }
0x30b: {  	[bflag:$0x3] =	sbarrier.arrive $0xFFFF  }
0x30c: {  	_ =	shalt  }

// kernel: sparse-core-data-format-call.cloned.1.call-start
scs
called_computation_lowered:
.L_overlay_start_0:
0x0: {  	s2 =	sld [smem:$0x3FD9]  }
0x1: {  	s3 =	sld [smem:$0x3FFE];
	_ =	sdelay $0x1  }
0x2: {  	s1 =	srdreg.scid  }
0x3: {  	s0 =	sand.u32 $0x1, s1  }
0x4: {  	s18 =	sshll.u32 s0, $0xA;
	s2 =	sadd.s32 s3, s2  }
0x5: {  	s2 =	sadd.s32 s2, s18  }
0x6: {  	[smem:$0x3FC5] =	sst s2  }
0x7: {  	_ = 	snop  }
0x8: {  	s2 =	sld [smem:$0x3FD0];
	(tm) =	ssettm $0x1  }
0x9: {  	s19 =	sld [smem:$0x3FFB];
	_ =	sdelay $0x3  }
0xa: {  	_ =	strace s19  }
0xb: {  	s3 =	sld [smem:$0x3FFC];
	_ =	sdelay $0x3  }
0xc: {  	_ =	strace s3  }
0xd: {  	s3 =	sld [smem:$0x3FFD];
	_ =	sdelay $0x3  }
0xe: {  	_ =	strace s3  }
0xf: {  	_ =	strace $0x8FFFFFFF  }
0x10: {  	s20 =	sld [smem:$0x3FDB];
	_ =	sdelay $0x1  }
0x11: {  	s4 =	simm.s32 $_scs_section_size  }
0x12: {  	s5 =	simm.s32 $_size__tile_overlayer_lowered;
	s6 =	simm.s32 $_tile_overlayer_lowered  }
0x13: {  	s23 =	simm.s32 $0x1BFF;
	s22 =	sshll.u32 s6, $0x1;
	s3 =	sadd.s32 s4, s20  }
0x14: {  	s7 =	simm.s32 $0x0;
	s21 =	sshll.u32 s5, $0x1;
	s5 =	sadd.s32 s22, s3  }
0x15: {  	[timem:s7], [sflag:s23] =	dma.local [hbm:s5], s21  }
0x16: {  	_ =	swait.ge [sflag:s23], s21  }
0x17: {  	s4 =	ssub.s32 $0x0, s21;
	[sflag:s23] =	ssyncset.done $0x0  }
0x18: {  	[sflag:s23] =	ssyncadd.s32 s4;
	_ =	sdelay $0x1  }
0x19: {  	s24 =	simm.s32 $0x1B8B  }
0x1a: {  	_ =	swait.ge [sflag:s24], $0x1  }
0x1b: {  	[sflag:s24] =	ssyncset.done $0x0  }
0x1c: {  	s26 =	simm.s32 $0x1B8E;
	s25 =	sld [smem:$0x3FFE];
	[sflag:s24] =	ssyncadd.s32 $0xFFFFFFFF  }
0x1d: {  	s27 =	simm.s32 $execute0_lowered;
	[smem:$0x3FD2] =	sst s26  }
0x1e: {  	s5 =	sshll.u32 s27, $0x1;
	_ =	strace $0x8000004E;
	[dreg:$0x1] =	wrdreg $0xFFFFFFFF  }
0x1f: {  	s28 =	simm.s32 $_size_execute0_lowered;
	s3 =	sadd.s32 s3, s5;
	[dreg:$0x0] =	wrdreg $0x0  }
0x20: {  	s5 =	sshll.u32 s28, $0x1;
	[dreg:$0x2] =	wrdreg s3  }
0x21: {  	[dreg:$0x3] =	wrdreg s5  }
0x22: {  	[dreg:$0x4] =	wrdreg $0xC0  }
0x23: {  	_ =	task [dreg:s7], $0x5FFFF  }
0x24: {  	[dreg:$0x1] =	wrdreg $0xFFFFFFFF  }
0x25: {  	[dreg:$0x0] =	wrdreg $0x60  }
0x26: {  	[dreg:$0x2] =	wrdreg s25  }
0x27: {  	[dreg:$0x3] =	wrdreg s2  }
0x28: {  	[dreg:$0x4] =	wrdreg $0x9  }
0x29: {  	_ =	task.clear_ibuf [dreg:s7], $0x5FFFF;
	_ =	strace $0x9000004E  }
0x2a: {  	s29 =	simm.s32 $0x9;
	_ =	strace $0x80000050  }
0x2b: {  	_ =	swait.ge [sflag:s29], $0x1  }
0x2c: {  	[sflag:s29] =	ssyncadd.s32 $0xFFFFFFFF  }
0x2d: {  	_ =	strace $0x90000050  }
0x2e: {  	_ =	sfence  }
0x2f: {  	s30 =	sld [smem:$0x0];
	_ =	sdelay $0x2  }
0x30: {  	s31 =	sshll.u32 s1, $0xD;
	s1 =	sshrl.u32 s1, $0x2  }
0x31: {  	s3 =	sand.u32 $0x4000, s31;
	s1 =	sadd.s32 s1, s30  }
0x32: {  	s0 =	sor.u32 s3, s0;
	s1 =	sshll.u32 s1, $0x11  }
0x33: {  	s0 =	sor.u32 s1, s0  }
0x34: {  	s0 =	sadd.s32 $0x8F2B, s0  }
0x35: {  	[sflag:s0] =	ssyncadd.remote.s32 $0x1  }
0x36: {  	_ =	sfence.sel $0xFFFF  }
0x37: {  	[dreg:$0x0] =	wrdreg $0xFFFFFFFF;
	(pc) =	sbr.abs _section_cstart, $3  }
0x38: {  	[dreg:$0x1] =	wrdreg $0xFFFFFFFF  }
0x39: {  	_ =	task.clear_ibuf [dreg:s7], $0x2FFFF;
	_ =	strace $0x9FFFFFFF  }
0x3a: {  	(tm) =	ssettm $0x7FFFFFFF  }
0x3b: {  	_ =	shalt  }
tec
execute0_lowered:
.L_overlay_start_1:
0x0: {  	(tag) =	ssettag $0x1  }
0x1: {  	s4 =	rddreg [dreg:$0x0]  }
0x2: {  	s0 =	srdreg.scid;
	s2 =	rddreg [dreg:$0x1]  }
0x3: {  	s1 =	stileid.u32;
	s5 =	simm.s32 $0x1;
	s0 =	sshll.u32 s0, $0x4  }
0x4: {  	s7 =	simm.s32 $0x2;
	s11 =	simm.s32 $0x0;
	s3 =	sand.u32 $0x10, s0  }
.Ltmp0:
0x5: {  	p0 =	por $0x0, $0x0;
	s3 =	sor.u32 s1, s3;
	(pc) =	sbr.rel .LBB1_1-.Ltmp0, $4  }
0x6: {  	s8 =	simm.s32 $0x7A1400;
	s10 =	simm.s32 $0x0;
	s3 =	sshll.u32 s3, $0x7  }
0x7: {  	s0 =	rddreg [dreg:$0x2];
	_ =	strace $0x8000004F;
	s6 =	ssub.s32 $0xF4200, s3  }
0x8: {  	s4 =	sadd.s32 $0x1F1000, s4;
	[sflag:s5] =	ssyncpa.u1 $0x0;
	s6 =	sshrl.u32 s6, $0xC  }
0x9: {  	[sflag:s7] =	ssyncpa.u1 $0x0;
	s9 =	smov.u32 s3;
	s7 =	sadd.s32 $0x2, s6  }
.LBB1_5:
0xa: {  	s13 =	sadd.s32 $0x1000, s9  }
0xb: {  	p2 =	sgt.s32 s13, $0xF423F  }
0xc: {  	s13 =	smov.u32 @p2 s3;
	p2 =	sne.s32 s10, s7  }
.Ltmp1:
0xd: {  	p1 =	slt.u32 s10, $0x2;
	(pc) =	sbr.rel @!p2 .LBB1_6-.Ltmp1, $4  }
0xe: {  	s12 =	simm.s32 @!p1 $0x2  }
0xf: {  	s14 =	sadd.s32 $0x1, s10;
	_ =	swait.ge @!p1 [sflag:s12], $0x800  }
0x10: {  	s11 =	smov.u32 s9;
	p0 =	por !p0, !p0;
	[sflag:s12] =	ssyncset.done @!p1 $0x0  }
0x11: {  	s10 =	smov.u32 s14;
	s9 =	smov.u32 s13;
	[sflag:s12] =	ssyncadd.s32 @!p1 $0xFFFFF800  }
.LBB1_1:
0x12: {  	p1 =	sgt.u32 s10, s6  }
0x13: {  	s13 =	smov.u32 s9;
	p2 =	sgt.s32 @!p1 s9, $0xF41C0  }
0x14: {  	s12 =	sand.u32 @!p1 $0x1FFFFFF, s9;
	s14 =	sshra.s32 @!p1 s9, $0x1F;
	p2 =	por !p2, p1  }
0x15: {  	s15 =	smulhi.u32 @!p1 $0x218DEF5, s12;
	s14 =	sand.u32 @!p1 s14, s9;
	s13 =	simm.s32 @p2 $0xF41C0  }
0x16: {  	s13 =	ssub.s32 @!p1 s13, s14  }
0x17: {  	s14 =	sshrl.u32 @!p1 s15, $0xD;
	s13 =	sadd.s32 @!p1 $0xFFF0BE40, s13  }
0x18: {  	s15 =	sxor.u32 @!p1 $0xFFFFFFFF, s10;
	s14 =	smul.u32 @!p1 $0xF4240, s14;
	s16 =	sshll.u32 @!p1 s13, $0x6  }
0x19: {  	s15 =	sshll.u32 @!p1 s15, $0xB;
	p2 =	sgt.s32 @!p1 s13, $0x7F;
	s13 =	ssub.s32 @!p1 $0x2000, s16  }
0x1a: {  	s12 =	ssub.s32 @!p1 s12, s14;
	p2 =	por !p2, p1;
	s14 =	sand.u32 @!p1 $0x800, s15  }
0x1b: {  	s15 =	simm.s32 @!p1 $0x10;
	s13 =	sshrl.u32 @!p1 s13, $0x2;
	s12 =	sshll.u32 @!p1 s12, $0x4  }
0x1c: {  	s16 =	simm.s32 @!p1 $0x80;
	s13 =	simm.s32 @!p2 $0x0;
	s12 =	sadd.s32 @!p1 s4, s12  }
0x1d: {  	[tilespmem:s14], [sflag:$0x1] =	stream.strided.gather @!p1 [hbm4b:s12+s15], s13, s16, s15, $0x38;
	[tilespmem:$0x2020] =	vst v63  }
0x1e: {  	p1 =	seq.s32 s10, $0x0  }
0x1f: {  	p2 =	sge.u32 @!p1 s10, s7  }
0x20: {  	p1 =	por p1, p2  }
.Ltmp2:
0x21: {  	_ = 	snop;
	(pc) =	sbr.rel @p1 .LBB1_5-.Ltmp2, $1  }
0x22: {  	_ =	sdelay $0x3  }
0x23: {  	p1 =	sgt.s32 s11, $0xF41C0;
	s12 =	smov.u32 s11;
	s13 =	sshra.s32 s11, $0x1F  }
0x24: {  	s12 =	simm.s32 @!p1 $0xF41C0;
	s13 =	sand.u32 s13, s11  }
0x25: {  	s12 =	ssub.s32 s12, s13  }
0x26: {  	s12 =	sadd.s32 $0xFFF0BE40, s12  }
0x27: {  	s29 =	sshll.u32 s12, $0x6  }
0x28: {  	s13 =	ssub.s32 $0x2000, s29  }
0x29: {  	p1 =	sgt.s32 s12, $0x7F;
	s12 =	sshrl.u32 s13, $0x2  }
0x2a: {  	s13 =	simm.s32 $0x1;
	s12 =	simm.s32 @p1 $0x0  }
0x2b: {  	s13 =	simm.s32 @!p0 $0x0;
	_ =	swait.ge [sflag:s5], s12  }
0x2c: {  	s14 =	sshll.u32 s13, $0xB;
	s12 =	ssub.s32 $0x0, s12;
	[sflag:s5] =	ssyncset.done $0x0  }
0x2d: {  	s15 =	sor.u32 $0x40, s14;
	[sflag:s5] =	ssyncadd.s32 s12  }
0x2e: {  	v1 =	vld [tilespmem:s15+$0x30]  }
0x2f: {  	s30 =	smul.u32 $0x2040, s13;
	v4 =	vld [tilespmem:s15+$0xFFFFFFD0]  }
0x30: {  	v5 =	vld [tilespmem:s15+$0xFFFFFFE0]  }
0x31: {  	s31 =	sand.u32 $0x1, s10;
	s12 =	sshrl.u32 s30, $0x2;
	v2 =	vld [tilespmem:s15+$0xFFFFFFF0]  }
0x32: {  	s13 =	smul.u32 $0x2040, s31;
	s12 =	sor.u32 $0x1007, s12;
	v3 =	vld [tilespmem:s15+$0x0]  }
0x33: {  	v0 =	vld [tilespmem:s15+$0x10];
	[tilespmem:s12+$0x0 ss:$0x81] =	vst.msk $0xffff, v1  }
0x34: {  	s13 =	sshrl.u32 s13, $0x2;
	[tilespmem:s12+$0xFFFFFFFA ss:$0x81] =	vst.msk $0xffff, v4;
	v4 =	vld [tilespmem:s15+$0x20]  }
0x35: {  	s14 =	simm.s32 $0x0;
	s13 =	sor.u32 $0x1000, s13;
	v1 =	vld [tilespmem:s15+$0xFFFFFFC0];
	[tilespmem:s12+$0xFFFFFFFB ss:$0x81] =	vst.msk $0xffff, v5;
	s15 =	sadd.s32 $0x80, s15  }
.LBB1_3:
0x36: {  	v5 =	vld [tilespmem:s15+$0x30];
	s14 =	sadd.s32 $0x8, s14;
	[tilespmem:s12+$0xFFFFFFFC ss:$0x81] =	vst.msk $0xffff, v2  }
0x37: {  	v6 =	vld [tilespmem:s15+$0xFFFFFFD0];
	p1 =	slt.u32 s14, $0x78;
	[tilespmem:s12+$0xFFFFFFFD ss:$0x81] =	vst.msk $0xffff, v3  }
0x38: {  	v7 =	vld [tilespmem:s15+$0xFFFFFFE0];
	[tilespmem:s12+$0xFFFFFFFE ss:$0x81] =	vst.msk $0xffff, v0  }
.Ltmp3:
0x39: {  	v2 =	vld [tilespmem:s15+$0xFFFFFFF0];
	[tilespmem:s12+$0xFFFFFFFF ss:$0x81] =	vst.msk $0xffff, v4;
	(pc) =	sbr.rel @p1 .LBB1_3-.Ltmp3, $4  }
0x3a: {  	v3 =	vld [tilespmem:s15+$0x0];
	[tilespmem:s12+$0xFFFFFFF9 ss:$0x81] =	vst.msk $0xffff, v1;
	s12 =	sadd.s32 $0x8, s12  }
0x3b: {  	v0 =	vld [tilespmem:s15+$0x10];
	[tilespmem:s12+$0x0 ss:$0x81] =	vst.msk $0xffff, v5  }
0x3c: {  	[tilespmem:s12+$0xFFFFFFFA ss:$0x81] =	vst.msk $0xffff, v6;
	v4 =	vld [tilespmem:s15+$0x20]  }
0x3d: {  	v1 =	vld [tilespmem:s15+$0xFFFFFFC0];
	[tilespmem:s12+$0xFFFFFFFB ss:$0x81] =	vst.msk $0xffff, v7;
	s15 =	sadd.s32 $0x80, s15  }
0x3e: {  	s14 =	sshll.u32 s11, $0x3  }
0x3f: {  	s30 =	sand.u32 $0x7F, s11;
	s14 =	sand.u32 $0xFFFFFC00, s14  }
0x40: {  	s11 =	sor.u32 s30, s14  }
0x41: {  	s15 =	smulhi.u32 $0x218D6287, s11;
	_ =	sdelay $0x1  }
0x42: {  	s14 =	smulhi.u32 $0x218D6287, s14;
	s15 =	sshrl.u32 s15, $0x11  }
0x43: {  	s15 =	smul.u32 $0xF4280, s15  }
0x44: {  	[tilespmem:s12+$0xFFFFFFFC ss:$0x81] =	vst.msk $0xffff, v2;
	s14 =	sshrl.u32 s14, $0x11  }
.Ltmp4:
0x45: {  	[tilespmem:s12+$0xFFFFFFFD ss:$0x81] =	vst.msk $0xffff, v3;
	s14 =	sand.u32 $0xF, s14;
	s11 =	ssub.s32 s11, s15;
	(pc) =	sbr.rel .LBB1_5-.Ltmp4, $4  }
0x46: {  	[tilespmem:s12+$0xFFFFFFFE ss:$0x81] =	vst.msk $0xffff, v0;
	s14 =	smul.u32 $0x1E850, s14;
	s15 =	sshrl.u32 s11, $0x3;
	s11 =	sand.u32 $0x7, s11  }
0x47: {  	[tilespmem:s12+$0xFFFFFFFF ss:$0x81] =	vst.msk $0xffff, v4;
	s15 =	sadd.s32 s2, s15;
	s11 =	sshll.u32 s11, $0x12  }
0x48: {  	[tilespmem:s12+$0xFFFFFFF9 ss:$0x81] =	vst.msk $0xffff, v1;
	s31 =	sadd.s32 s14, s15;
	s11 =	sor.u32 $0x400, s11  }
0x49: {  	[hbm4b:s31+s11] =	stream.strided.scatter [tilespmem:s13], [sflag:$0x2], $0x800, s8, s11, $0x20;
	[tilespmem:$0x2020] =	vst v63  }
.LBB1_6:
0x4a: {  	_ =	sfence.sel $0x180000  }
0x4b: {  	s2 =	simm.s32 $0x1;
	[bflag:$0x0] =	sbarrier.arrive $0xFFFF  }
0x4c: {  	s31 =	simm.s32 $0x2;
	[sflag:s2] =	ssyncpa.u1 $0x1  }
0x4d: {  	[sflag:s31] =	ssyncpa.u1 $0x1  }
0x4e: {  	p0 =	sne.s32 s1, $0x0;
	_ =	strace $0x9000004F  }
0x4f: {  	s0 =	sadd.s32 @!p0 $0x100000, s0;
	[bflag:$0x2] =	sbarrier.arrive $0xFFFF  }
0x50: {  	[sflag:s0] =	ssyncadd.tile.s32 @!p0 $0x1;
	_ =	shalt  }
.Lfunc_end1:
_tile_overlayer_lowered:
.L_overlay_start_2:
0x51: {  	(tag) =	ssettag $0x2  }
0x52: {  	s0 =	rddreg [dreg:$0x0];
	s2 =	stileid.u32  }
0x53: {  	s1 =	rddreg [dreg:$0x1];
	p0 =	sne.s32 s2, $0x0  }
0x54: {  	s3 =	rddreg [dreg:$0x2];
	[bflag:$0x3] =	sbarrier.arrive $0xFFFF;
	s2 =	simm.s32 @!p0 $0x1C01  }
0x55: {  	[timem:s3], [sflag:s2] =	dma.local @!p0 [hbm:s0], s1  }
0x56: {  	s0 =	simm.s32 @!p0 $0x1  }
0x57: {  	_ =	swait.ge @!p0 [sflag:s0], s1  }
0x58: {  	s1 =	ssub.s32 @!p0 $0x0, s1;
	[sflag:s0] =	ssyncset.done @!p0 $0x0  }
0x59: {  	[sflag:s0] =	ssyncadd.s32 @!p0 s1  }
0x5a: {  	[bflag:$0x3] =	sbarrier.arrive $0xFFFF  }
0x5b: {  	_ =	shalt  }

</sc_bundles>
